<compile_context>
chip_gen: v7x
topology: tpu7x:2x2x1
jax: 0.10.2.dev20260603
libtpu: 0.0.44.dev20260713+nightly
codegen_flags: <defaults>
</compile_context>

<pallas_src>
import functools

import jax
import jax.numpy as jnp
from jax import lax
from jax.experimental import pallas as pl
from jax.experimental.pallas import tpu as pltpu
from jax.experimental.pallas import tpu_sc as plsc

VOCAB = 32768
D = 64
LANES = 128
NS = 200
ST = NS // 8
BT = 32
DT = D // 8
SKEW = 136
NBUF = 5


def _make_kernel():
    mesh = plsc.VectorSubcoreMesh(core_axis_name="c", subcore_axis_name="s")

    @functools.partial(
        pl.kernel,
        mesh=mesh,
        out_type=jax.ShapeDtypeStruct((NS, DT, BT, 8, LANES), jnp.float32),
        scratch_types=[
            pltpu.VMEM((ST, 8, LANES), jnp.int32),
            pltpu.VMEM((NBUF, LANES, D), jnp.float32),
            pltpu.VMEM((NBUF, DT, 8, SKEW), jnp.float32),
        ]
        + [pltpu.SemaphoreType.DMA] * NBUF
        + [pltpu.SemaphoreType.DMA] * NBUF,
        compiler_params=pltpu.CompilerParams(
            use_tc_tiling_on_sc=False, needs_layout_passes=False
        ),
    )
    def k(x_hbm, table_hbm, out_hbm, idx_v, g_v, t_v, *sems):
        gsem = sems[:NBUF]
        ssem = sems[NBUF:]
        bt = lax.axis_index("s") * 2 + lax.axis_index("c")

        pltpu.sync_copy(x_hbm.at[:, bt], idx_v)

        def start_gather(s, slot):
            pltpu.make_async_copy(
                table_hbm.at[idx_v.at[s // 8, s % 8]], g_v.at[slot], gsem[slot]
            ).start()

        def wait_gather(slot):
            pltpu.make_async_copy(
                table_hbm.at[idx_v.at[0, 0]], g_v.at[slot], gsem[slot]
            ).wait()

        def start_store(s, slot):
            pltpu.make_async_copy(
                t_v.at[slot, :, :, pl.ds(0, LANES)], out_hbm.at[s, :, bt], ssem[slot]
            ).start()

        def wait_store(slot):
            pltpu.make_async_copy(
                t_v.at[0, :, :, pl.ds(0, LANES)], out_hbm.at[0, :, bt], ssem[slot]
            ).wait()

        def transpose(slot):
            g = g_v.at[slot]
            t = t_v.at[slot]
            iota = lax.iota(jnp.int32, 16)
            dt_idx = [(d0 + iota) // 8 for d0 in range(0, D, 16)]
            dr_idx = [(d0 + iota) % 8 for d0 in range(0, D, 16)]

            @plsc.parallel_loop(0, LANES)
            def b_body(b):
                bvec = jnp.full((16,), 0, jnp.int32) + b
                for j, d0 in enumerate(range(0, D, 16)):
                    vec = g[b, pl.ds(d0, 16)]
                    plsc.store_scatter(t, [dt_idx[j], dr_idx[j], bvec], vec)

        for p in range(NBUF - 1):
            start_gather(p, p)

        def body(i, _):
            for b in range(NBUF):
                s = i * NBUF + b
                slot = b

                @pl.when(s + NBUF - 1 < NS)
                def _():
                    start_gather(s + NBUF - 1, (b + NBUF - 1) % NBUF)

                wait_gather(slot)

                @pl.when(s >= NBUF)
                def _():
                    wait_store(slot)

                transpose(slot)
                start_store(s, slot)
            return ()

        lax.fori_loop(0, NS // NBUF, body, (), unroll=False)
        for p in range(NBUF):
            wait_store(p)

    return k


def kernel(x, table):
    nb, ns = x.shape
    x4 = (
        x.astype(jnp.int32)
        .T.reshape(ST, 8, BT, LANES)
        .transpose(0, 2, 1, 3)
    )
    out5 = _make_kernel()(x4, table)
    return out5.transpose(2, 4, 0, 1, 3).reshape(nb, ns, D)

# --- scband reference (transcript-rebuilt; emitter-appended) ---
"""Pipeline reference for scband-embedding-model-9655086481750 (READ-ONLY COPY).

The authoritative reference and input builder live on the scoring server;
editing this copy changes nothing except your own understanding.
"""

import jax, jax.numpy as jnp
import numpy as np

VOCAB_SIZE = 32768
EMBED_DIM = 64

def setup_inputs(seed: int = 0) -> dict:
    key = jax.random.key(seed)
    k1, k2 = jax.random.split(key)
    x = jax.random.randint(k1, (4096, 200), 0, VOCAB_SIZE, dtype=jnp.int64 if jax.config.jax_enable_x64 else jnp.int32)
    table = jax.random.normal(k2, (VOCAB_SIZE, EMBED_DIM), dtype=jnp.float32)
    return {"x": x, "table": table}

def reference(x, table):
    # nn.Embedding forward: gather rows of the embedding table
    return jnp.take(table, x, axis=0)

if __name__ == "__main__":
    import jax
    _d = setup_inputs()
    print(jax.jit(kernel)(*tuple(_d.values())))

</pallas_src>

<mosaic_0001>
#map = affine_map<(d0, d1) -> (0, 0, 0, 0)>
#map1 = affine_map<(d0, d1) -> (0, 0)>
#map2 = affine_map<(d0, d1) -> (0, 0, 0, 0, 0)>
module attributes {stable_mosaic.version = 14 : i64} {
  func.func @k(%arg0: i32, %arg1: i32, %arg2: memref<25x32x8x128xi32, #tpu.memory_space<hbm>>, %arg3: memref<32768x64xf32, #tpu.memory_space<hbm>>, %arg4: memref<200x8x32x8x128xf32, #tpu.memory_space<hbm>>, %arg5: memref<25x8x128xi32, #tpu.memory_space<vmem>>, %arg6: memref<5x128x64xf32, #tpu.memory_space<vmem>>, %arg7: memref<5x8x8x136xf32, #tpu.memory_space<vmem>>, %arg8: memref<!tpu.dma_semaphore, #tpu.memory_space<semaphore_mem>>, %arg9: memref<!tpu.dma_semaphore, #tpu.memory_space<semaphore_mem>>, %arg10: memref<!tpu.dma_semaphore, #tpu.memory_space<semaphore_mem>>, %arg11: memref<!tpu.dma_semaphore, #tpu.memory_space<semaphore_mem>>, %arg12: memref<!tpu.dma_semaphore, #tpu.memory_space<semaphore_mem>>, %arg13: memref<!tpu.dma_semaphore, #tpu.memory_space<semaphore_mem>>, %arg14: memref<!tpu.dma_semaphore, #tpu.memory_space<semaphore_mem>>, %arg15: memref<!tpu.dma_semaphore, #tpu.memory_space<semaphore_mem>>, %arg16: memref<!tpu.dma_semaphore, #tpu.memory_space<semaphore_mem>>, %arg17: memref<!tpu.dma_semaphore, #tpu.memory_space<semaphore_mem>>) attributes {dimension_semantics = [#tpu.dimension_semantics<core_parallel>, #tpu.dimension_semantics<subcore_parallel>], iteration_bounds = array<i64: 2, 16>, scalar_prefetch = 0 : i64, scratch_operands = 13 : i64, tpu.core_type = #tpu.core_type<sc_vector_subcore>, window_params = [{transform_indices = #map}, {transform_indices = #map1}, {transform_indices = #map2}]} {
    %mul3A = arith.constant 2 : i32
    %mul3A_0 = arith.muli %arg1, %mul3A : i32
    %add3A = arith.addi %mul3A_0, %arg0 : i32
    "tpu.region"() ({
      %run_scoped3A = tpu.sem_alloc : memref<!tpu.dma_semaphore, #tpu.memory_space<semaphore_mem>>
      %dma_start3A_165 = arith.constant 0 : i32
      %dma_start3A_166 = arith.constant 0 : i32
      %dma_start3A_167 = arith.constant 0 : i32
      %dma_start3A_168 = tpu.memref_slice %arg2[%dma_start3A_165, %add3A, %dma_start3A_166, %dma_start3A_167] : memref<25x32x8x128xi32, #tpu.memory_space<hbm>> -> memref<25x1x8x128xi32, #tpu.memory_space<hbm>>
      %dma_start3A_169 = tpu.memref_squeeze %dma_start3A_168 : memref<25x1x8x128xi32, #tpu.memory_space<hbm>> -> memref<25x8x128xi32, #tpu.memory_space<hbm>>
      %dma_start3A_170 = arith.constant 0 : i32
      %dma_start3A_171 = arith.constant 0 : i32
      %dma_start3A_172 = arith.constant 0 : i32
      %dma_start3A_173 = tpu.memref_slice %arg2[%dma_start3A_170, %add3A, %dma_start3A_171, %dma_start3A_172] : memref<25x32x8x128xi32, #tpu.memory_space<hbm>> -> memref<25x1x8x128xi32, #tpu.memory_space<hbm>>
      %dma_start3A_174 = tpu.memref_squeeze %dma_start3A_173 : memref<25x1x8x128xi32, #tpu.memory_space<hbm>> -> memref<25x8x128xi32, #tpu.memory_space<hbm>>
      tpu.enqueue_dma source(%dma_start3A_174 : memref<25x8x128xi32, #tpu.memory_space<hbm>>) target(%arg5 : memref<25x8x128xi32, #tpu.memory_space<vmem>>) target_semaphore(%run_scoped3A : memref<!tpu.dma_semaphore, #tpu.memory_space<semaphore_mem>>)
      %dma_wait3A_175 = arith.constant 0 : i32
      %dma_wait3A_176 = arith.constant 0 : i32
      %dma_wait3A_177 = arith.constant 0 : i32
      %dma_wait3A_178 = tpu.memref_slice %arg2[%dma_wait3A_175, %add3A, %dma_wait3A_176, %dma_wait3A_177] : memref<25x32x8x128xi32, #tpu.memory_space<hbm>> -> memref<25x1x8x128xi32, #tpu.memory_space<hbm>>
      %dma_wait3A_179 = tpu.memref_squeeze %dma_wait3A_178 : memref<25x1x8x128xi32, #tpu.memory_space<hbm>> -> memref<25x8x128xi32, #tpu.memory_space<hbm>>
      %dma_wait3A_180 = arith.constant 0 : i32
      %dma_wait3A_181 = arith.constant 0 : i32
      %dma_wait3A_182 = arith.constant 0 : i32
      %dma_wait3A_183 = tpu.memref_slice %arg2[%dma_wait3A_180, %add3A, %dma_wait3A_181, %dma_wait3A_182] : memref<25x32x8x128xi32, #tpu.memory_space<hbm>> -> memref<25x1x8x128xi32, #tpu.memory_space<hbm>>
      %dma_wait3A_184 = tpu.memref_squeeze %dma_wait3A_183 : memref<25x1x8x128xi32, #tpu.memory_space<hbm>> -> memref<25x8x128xi32, #tpu.memory_space<hbm>>
      tpu.wait_dma2 semaphore(%run_scoped3A : memref<!tpu.dma_semaphore, #tpu.memory_space<semaphore_mem>>) src(%dma_wait3A_184 : memref<25x8x128xi32, #tpu.memory_space<hbm>>) dst(%arg5 : memref<25x8x128xi32, #tpu.memory_space<vmem>>)
      tpu.yield
    }) : () -> ()
    %dma_start3A = arith.constant 0 : i32
    %dma_start3A_1 = arith.constant 0 : i32
    %dma_start3A_2 = arith.constant 0 : i32
    %dma_start3A_3 = arith.constant 0 : i32
    %dma_start3A_4 = arith.constant 0 : i32
    %dma_start3A_5 = tpu.memref_slice %arg6[%dma_start3A_2, %dma_start3A_3, %dma_start3A_4] : memref<5x128x64xf32, #tpu.memory_space<vmem>> -> memref<1x128x64xf32, #tpu.memory_space<vmem>>
    %dma_start3A_6 = tpu.memref_squeeze %dma_start3A_5 : memref<1x128x64xf32, #tpu.memory_space<vmem>> -> memref<128x64xf32, #tpu.memory_space<vmem>>
    %dma_start3A_7 = arith.constant 0 : i32
    %dma_start3A_8 = tpu.memref_slice %arg5[%dma_start3A, %dma_start3A_1, %dma_start3A_7] : memref<25x8x128xi32, #tpu.memory_space<vmem>> -> memref<1x1x128xi32, #tpu.memory_space<vmem>>
    %dma_start3A_9 = tpu.memref_squeeze %dma_start3A_8 : memref<1x1x128xi32, #tpu.memory_space<vmem>> -> memref<128xi32, #tpu.memory_space<vmem>>
    %dma_start3A_10 = arith.constant 0 : i32
    %dma_start3A_11 = arith.constant 0 : i32
    %dma_start3A_12 = tpu.memref_slice %arg3[%dma_start3A_10, %dma_start3A_11] : memref<32768x64xf32, #tpu.memory_space<hbm>> -> memref<32768x64xf32, #tpu.memory_space<hbm>>
    tpu.enqueue_indirect_dma source(%dma_start3A_12 : memref<32768x64xf32, #tpu.memory_space<hbm>>) target(%dma_start3A_6 : memref<128x64xf32, #tpu.memory_space<vmem>>) offsets(%dma_start3A_9 : memref<128xi32, #tpu.memory_space<vmem>>) semaphore(%arg8 : memref<!tpu.dma_semaphore, #tpu.memory_space<semaphore_mem>>)
    %dma_start3A_13 = arith.constant 0 : i32
    %dma_start3A_14 = arith.constant 1 : i32
    %dma_start3A_15 = arith.constant 1 : i32
    %dma_start3A_16 = arith.constant 0 : i32
    %dma_start3A_17 = arith.constant 0 : i32
    %dma_start3A_18 = tpu.memref_slice %arg6[%dma_start3A_15, %dma_start3A_16, %dma_start3A_17] : memref<5x128x64xf32, #tpu.memory_space<vmem>> -> memref<1x128x64xf32, #tpu.memory_space<vmem>>
    %dma_start3A_19 = tpu.memref_squeeze %dma_start3A_18 : memref<1x128x64xf32, #tpu.memory_space<vmem>> -> memref<128x64xf32, #tpu.memory_space<vmem>>
    %dma_start3A_20 = arith.constant 0 : i32
    %dma_start3A_21 = tpu.memref_slice %arg5[%dma_start3A_13, %dma_start3A_14, %dma_start3A_20] : memref<25x8x128xi32, #tpu.memory_space<vmem>> -> memref<1x1x128xi32, #tpu.memory_space<vmem>>
    %dma_start3A_22 = tpu.memref_squeeze %dma_start3A_21 : memref<1x1x128xi32, #tpu.memory_space<vmem>> -> memref<128xi32, #tpu.memory_space<vmem>>
    %dma_start3A_23 = arith.constant 0 : i32
    %dma_start3A_24 = arith.constant 0 : i32
    %dma_start3A_25 = tpu.memref_slice %arg3[%dma_start3A_23, %dma_start3A_24] : memref<32768x64xf32, #tpu.memory_space<hbm>> -> memref<32768x64xf32, #tpu.memory_space<hbm>>
    tpu.enqueue_indirect_dma source(%dma_start3A_25 : memref<32768x64xf32, #tpu.memory_space<hbm>>) target(%dma_start3A_19 : memref<128x64xf32, #tpu.memory_space<vmem>>) offsets(%dma_start3A_22 : memref<128xi32, #tpu.memory_space<vmem>>) semaphore(%arg9 : memref<!tpu.dma_semaphore, #tpu.memory_space<semaphore_mem>>)
    %dma_start3A_26 = arith.constant 0 : i32
    %dma_start3A_27 = arith.constant 2 : i32
    %dma_start3A_28 = arith.constant 2 : i32
    %dma_start3A_29 = arith.constant 0 : i32
    %dma_start3A_30 = arith.constant 0 : i32
    %dma_start3A_31 = tpu.memref_slice %arg6[%dma_start3A_28, %dma_start3A_29, %dma_start3A_30] : memref<5x128x64xf32, #tpu.memory_space<vmem>> -> memref<1x128x64xf32, #tpu.memory_space<vmem>>
    %dma_start3A_32 = tpu.memref_squeeze %dma_start3A_31 : memref<1x128x64xf32, #tpu.memory_space<vmem>> -> memref<128x64xf32, #tpu.memory_space<vmem>>
    %dma_start3A_33 = arith.constant 0 : i32
    %dma_start3A_34 = tpu.memref_slice %arg5[%dma_start3A_26, %dma_start3A_27, %dma_start3A_33] : memref<25x8x128xi32, #tpu.memory_space<vmem>> -> memref<1x1x128xi32, #tpu.memory_space<vmem>>
    %dma_start3A_35 = tpu.memref_squeeze %dma_start3A_34 : memref<1x1x128xi32, #tpu.memory_space<vmem>> -> memref<128xi32, #tpu.memory_space<vmem>>
    %dma_start3A_36 = arith.constant 0 : i32
    %dma_start3A_37 = arith.constant 0 : i32
    %dma_start3A_38 = tpu.memref_slice %arg3[%dma_start3A_36, %dma_start3A_37] : memref<32768x64xf32, #tpu.memory_space<hbm>> -> memref<32768x64xf32, #tpu.memory_space<hbm>>
    tpu.enqueue_indirect_dma source(%dma_start3A_38 : memref<32768x64xf32, #tpu.memory_space<hbm>>) target(%dma_start3A_32 : memref<128x64xf32, #tpu.memory_space<vmem>>) offsets(%dma_start3A_35 : memref<128xi32, #tpu.memory_space<vmem>>) semaphore(%arg10 : memref<!tpu.dma_semaphore, #tpu.memory_space<semaphore_mem>>)
    %dma_start3A_39 = arith.constant 0 : i32
    %dma_start3A_40 = arith.constant 3 : i32
    %dma_start3A_41 = arith.constant 3 : i32
    %dma_start3A_42 = arith.constant 0 : i32
    %dma_start3A_43 = arith.constant 0 : i32
    %dma_start3A_44 = tpu.memref_slice %arg6[%dma_start3A_41, %dma_start3A_42, %dma_start3A_43] : memref<5x128x64xf32, #tpu.memory_space<vmem>> -> memref<1x128x64xf32, #tpu.memory_space<vmem>>
    %dma_start3A_45 = tpu.memref_squeeze %dma_start3A_44 : memref<1x128x64xf32, #tpu.memory_space<vmem>> -> memref<128x64xf32, #tpu.memory_space<vmem>>
    %dma_start3A_46 = arith.constant 0 : i32
    %dma_start3A_47 = tpu.memref_slice %arg5[%dma_start3A_39, %dma_start3A_40, %dma_start3A_46] : memref<25x8x128xi32, #tpu.memory_space<vmem>> -> memref<1x1x128xi32, #tpu.memory_space<vmem>>
    %dma_start3A_48 = tpu.memref_squeeze %dma_start3A_47 : memref<1x1x128xi32, #tpu.memory_space<vmem>> -> memref<128xi32, #tpu.memory_space<vmem>>
    %dma_start3A_49 = arith.constant 0 : i32
    %dma_start3A_50 = arith.constant 0 : i32
    %dma_start3A_51 = tpu.memref_slice %arg3[%dma_start3A_49, %dma_start3A_50] : memref<32768x64xf32, #tpu.memory_space<hbm>> -> memref<32768x64xf32, #tpu.memory_space<hbm>>
    tpu.enqueue_indirect_dma source(%dma_start3A_51 : memref<32768x64xf32, #tpu.memory_space<hbm>>) target(%dma_start3A_45 : memref<128x64xf32, #tpu.memory_space<vmem>>) offsets(%dma_start3A_48 : memref<128xi32, #tpu.memory_space<vmem>>) semaphore(%arg11 : memref<!tpu.dma_semaphore, #tpu.memory_space<semaphore_mem>>)
    %scan3A = arith.constant 0 : i32
    %scan3A_52 = arith.constant 40 : i32
    %scan3A_53 = arith.addi %scan3A, %scan3A_52 : i32
    %scan3A_54 = arith.constant 1 : i32
    scf.for %scan3A_165 = %scan3A to %scan3A_53 step %scan3A_54  : i32 {
      %mul3A_166 = arith.constant 5 : i32
      %mul3A_167 = arith.muli %scan3A_165, %mul3A_166 : i32
      %add3A_168 = arith.constant 0 : i32
      %add3A_169 = arith.addi %mul3A_167, %add3A_168 : i32
      %add3A_170 = arith.constant 5 : i32
      %add3A_171 = arith.addi %add3A_169, %add3A_170 : i32
      %sub3A = arith.constant 1 : i32
      %sub3A_172 = arith.subi %add3A_171, %sub3A : i32
      %lt3A = arith.constant 200 : i32
      %lt3A_173 = arith.cmpi slt, %sub3A_172, %lt3A : i32
      %convert_element_type3A = arith.extui %lt3A_173 : i1 to i32
      %cond3A = arith.constant 0 : i32
      %cond3A_174 = arith.cmpi ne, %convert_element_type3A, %cond3A : i32
      scf.if %cond3A_174 {
        %add3A_1621 = arith.constant 5 : i32
        %add3A_1622 = arith.addi %add3A_169, %add3A_1621 : i32
        %sub3A_1623 = arith.constant 1 : i32
        %sub3A_1624 = arith.subi %add3A_1622, %sub3A_1623 : i32
        %jit3A_1625 = arith.constant 8 : i32
        %div3A_1626 = arith.divsi %sub3A_1624, %jit3A_1625 : i32
        %sign3A_1627 = arith.constant 0 : i32
        %sign3A_1628 = arith.cmpi sgt, %sub3A_1624, %sign3A_1627 : i32
        %sign3A_1629 = arith.extui %sign3A_1628 : i1 to i32
        %sign3A_1630 = arith.constant 0 : i32
        %sign3A_1631 = arith.cmpi slt, %sub3A_1624, %sign3A_1630 : i32
        %sign3A_1632 = arith.extui %sign3A_1631 : i1 to i32
        %sign3A_1633 = arith.subi %sign3A_1629, %sign3A_1632 : i32
        %sign3A_1634 = arith.constant 0 : i32
        %sign3A_1635 = arith.cmpi sgt, %jit3A_1625, %sign3A_1634 : i32
        %sign3A_1636 = arith.extui %sign3A_1635 : i1 to i32
        %sign3A_1637 = arith.constant 0 : i32
        %sign3A_1638 = arith.cmpi slt, %jit3A_1625, %sign3A_1637 : i32
        %sign3A_1639 = arith.extui %sign3A_1638 : i1 to i32
        %sign3A_1640 = arith.subi %sign3A_1636, %sign3A_1639 : i32
        %ne3A_1641 = arith.cmpi ne, %sign3A_1633, %sign3A_1640 : i32
        %rem3A_1642 = arith.remsi %sub3A_1624, %jit3A_1625 : i32
        %ne3A_1643 = arith.constant 0 : i32
        %ne3A_1644 = arith.cmpi ne, %rem3A_1642, %ne3A_1643 : i32
        %and3A_1645 = arith.andi %ne3A_1641, %ne3A_1644 : i1
        %sub3A_1646 = arith.constant 1 : i32
        %sub3A_1647 = arith.subi %div3A_1626, %sub3A_1646 : i32
        %select_n3A_1648 = arith.select %and3A_1645, %sub3A_1647, %div3A_1626 : i32
        %jit3A_1649 = arith.constant 8 : i32
        %eq3A_1650 = arith.constant 0 : i32
        %eq3A_1651 = arith.cmpi eq, %jit3A_1649, %eq3A_1650 : i32
        %jit3A_1652 = arith.constant 1 : i32
        %select_n3A_1653 = arith.select %eq3A_1651, %jit3A_1652, %jit3A_1649 : i32
        %rem3A_1654 = arith.remsi %sub3A_1624, %select_n3A_1653 : i32
        %ne3A_1655 = arith.constant 0 : i32
        %ne3A_1656 = arith.cmpi ne, %rem3A_1654, %ne3A_1655 : i32
        %lt3A_1657 = arith.constant 0 : i32
        %lt3A_1658 = arith.cmpi slt, %rem3A_1654, %lt3A_1657 : i32
        %lt3A_1659 = arith.constant 0 : i32
        %lt3A_1660 = arith.cmpi slt, %select_n3A_1653, %lt3A_1659 : i32
        %ne3A_1661 = arith.xori %lt3A_1658, %lt3A_1660 : i1
        %and3A_1662 = arith.andi %ne3A_1661, %ne3A_1656 : i1
        %add3A_1663 = arith.addi %rem3A_1654, %select_n3A_1653 : i32
        %select_n3A_1664 = arith.select %and3A_1662, %add3A_1663, %rem3A_1654 : i32
        %dma_start3A_1665 = arith.constant 4 : i32
        %dma_start3A_1666 = arith.constant 0 : i32
        %dma_start3A_1667 = arith.constant 0 : i32
        %dma_start3A_1668 = tpu.memref_slice %arg6[%dma_start3A_1665, %dma_start3A_1666, %dma_start3A_1667] : memref<5x128x64xf32, #tpu.memory_space<vmem>> -> memref<1x128x64xf32, #tpu.memory_space<vmem>>
        %dma_start3A_1669 = tpu.memref_squeeze %dma_start3A_1668 : memref<1x128x64xf32, #tpu.memory_space<vmem>> -> memref<128x64xf32, #tpu.memory_space<vmem>>
        %dma_start3A_1670 = arith.constant 0 : i32
        %dma_start3A_1671 = tpu.memref_slice %arg5[%select_n3A_1648, %select_n3A_1664, %dma_start3A_1670] : memref<25x8x128xi32, #tpu.memory_space<vmem>> -> memref<1x1x128xi32, #tpu.memory_space<vmem>>
        %dma_start3A_1672 = tpu.memref_squeeze %dma_start3A_1671 : memref<1x1x128xi32, #tpu.memory_space<vmem>> -> memref<128xi32, #tpu.memory_space<vmem>>
        %dma_start3A_1673 = arith.constant 0 : i32
        %dma_start3A_1674 = arith.constant 0 : i32
        %dma_start3A_1675 = tpu.memref_slice %arg3[%dma_start3A_1673, %dma_start3A_1674] : memref<32768x64xf32, #tpu.memory_space<hbm>> -> memref<32768x64xf32, #tpu.memory_space<hbm>>
        tpu.enqueue_indirect_dma source(%dma_start3A_1675 : memref<32768x64xf32, #tpu.memory_space<hbm>>) target(%dma_start3A_1669 : memref<128x64xf32, #tpu.memory_space<vmem>>) offsets(%dma_start3A_1672 : memref<128xi32, #tpu.memory_space<vmem>>) semaphore(%arg12 : memref<!tpu.dma_semaphore, #tpu.memory_space<semaphore_mem>>)
      } else {
      }
      %dma_wait3A_175 = arith.constant 0 : i32
      %dma_wait3A_176 = arith.constant 0 : i32
      %dma_wait3A_177 = arith.constant 0 : i32
      %dma_wait3A_178 = arith.constant 0 : i32
      %dma_wait3A_179 = arith.constant 0 : i32
      %dma_wait3A_180 = tpu.memref_slice %arg6[%dma_wait3A_177, %dma_wait3A_178, %dma_wait3A_179] : memref<5x128x64xf32, #tpu.memory_space<vmem>> -> memref<1x128x64xf32, #tpu.memory_space<vmem>>
      %dma_wait3A_181 = tpu.memref_squeeze %dma_wait3A_180 : memref<1x128x64xf32, #tpu.memory_space<vmem>> -> memref<128x64xf32, #tpu.memory_space<vmem>>
      %dma_wait3A_182 = arith.constant 0 : i32
      %dma_wait3A_183 = tpu.memref_slice %arg5[%dma_wait3A_175, %dma_wait3A_176, %dma_wait3A_182] : memref<25x8x128xi32, #tpu.memory_space<vmem>> -> memref<1x1x128xi32, #tpu.memory_space<vmem>>
      %dma_wait3A_184 = tpu.memref_squeeze %dma_wait3A_183 : memref<1x1x128xi32, #tpu.memory_space<vmem>> -> memref<128xi32, #tpu.memory_space<vmem>>
      %dma_wait3A_185 = arith.constant 0 : i32
      %dma_wait3A_186 = arith.constant 0 : i32
      %dma_wait3A_187 = tpu.memref_slice %arg3[%dma_wait3A_185, %dma_wait3A_186] : memref<32768x64xf32, #tpu.memory_space<hbm>> -> memref<32768x64xf32, #tpu.memory_space<hbm>>
      tpu.wait_indirect_dma semaphore(%arg8 : memref<!tpu.dma_semaphore, #tpu.memory_space<semaphore_mem>>) src(%dma_wait3A_187 : memref<32768x64xf32, #tpu.memory_space<hbm>>) dst(%dma_wait3A_181 : memref<128x64xf32, #tpu.memory_space<vmem>>)
      %ge3A = arith.constant 5 : i32
      %ge3A_188 = arith.cmpi sge, %add3A_169, %ge3A : i32
      %convert_element_type3A_189 = arith.extui %ge3A_188 : i1 to i32
      %cond3A_190 = arith.constant 0 : i32
      %cond3A_191 = arith.cmpi ne, %convert_element_type3A_189, %cond3A_190 : i32
      scf.if %cond3A_191 {
        %dma_wait3A_1621 = arith.constant 0 : i32
        %dma_wait3A_1622 = arith.constant 0 : i32
        %dma_wait3A_1623 = arith.constant 0 : i32
        %dma_wait3A_1624 = arith.constant 0 : i32
        %dma_wait3A_1625 = arith.constant 0 : i32
        %dma_wait3A_1626 = tpu.memref_slice %arg7[%dma_wait3A_1621, %dma_wait3A_1623, %dma_wait3A_1624, %dma_wait3A_1625] : memref<5x8x8x136xf32, #tpu.memory_space<vmem>> -> memref<1x8x8x128xf32, #tpu.memory_space<vmem>>
        %dma_wait3A_1627 = tpu.memref_squeeze %dma_wait3A_1626 : memref<1x8x8x128xf32, #tpu.memory_space<vmem>> -> memref<8x8x128xf32, #tpu.memory_space<vmem>>
        %dma_wait3A_1628 = arith.constant 0 : i32
        %dma_wait3A_1629 = arith.constant 0 : i32
        %dma_wait3A_1630 = arith.constant 0 : i32
        %dma_wait3A_1631 = tpu.memref_slice %arg4[%dma_wait3A_1622, %dma_wait3A_1628, %add3A, %dma_wait3A_1629, %dma_wait3A_1630] : memref<200x8x32x8x128xf32, #tpu.memory_space<hbm>> -> memref<1x8x1x8x128xf32, #tpu.memory_space<hbm>>
        %dma_wait3A_1632 = tpu.memref_squeeze %dma_wait3A_1631 : memref<1x8x1x8x128xf32, #tpu.memory_space<hbm>> -> memref<8x8x128xf32, #tpu.memory_space<hbm>>
        %dma_wait3A_1633 = arith.constant 0 : i32
        %dma_wait3A_1634 = arith.constant 0 : i32
        %dma_wait3A_1635 = arith.constant 0 : i32
        %dma_wait3A_1636 = tpu.memref_slice %arg4[%dma_wait3A_1622, %dma_wait3A_1633, %add3A, %dma_wait3A_1634, %dma_wait3A_1635] : memref<200x8x32x8x128xf32, #tpu.memory_space<hbm>> -> memref<1x8x1x8x128xf32, #tpu.memory_space<hbm>>
        %dma_wait3A_1637 = tpu.memref_squeeze %dma_wait3A_1636 : memref<1x8x1x8x128xf32, #tpu.memory_space<hbm>> -> memref<8x8x128xf32, #tpu.memory_space<hbm>>
        %dma_wait3A_1638 = arith.constant 0 : i32
        %dma_wait3A_1639 = arith.constant 0 : i32
        %dma_wait3A_1640 = arith.constant 0 : i32
        %dma_wait3A_1641 = tpu.memref_slice %arg7[%dma_wait3A_1621, %dma_wait3A_1638, %dma_wait3A_1639, %dma_wait3A_1640] : memref<5x8x8x136xf32, #tpu.memory_space<vmem>> -> memref<1x8x8x128xf32, #tpu.memory_space<vmem>>
        %dma_wait3A_1642 = tpu.memref_squeeze %dma_wait3A_1641 : memref<1x8x8x128xf32, #tpu.memory_space<vmem>> -> memref<8x8x128xf32, #tpu.memory_space<vmem>>
        tpu.wait_dma2 semaphore(%arg13 : memref<!tpu.dma_semaphore, #tpu.memory_space<semaphore_mem>>) src(%dma_wait3A_1642 : memref<8x8x128xf32, #tpu.memory_space<vmem>>) dst(%dma_wait3A_1637 : memref<8x8x128xf32, #tpu.memory_space<hbm>>)
      } else {
      }
      %iota3A = tpu.iota {dimensions = array<i32: 0>} : vector<16xi32>
      %add3A_192 = arith.constant 0 : i32
      %add3A_193 = vector.broadcast %add3A_192 : i32 to vector<16xi32>
      %add3A_194 = arith.addi %add3A_193, %iota3A : vector<16xi32>
      %jit3A = arith.constant 8 : i32
      %div3A = vector.broadcast %jit3A : i32 to vector<16xi32>
      %div3A_195 = arith.divsi %add3A_194, %div3A : vector<16xi32>
      %sign3A = arith.constant 0 : i32
      %sign3A_196 = vector.broadcast %sign3A : i32 to vector<16xi32>
      %sign3A_197 = arith.cmpi sgt, %add3A_194, %sign3A_196 : vector<16xi32>
      %sign3A_198 = arith.extui %sign3A_197 : vector<16xi1> to vector<16xi32>
      %sign3A_199 = arith.constant 0 : i32
      %sign3A_200 = vector.broadcast %sign3A_199 : i32 to vector<16xi32>
      %sign3A_201 = arith.cmpi slt, %add3A_194, %sign3A_200 : vector<16xi32>
      %sign3A_202 = arith.extui %sign3A_201 : vector<16xi1> to vector<16xi32>
      %sign3A_203 = arith.subi %sign3A_198, %sign3A_202 : vector<16xi32>
      %sign3A_204 = arith.constant 0 : i32
      %sign3A_205 = arith.cmpi sgt, %jit3A, %sign3A_204 : i32
      %sign3A_206 = arith.extui %sign3A_205 : i1 to i32
      %sign3A_207 = arith.constant 0 : i32
      %sign3A_208 = arith.cmpi slt, %jit3A, %sign3A_207 : i32
      %sign3A_209 = arith.extui %sign3A_208 : i1 to i32
      %sign3A_210 = arith.subi %sign3A_206, %sign3A_209 : i32
      %ne3A = vector.broadcast %sign3A_210 : i32 to vector<16xi32>
      %ne3A_211 = arith.cmpi ne, %sign3A_203, %ne3A : vector<16xi32>
      %rem3A = vector.broadcast %jit3A : i32 to vector<16xi32>
      %rem3A_212 = arith.remsi %add3A_194, %rem3A : vector<16xi32>
      %ne3A_213 = arith.constant 0 : i32
      %ne3A_214 = vector.broadcast %ne3A_213 : i32 to vector<16xi32>
      %ne3A_215 = arith.cmpi ne, %rem3A_212, %ne3A_214 : vector<16xi32>
      %and3A = arith.andi %ne3A_211, %ne3A_215 : vector<16xi1>
      %sub3A_216 = arith.constant 1 : i32
      %sub3A_217 = vector.broadcast %sub3A_216 : i32 to vector<16xi32>
      %sub3A_218 = arith.subi %div3A_195, %sub3A_217 : vector<16xi32>
      %select_n3A = arith.select %and3A, %sub3A_218, %div3A_195 : vector<16xi1>, vector<16xi32>
      %add3A_219 = arith.constant 16 : i32
      %add3A_220 = vector.broadcast %add3A_219 : i32 to vector<16xi32>
      %add3A_221 = arith.addi %add3A_220, %iota3A : vector<16xi32>
      %jit3A_222 = arith.constant 8 : i32
      %div3A_223 = vector.broadcast %jit3A_222 : i32 to vector<16xi32>
      %div3A_224 = arith.divsi %add3A_221, %div3A_223 : vector<16xi32>
      %sign3A_225 = arith.constant 0 : i32
      %sign3A_226 = vector.broadcast %sign3A_225 : i32 to vector<16xi32>
      %sign3A_227 = arith.cmpi sgt, %add3A_221, %sign3A_226 : vector<16xi32>
      %sign3A_228 = arith.extui %sign3A_227 : vector<16xi1> to vector<16xi32>
      %sign3A_229 = arith.constant 0 : i32
      %sign3A_230 = vector.broadcast %sign3A_229 : i32 to vector<16xi32>
      %sign3A_231 = arith.cmpi slt, %add3A_221, %sign3A_230 : vector<16xi32>
      %sign3A_232 = arith.extui %sign3A_231 : vector<16xi1> to vector<16xi32>
      %sign3A_233 = arith.subi %sign3A_228, %sign3A_232 : vector<16xi32>
      %sign3A_234 = arith.constant 0 : i32
      %sign3A_235 = arith.cmpi sgt, %jit3A_222, %sign3A_234 : i32
      %sign3A_236 = arith.extui %sign3A_235 : i1 to i32
      %sign3A_237 = arith.constant 0 : i32
      %sign3A_238 = arith.cmpi slt, %jit3A_222, %sign3A_237 : i32
      %sign3A_239 = arith.extui %sign3A_238 : i1 to i32
      %sign3A_240 = arith.subi %sign3A_236, %sign3A_239 : i32
      %ne3A_241 = vector.broadcast %sign3A_240 : i32 to vector<16xi32>
      %ne3A_242 = arith.cmpi ne, %sign3A_233, %ne3A_241 : vector<16xi32>
      %rem3A_243 = vector.broadcast %jit3A_222 : i32 to vector<16xi32>
      %rem3A_244 = arith.remsi %add3A_221, %rem3A_243 : vector<16xi32>
      %ne3A_245 = arith.constant 0 : i32
      %ne3A_246 = vector.broadcast %ne3A_245 : i32 to vector<16xi32>
      %ne3A_247 = arith.cmpi ne, %rem3A_244, %ne3A_246 : vector<16xi32>
      %and3A_248 = arith.andi %ne3A_242, %ne3A_247 : vector<16xi1>
      %sub3A_249 = arith.constant 1 : i32
      %sub3A_250 = vector.broadcast %sub3A_249 : i32 to vector<16xi32>
      %sub3A_251 = arith.subi %div3A_224, %sub3A_250 : vector<16xi32>
      %select_n3A_252 = arith.select %and3A_248, %sub3A_251, %div3A_224 : vector<16xi1>, vector<16xi32>
      %add3A_253 = arith.constant 32 : i32
      %add3A_254 = vector.broadcast %add3A_253 : i32 to vector<16xi32>
      %add3A_255 = arith.addi %add3A_254, %iota3A : vector<16xi32>
      %jit3A_256 = arith.constant 8 : i32
      %div3A_257 = vector.broadcast %jit3A_256 : i32 to vector<16xi32>
      %div3A_258 = arith.divsi %add3A_255, %div3A_257 : vector<16xi32>
      %sign3A_259 = arith.constant 0 : i32
      %sign3A_260 = vector.broadcast %sign3A_259 : i32 to vector<16xi32>
      %sign3A_261 = arith.cmpi sgt, %add3A_255, %sign3A_260 : vector<16xi32>
      %sign3A_262 = arith.extui %sign3A_261 : vector<16xi1> to vector<16xi32>
      %sign3A_263 = arith.constant 0 : i32
      %sign3A_264 = vector.broadcast %sign3A_263 : i32 to vector<16xi32>
      %sign3A_265 = arith.cmpi slt, %add3A_255, %sign3A_264 : vector<16xi32>
      %sign3A_266 = arith.extui %sign3A_265 : vector<16xi1> to vector<16xi32>
      %sign3A_267 = arith.subi %sign3A_262, %sign3A_266 : vector<16xi32>
      %sign3A_268 = arith.constant 0 : i32
      %sign3A_269 = arith.cmpi sgt, %jit3A_256, %sign3A_268 : i32
      %sign3A_270 = arith.extui %sign3A_269 : i1 to i32
      %sign3A_271 = arith.constant 0 : i32
      %sign3A_272 = arith.cmpi slt, %jit3A_256, %sign3A_271 : i32
      %sign3A_273 = arith.extui %sign3A_272 : i1 to i32
      %sign3A_274 = arith.subi %sign3A_270, %sign3A_273 : i32
      %ne3A_275 = vector.broadcast %sign3A_274 : i32 to vector<16xi32>
      %ne3A_276 = arith.cmpi ne, %sign3A_267, %ne3A_275 : vector<16xi32>
      %rem3A_277 = vector.broadcast %jit3A_256 : i32 to vector<16xi32>
      %rem3A_278 = arith.remsi %add3A_255, %rem3A_277 : vector<16xi32>
      %ne3A_279 = arith.constant 0 : i32
      %ne3A_280 = vector.broadcast %ne3A_279 : i32 to vector<16xi32>
      %ne3A_281 = arith.cmpi ne, %rem3A_278, %ne3A_280 : vector<16xi32>
      %and3A_282 = arith.andi %ne3A_276, %ne3A_281 : vector<16xi1>
      %sub3A_283 = arith.constant 1 : i32
      %sub3A_284 = vector.broadcast %sub3A_283 : i32 to vector<16xi32>
      %sub3A_285 = arith.subi %div3A_258, %sub3A_284 : vector<16xi32>
      %select_n3A_286 = arith.select %and3A_282, %sub3A_285, %div3A_258 : vector<16xi1>, vector<16xi32>
      %add3A_287 = arith.constant 48 : i32
      %add3A_288 = vector.broadcast %add3A_287 : i32 to vector<16xi32>
      %add3A_289 = arith.addi %add3A_288, %iota3A : vector<16xi32>
      %jit3A_290 = arith.constant 8 : i32
      %div3A_291 = vector.broadcast %jit3A_290 : i32 to vector<16xi32>
      %div3A_292 = arith.divsi %add3A_289, %div3A_291 : vector<16xi32>
      %sign3A_293 = arith.constant 0 : i32
      %sign3A_294 = vector.broadcast %sign3A_293 : i32 to vector<16xi32>
      %sign3A_295 = arith.cmpi sgt, %add3A_289, %sign3A_294 : vector<16xi32>
      %sign3A_296 = arith.extui %sign3A_295 : vector<16xi1> to vector<16xi32>
      %sign3A_297 = arith.constant 0 : i32
      %sign3A_298 = vector.broadcast %sign3A_297 : i32 to vector<16xi32>
      %sign3A_299 = arith.cmpi slt, %add3A_289, %sign3A_298 : vector<16xi32>
      %sign3A_300 = arith.extui %sign3A_299 : vector<16xi1> to vector<16xi32>
      %sign3A_301 = arith.subi %sign3A_296, %sign3A_300 : vector<16xi32>
      %sign3A_302 = arith.constant 0 : i32
      %sign3A_303 = arith.cmpi sgt, %jit3A_290, %sign3A_302 : i32
      %sign3A_304 = arith.extui %sign3A_303 : i1 to i32
      %sign3A_305 = arith.constant 0 : i32
      %sign3A_306 = arith.cmpi slt, %jit3A_290, %sign3A_305 : i32
      %sign3A_307 = arith.extui %sign3A_306 : i1 to i32
      %sign3A_308 = arith.subi %sign3A_304, %sign3A_307 : i32
      %ne3A_309 = vector.broadcast %sign3A_308 : i32 to vector<16xi32>
      %ne3A_310 = arith.cmpi ne, %sign3A_301, %ne3A_309 : vector<16xi32>
      %rem3A_311 = vector.broadcast %jit3A_290 : i32 to vector<16xi32>
      %rem3A_312 = arith.remsi %add3A_289, %rem3A_311 : vector<16xi32>
      %ne3A_313 = arith.constant 0 : i32
      %ne3A_314 = vector.broadcast %ne3A_313 : i32 to vector<16xi32>
      %ne3A_315 = arith.cmpi ne, %rem3A_312, %ne3A_314 : vector<16xi32>
      %and3A_316 = arith.andi %ne3A_310, %ne3A_315 : vector<16xi1>
      %sub3A_317 = arith.constant 1 : i32
      %sub3A_318 = vector.broadcast %sub3A_317 : i32 to vector<16xi32>
      %sub3A_319 = arith.subi %div3A_292, %sub3A_318 : vector<16xi32>
      %select_n3A_320 = arith.select %and3A_316, %sub3A_319, %div3A_292 : vector<16xi1>, vector<16xi32>
      %add3A_321 = arith.constant 0 : i32
      %add3A_322 = vector.broadcast %add3A_321 : i32 to vector<16xi32>
      %add3A_323 = arith.addi %add3A_322, %iota3A : vector<16xi32>
      %jit3A_324 = arith.constant 8 : i32
      %eq3A = arith.constant 0 : i32
      %eq3A_325 = arith.cmpi eq, %jit3A_324, %eq3A : i32
      %jit3A_326 = arith.constant 1 : i32
      %select_n3A_327 = arith.select %eq3A_325, %jit3A_326, %jit3A_324 : i32
      %rem3A_328 = vector.broadcast %select_n3A_327 : i32 to vector<16xi32>
      %rem3A_329 = arith.remsi %add3A_323, %rem3A_328 : vector<16xi32>
      %ne3A_330 = arith.constant 0 : i32
      %ne3A_331 = vector.broadcast %ne3A_330 : i32 to vector<16xi32>
      %ne3A_332 = arith.cmpi ne, %rem3A_329, %ne3A_331 : vector<16xi32>
      %lt3A_333 = arith.constant 0 : i32
      %lt3A_334 = vector.broadcast %lt3A_333 : i32 to vector<16xi32>
      %lt3A_335 = arith.cmpi slt, %rem3A_329, %lt3A_334 : vector<16xi32>
      %lt3A_336 = arith.constant 0 : i32
      %lt3A_337 = arith.cmpi slt, %select_n3A_327, %lt3A_336 : i32
      %ne3A_338 = vector.broadcast %lt3A_337 : i1 to vector<16xi1>
      %ne3A_339 = vector.broadcast %ne3A_338 : vector<16xi1> to vector<16xi1>
      %ne3A_340 = arith.xori %lt3A_335, %ne3A_339 : vector<16xi1>
      %and3A_341 = arith.andi %ne3A_340, %ne3A_332 : vector<16xi1>
      %add3A_342 = vector.broadcast %select_n3A_327 : i32 to vector<16xi32>
      %add3A_343 = arith.addi %rem3A_329, %add3A_342 : vector<16xi32>
      %select_n3A_344 = arith.select %and3A_341, %add3A_343, %rem3A_329 : vector<16xi1>, vector<16xi32>
      %add3A_345 = arith.constant 16 : i32
      %add3A_346 = vector.broadcast %add3A_345 : i32 to vector<16xi32>
      %add3A_347 = arith.addi %add3A_346, %iota3A : vector<16xi32>
      %jit3A_348 = arith.constant 8 : i32
      %eq3A_349 = arith.constant 0 : i32
      %eq3A_350 = arith.cmpi eq, %jit3A_348, %eq3A_349 : i32
      %jit3A_351 = arith.constant 1 : i32
      %select_n3A_352 = arith.select %eq3A_350, %jit3A_351, %jit3A_348 : i32
      %rem3A_353 = vector.broadcast %select_n3A_352 : i32 to vector<16xi32>
      %rem3A_354 = arith.remsi %add3A_347, %rem3A_353 : vector<16xi32>
      %ne3A_355 = arith.constant 0 : i32
      %ne3A_356 = vector.broadcast %ne3A_355 : i32 to vector<16xi32>
      %ne3A_357 = arith.cmpi ne, %rem3A_354, %ne3A_356 : vector<16xi32>
      %lt3A_358 = arith.constant 0 : i32
      %lt3A_359 = vector.broadcast %lt3A_358 : i32 to vector<16xi32>
      %lt3A_360 = arith.cmpi slt, %rem3A_354, %lt3A_359 : vector<16xi32>
      %lt3A_361 = arith.constant 0 : i32
      %lt3A_362 = arith.cmpi slt, %select_n3A_352, %lt3A_361 : i32
      %ne3A_363 = vector.broadcast %lt3A_362 : i1 to vector<16xi1>
      %ne3A_364 = vector.broadcast %ne3A_363 : vector<16xi1> to vector<16xi1>
      %ne3A_365 = arith.xori %lt3A_360, %ne3A_364 : vector<16xi1>
      %and3A_366 = arith.andi %ne3A_365, %ne3A_357 : vector<16xi1>
      %add3A_367 = vector.broadcast %select_n3A_352 : i32 to vector<16xi32>
      %add3A_368 = arith.addi %rem3A_354, %add3A_367 : vector<16xi32>
      %select_n3A_369 = arith.select %and3A_366, %add3A_368, %rem3A_354 : vector<16xi1>, vector<16xi32>
      %add3A_370 = arith.constant 32 : i32
      %add3A_371 = vector.broadcast %add3A_370 : i32 to vector<16xi32>
      %add3A_372 = arith.addi %add3A_371, %iota3A : vector<16xi32>
      %jit3A_373 = arith.constant 8 : i32
      %eq3A_374 = arith.constant 0 : i32
      %eq3A_375 = arith.cmpi eq, %jit3A_373, %eq3A_374 : i32
      %jit3A_376 = arith.constant 1 : i32
      %select_n3A_377 = arith.select %eq3A_375, %jit3A_376, %jit3A_373 : i32
      %rem3A_378 = vector.broadcast %select_n3A_377 : i32 to vector<16xi32>
      %rem3A_379 = arith.remsi %add3A_372, %rem3A_378 : vector<16xi32>
      %ne3A_380 = arith.constant 0 : i32
      %ne3A_381 = vector.broadcast %ne3A_380 : i32 to vector<16xi32>
      %ne3A_382 = arith.cmpi ne, %rem3A_379, %ne3A_381 : vector<16xi32>
      %lt3A_383 = arith.constant 0 : i32
      %lt3A_384 = vector.broadcast %lt3A_383 : i32 to vector<16xi32>
      %lt3A_385 = arith.cmpi slt, %rem3A_379, %lt3A_384 : vector<16xi32>
      %lt3A_386 = arith.constant 0 : i32
      %lt3A_387 = arith.cmpi slt, %select_n3A_377, %lt3A_386 : i32
      %ne3A_388 = vector.broadcast %lt3A_387 : i1 to vector<16xi1>
      %ne3A_389 = vector.broadcast %ne3A_388 : vector<16xi1> to vector<16xi1>
      %ne3A_390 = arith.xori %lt3A_385, %ne3A_389 : vector<16xi1>
      %and3A_391 = arith.andi %ne3A_390, %ne3A_382 : vector<16xi1>
      %add3A_392 = vector.broadcast %select_n3A_377 : i32 to vector<16xi32>
      %add3A_393 = arith.addi %rem3A_379, %add3A_392 : vector<16xi32>
      %select_n3A_394 = arith.select %and3A_391, %add3A_393, %rem3A_379 : vector<16xi1>, vector<16xi32>
      %add3A_395 = arith.constant 48 : i32
      %add3A_396 = vector.broadcast %add3A_395 : i32 to vector<16xi32>
      %add3A_397 = arith.addi %add3A_396, %iota3A : vector<16xi32>
      %jit3A_398 = arith.constant 8 : i32
      %eq3A_399 = arith.constant 0 : i32
      %eq3A_400 = arith.cmpi eq, %jit3A_398, %eq3A_399 : i32
      %jit3A_401 = arith.constant 1 : i32
      %select_n3A_402 = arith.select %eq3A_400, %jit3A_401, %jit3A_398 : i32
      %rem3A_403 = vector.broadcast %select_n3A_402 : i32 to vector<16xi32>
      %rem3A_404 = arith.remsi %add3A_397, %rem3A_403 : vector<16xi32>
      %ne3A_405 = arith.constant 0 : i32
      %ne3A_406 = vector.broadcast %ne3A_405 : i32 to vector<16xi32>
      %ne3A_407 = arith.cmpi ne, %rem3A_404, %ne3A_406 : vector<16xi32>
      %lt3A_408 = arith.constant 0 : i32
      %lt3A_409 = vector.broadcast %lt3A_408 : i32 to vector<16xi32>
      %lt3A_410 = arith.cmpi slt, %rem3A_404, %lt3A_409 : vector<16xi32>
      %lt3A_411 = arith.constant 0 : i32
      %lt3A_412 = arith.cmpi slt, %select_n3A_402, %lt3A_411 : i32
      %ne3A_413 = vector.broadcast %lt3A_412 : i1 to vector<16xi1>
      %ne3A_414 = vector.broadcast %ne3A_413 : vector<16xi1> to vector<16xi1>
      %ne3A_415 = arith.xori %lt3A_410, %ne3A_414 : vector<16xi1>
      %and3A_416 = arith.andi %ne3A_415, %ne3A_407 : vector<16xi1>
      %add3A_417 = vector.broadcast %select_n3A_402 : i32 to vector<16xi32>
      %add3A_418 = arith.addi %rem3A_404, %add3A_417 : vector<16xi32>
      %select_n3A_419 = arith.select %and3A_416, %add3A_418, %rem3A_404 : vector<16xi1>, vector<16xi32>
      %parallel_loop3A = arith.constant 0 : i32
      %parallel_loop3A_420 = arith.constant 128 : i32
      %parallel_loop3A_421 = arith.constant 1 : i32
      %parallel_loop3A_422 = arith.constant 0 : i32
      %parallel_loop3A_423 = arith.constant 0 : i32
      scf.for %parallel_loop3A_1621 = %parallel_loop3A to %parallel_loop3A_420 step %parallel_loop3A_421  : i32 {
        %parallel_loop3A_1622 = arith.constant 0 : i32
        %parallel_loop3A_1623 = vector.broadcast %parallel_loop3A_1622 : i32 to vector<16xi32>
        %parallel_loop3A_1624 = vector.broadcast %parallel_loop3A_1621 : i32 to vector<16xi32>
        %parallel_loop3A_1625 = arith.addi %parallel_loop3A_1623, %parallel_loop3A_1624 : vector<16xi32>
        %parallel_loop3A_1626 = arith.constant 0 : i32
        %parallel_loop3A_1627 = arith.constant 0 : i32
        %parallel_loop3A_1628 = tpu.memref_slice %arg6[%parallel_loop3A_422, %parallel_loop3A_1626, %parallel_loop3A_1627] : memref<5x128x64xf32, #tpu.memory_space<vmem>> -> memref<1x128x64xf32, #tpu.memory_space<vmem>>
        %parallel_loop3A_1629 = tpu.memref_squeeze %parallel_loop3A_1628 : memref<1x128x64xf32, #tpu.memory_space<vmem>> -> memref<128x64xf32, #tpu.memory_space<vmem>>
        %parallel_loop3A_1630 = arith.index_cast %parallel_loop3A_1621 : i32 to index
        %parallel_loop3A_1631 = arith.constant 0 : index
        %parallel_loop3A_1632 = tpu.vector_load %parallel_loop3A_1629[%parallel_loop3A_1630, %parallel_loop3A_1631] {strides = array<i32>} : memref<128x64xf32, #tpu.memory_space<vmem>>, vector<16xf32>,
        %parallel_loop3A_1633 = arith.constant 0 : i32
        %parallel_loop3A_1634 = arith.constant 0 : i32
        %parallel_loop3A_1635 = arith.constant 0 : i32
        %parallel_loop3A_1636 = tpu.memref_slice %arg7[%parallel_loop3A_423, %parallel_loop3A_1633, %parallel_loop3A_1634, %parallel_loop3A_1635] : memref<5x8x8x136xf32, #tpu.memory_space<vmem>> -> memref<1x8x8x136xf32, #tpu.memory_space<vmem>>
        %parallel_loop3A_1637 = tpu.memref_squeeze %parallel_loop3A_1636 : memref<1x8x8x136xf32, #tpu.memory_space<vmem>> -> memref<8x8x136xf32, #tpu.memory_space<vmem>>
        tpu.vector_store_idx %parallel_loop3A_1637[%select_n3A, %select_n3A_344, %parallel_loop3A_1625], %parallel_loop3A_1632 : memref<8x8x136xf32, #tpu.memory_space<vmem>>[vector<16xi32>, vector<16xi32>, vector<16xi32>], vector<16xf32>,
        %parallel_loop3A_1638 = arith.constant 0 : i32
        %parallel_loop3A_1639 = arith.constant 0 : i32
        %parallel_loop3A_1640 = tpu.memref_slice %arg6[%parallel_loop3A_422, %parallel_loop3A_1638, %parallel_loop3A_1639] : memref<5x128x64xf32, #tpu.memory_space<vmem>> -> memref<1x128x64xf32, #tpu.memory_space<vmem>>
        %parallel_loop3A_1641 = tpu.memref_squeeze %parallel_loop3A_1640 : memref<1x128x64xf32, #tpu.memory_space<vmem>> -> memref<128x64xf32, #tpu.memory_space<vmem>>
        %parallel_loop3A_1642 = arith.index_cast %parallel_loop3A_1621 : i32 to index
        %parallel_loop3A_1643 = arith.constant 16 : index
        %parallel_loop3A_1644 = tpu.vector_load %parallel_loop3A_1641[%parallel_loop3A_1642, %parallel_loop3A_1643] {strides = array<i32>} : memref<128x64xf32, #tpu.memory_space<vmem>>, vector<16xf32>,
        %parallel_loop3A_1645 = arith.constant 0 : i32
        %parallel_loop3A_1646 = arith.constant 0 : i32
        %parallel_loop3A_1647 = arith.constant 0 : i32
        %parallel_loop3A_1648 = tpu.memref_slice %arg7[%parallel_loop3A_423, %parallel_loop3A_1645, %parallel_loop3A_1646, %parallel_loop3A_1647] : memref<5x8x8x136xf32, #tpu.memory_space<vmem>> -> memref<1x8x8x136xf32, #tpu.memory_space<vmem>>
        %parallel_loop3A_1649 = tpu.memref_squeeze %parallel_loop3A_1648 : memref<1x8x8x136xf32, #tpu.memory_space<vmem>> -> memref<8x8x136xf32, #tpu.memory_space<vmem>>
        tpu.vector_store_idx %parallel_loop3A_1649[%select_n3A_252, %select_n3A_369, %parallel_loop3A_1625], %parallel_loop3A_1644 : memref<8x8x136xf32, #tpu.memory_space<vmem>>[vector<16xi32>, vector<16xi32>, vector<16xi32>], vector<16xf32>,
        %parallel_loop3A_1650 = arith.constant 0 : i32
        %parallel_loop3A_1651 = arith.constant 0 : i32
        %parallel_loop3A_1652 = tpu.memref_slice %arg6[%parallel_loop3A_422, %parallel_loop3A_1650, %parallel_loop3A_1651] : memref<5x128x64xf32, #tpu.memory_space<vmem>> -> memref<1x128x64xf32, #tpu.memory_space<vmem>>
        %parallel_loop3A_1653 = tpu.memref_squeeze %parallel_loop3A_1652 : memref<1x128x64xf32, #tpu.memory_space<vmem>> -> memref<128x64xf32, #tpu.memory_space<vmem>>
        %parallel_loop3A_1654 = arith.index_cast %parallel_loop3A_1621 : i32 to index
        %parallel_loop3A_1655 = arith.constant 32 : index
        %parallel_loop3A_1656 = tpu.vector_load %parallel_loop3A_1653[%parallel_loop3A_1654, %parallel_loop3A_1655] {strides = array<i32>} : memref<128x64xf32, #tpu.memory_space<vmem>>, vector<16xf32>,
        %parallel_loop3A_1657 = arith.constant 0 : i32
        %parallel_loop3A_1658 = arith.constant 0 : i32
        %parallel_loop3A_1659 = arith.constant 0 : i32
        %parallel_loop3A_1660 = tpu.memref_slice %arg7[%parallel_loop3A_423, %parallel_loop3A_1657, %parallel_loop3A_1658, %parallel_loop3A_1659] : memref<5x8x8x136xf32, #tpu.memory_space<vmem>> -> memref<1x8x8x136xf32, #tpu.memory_space<vmem>>
        %parallel_loop3A_1661 = tpu.memref_squeeze %parallel_loop3A_1660 : memref<1x8x8x136xf32, #tpu.memory_space<vmem>> -> memref<8x8x136xf32, #tpu.memory_space<vmem>>
        tpu.vector_store_idx %parallel_loop3A_1661[%select_n3A_286, %select_n3A_394, %parallel_loop3A_1625], %parallel_loop3A_1656 : memref<8x8x136xf32, #tpu.memory_space<vmem>>[vector<16xi32>, vector<16xi32>, vector<16xi32>], vector<16xf32>,
        %parallel_loop3A_1662 = arith.constant 0 : i32
        %parallel_loop3A_1663 = arith.constant 0 : i32
        %parallel_loop3A_1664 = tpu.memref_slice %arg6[%parallel_loop3A_422, %parallel_loop3A_1662, %parallel_loop3A_1663] : memref<5x128x64xf32, #tpu.memory_space<vmem>> -> memref<1x128x64xf32, #tpu.memory_space<vmem>>
        %parallel_loop3A_1665 = tpu.memref_squeeze %parallel_loop3A_1664 : memref<1x128x64xf32, #tpu.memory_space<vmem>> -> memref<128x64xf32, #tpu.memory_space<vmem>>
        %parallel_loop3A_1666 = arith.index_cast %parallel_loop3A_1621 : i32 to index
        %parallel_loop3A_1667 = arith.constant 48 : index
        %parallel_loop3A_1668 = tpu.vector_load %parallel_loop3A_1665[%parallel_loop3A_1666, %parallel_loop3A_1667] {strides = array<i32>} : memref<128x64xf32, #tpu.memory_space<vmem>>, vector<16xf32>,
        %parallel_loop3A_1669 = arith.constant 0 : i32
        %parallel_loop3A_1670 = arith.constant 0 : i32
        %parallel_loop3A_1671 = arith.constant 0 : i32
        %parallel_loop3A_1672 = tpu.memref_slice %arg7[%parallel_loop3A_423, %parallel_loop3A_1669, %parallel_loop3A_1670, %parallel_loop3A_1671] : memref<5x8x8x136xf32, #tpu.memory_space<vmem>> -> memref<1x8x8x136xf32, #tpu.memory_space<vmem>>
        %parallel_loop3A_1673 = tpu.memref_squeeze %parallel_loop3A_1672 : memref<1x8x8x136xf32, #tpu.memory_space<vmem>> -> memref<8x8x136xf32, #tpu.memory_space<vmem>>
        tpu.vector_store_idx %parallel_loop3A_1673[%select_n3A_320, %select_n3A_419, %parallel_loop3A_1625], %parallel_loop3A_1668 : memref<8x8x136xf32, #tpu.memory_space<vmem>>[vector<16xi32>, vector<16xi32>, vector<16xi32>], vector<16xf32>,
      } {sc.loop_unroll_factor = 1 : i64, sc.parallel_access}
      %dma_start3A_424 = arith.constant 0 : i32
      %dma_start3A_425 = arith.constant 0 : i32
      %dma_start3A_426 = arith.constant 0 : i32
      %dma_start3A_427 = arith.constant 0 : i32
      %dma_start3A_428 = tpu.memref_slice %arg7[%dma_start3A_424, %dma_start3A_425, %dma_start3A_426, %dma_start3A_427] : memref<5x8x8x136xf32, #tpu.memory_space<vmem>> -> memref<1x8x8x128xf32, #tpu.memory_space<vmem>>
      %dma_start3A_429 = tpu.memref_squeeze %dma_start3A_428 : memref<1x8x8x128xf32, #tpu.memory_space<vmem>> -> memref<8x8x128xf32, #tpu.memory_space<vmem>>
      %dma_start3A_430 = arith.constant 0 : i32
      %dma_start3A_431 = arith.constant 0 : i32
      %dma_start3A_432 = arith.constant 0 : i32
      %dma_start3A_433 = tpu.memref_slice %arg4[%add3A_169, %dma_start3A_430, %add3A, %dma_start3A_431, %dma_start3A_432] : memref<200x8x32x8x128xf32, #tpu.memory_space<hbm>> -> memref<1x8x1x8x128xf32, #tpu.memory_space<hbm>>
      %dma_start3A_434 = tpu.memref_squeeze %dma_start3A_433 : memref<1x8x1x8x128xf32, #tpu.memory_space<hbm>> -> memref<8x8x128xf32, #tpu.memory_space<hbm>>
      %dma_start3A_435 = arith.constant 0 : i32
      %dma_start3A_436 = arith.constant 0 : i32
      %dma_start3A_437 = arith.constant 0 : i32
      %dma_start3A_438 = tpu.memref_slice %arg4[%add3A_169, %dma_start3A_435, %add3A, %dma_start3A_436, %dma_start3A_437] : memref<200x8x32x8x128xf32, #tpu.memory_space<hbm>> -> memref<1x8x1x8x128xf32, #tpu.memory_space<hbm>>
      %dma_start3A_439 = tpu.memref_squeeze %dma_start3A_438 : memref<1x8x1x8x128xf32, #tpu.memory_space<hbm>> -> memref<8x8x128xf32, #tpu.memory_space<hbm>>
      %dma_start3A_440 = arith.constant 0 : i32
      %dma_start3A_441 = arith.constant 0 : i32
      %dma_start3A_442 = arith.constant 0 : i32
      %dma_start3A_443 = tpu.memref_slice %arg7[%dma_start3A_424, %dma_start3A_440, %dma_start3A_441, %dma_start3A_442] : memref<5x8x8x136xf32, #tpu.memory_space<vmem>> -> memref<1x8x8x128xf32, #tpu.memory_space<vmem>>
      %dma_start3A_444 = tpu.memref_squeeze %dma_start3A_443 : memref<1x8x8x128xf32, #tpu.memory_space<vmem>> -> memref<8x8x128xf32, #tpu.memory_space<vmem>>
      tpu.enqueue_dma source(%dma_start3A_444 : memref<8x8x128xf32, #tpu.memory_space<vmem>>) target(%dma_start3A_439 : memref<8x8x128xf32, #tpu.memory_space<hbm>>) target_semaphore(%arg13 : memref<!tpu.dma_semaphore, #tpu.memory_space<semaphore_mem>>)
      %mul3A_445 = arith.constant 5 : i32
      %mul3A_446 = arith.muli %scan3A_165, %mul3A_445 : i32
      %add3A_447 = arith.constant 1 : i32
      %add3A_448 = arith.addi %mul3A_446, %add3A_447 : i32
      %add3A_449 = arith.constant 5 : i32
      %add3A_450 = arith.addi %add3A_448, %add3A_449 : i32
      %sub3A_451 = arith.constant 1 : i32
      %sub3A_452 = arith.subi %add3A_450, %sub3A_451 : i32
      %lt3A_453 = arith.constant 200 : i32
      %lt3A_454 = arith.cmpi slt, %sub3A_452, %lt3A_453 : i32
      %convert_element_type3A_455 = arith.extui %lt3A_454 : i1 to i32
      %cond3A_456 = arith.constant 0 : i32
      %cond3A_457 = arith.cmpi ne, %convert_element_type3A_455, %cond3A_456 : i32
      scf.if %cond3A_457 {
        %add3A_1621 = arith.constant 5 : i32
        %add3A_1622 = arith.addi %add3A_448, %add3A_1621 : i32
        %sub3A_1623 = arith.constant 1 : i32
        %sub3A_1624 = arith.subi %add3A_1622, %sub3A_1623 : i32
        %jit3A_1625 = arith.constant 8 : i32
        %div3A_1626 = arith.divsi %sub3A_1624, %jit3A_1625 : i32
        %sign3A_1627 = arith.constant 0 : i32
        %sign3A_1628 = arith.cmpi sgt, %sub3A_1624, %sign3A_1627 : i32
        %sign3A_1629 = arith.extui %sign3A_1628 : i1 to i32
        %sign3A_1630 = arith.constant 0 : i32
        %sign3A_1631 = arith.cmpi slt, %sub3A_1624, %sign3A_1630 : i32
        %sign3A_1632 = arith.extui %sign3A_1631 : i1 to i32
        %sign3A_1633 = arith.subi %sign3A_1629, %sign3A_1632 : i32
        %sign3A_1634 = arith.constant 0 : i32
        %sign3A_1635 = arith.cmpi sgt, %jit3A_1625, %sign3A_1634 : i32
        %sign3A_1636 = arith.extui %sign3A_1635 : i1 to i32
        %sign3A_1637 = arith.constant 0 : i32
        %sign3A_1638 = arith.cmpi slt, %jit3A_1625, %sign3A_1637 : i32
        %sign3A_1639 = arith.extui %sign3A_1638 : i1 to i32
        %sign3A_1640 = arith.subi %sign3A_1636, %sign3A_1639 : i32
        %ne3A_1641 = arith.cmpi ne, %sign3A_1633, %sign3A_1640 : i32
        %rem3A_1642 = arith.remsi %sub3A_1624, %jit3A_1625 : i32
        %ne3A_1643 = arith.constant 0 : i32
        %ne3A_1644 = arith.cmpi ne, %rem3A_1642, %ne3A_1643 : i32
        %and3A_1645 = arith.andi %ne3A_1641, %ne3A_1644 : i1
        %sub3A_1646 = arith.constant 1 : i32
        %sub3A_1647 = arith.subi %div3A_1626, %sub3A_1646 : i32
        %select_n3A_1648 = arith.select %and3A_1645, %sub3A_1647, %div3A_1626 : i32
        %jit3A_1649 = arith.constant 8 : i32
        %eq3A_1650 = arith.constant 0 : i32
        %eq3A_1651 = arith.cmpi eq, %jit3A_1649, %eq3A_1650 : i32
        %jit3A_1652 = arith.constant 1 : i32
        %select_n3A_1653 = arith.select %eq3A_1651, %jit3A_1652, %jit3A_1649 : i32
        %rem3A_1654 = arith.remsi %sub3A_1624, %select_n3A_1653 : i32
        %ne3A_1655 = arith.constant 0 : i32
        %ne3A_1656 = arith.cmpi ne, %rem3A_1654, %ne3A_1655 : i32
        %lt3A_1657 = arith.constant 0 : i32
        %lt3A_1658 = arith.cmpi slt, %rem3A_1654, %lt3A_1657 : i32
        %lt3A_1659 = arith.constant 0 : i32
        %lt3A_1660 = arith.cmpi slt, %select_n3A_1653, %lt3A_1659 : i32
        %ne3A_1661 = arith.xori %lt3A_1658, %lt3A_1660 : i1
        %and3A_1662 = arith.andi %ne3A_1661, %ne3A_1656 : i1
        %add3A_1663 = arith.addi %rem3A_1654, %select_n3A_1653 : i32
        %select_n3A_1664 = arith.select %and3A_1662, %add3A_1663, %rem3A_1654 : i32
        %dma_start3A_1665 = arith.constant 0 : i32
        %dma_start3A_1666 = arith.constant 0 : i32
        %dma_start3A_1667 = arith.constant 0 : i32
        %dma_start3A_1668 = tpu.memref_slice %arg6[%dma_start3A_1665, %dma_start3A_1666, %dma_start3A_1667] : memref<5x128x64xf32, #tpu.memory_space<vmem>> -> memref<1x128x64xf32, #tpu.memory_space<vmem>>
        %dma_start3A_1669 = tpu.memref_squeeze %dma_start3A_1668 : memref<1x128x64xf32, #tpu.memory_space<vmem>> -> memref<128x64xf32, #tpu.memory_space<vmem>>
        %dma_start3A_1670 = arith.constant 0 : i32
        %dma_start3A_1671 = tpu.memref_slice %arg5[%select_n3A_1648, %select_n3A_1664, %dma_start3A_1670] : memref<25x8x128xi32, #tpu.memory_space<vmem>> -> memref<1x1x128xi32, #tpu.memory_space<vmem>>
        %dma_start3A_1672 = tpu.memref_squeeze %dma_start3A_1671 : memref<1x1x128xi32, #tpu.memory_space<vmem>> -> memref<128xi32, #tpu.memory_space<vmem>>
        %dma_start3A_1673 = arith.constant 0 : i32
        %dma_start3A_1674 = arith.constant 0 : i32
        %dma_start3A_1675 = tpu.memref_slice %arg3[%dma_start3A_1673, %dma_start3A_1674] : memref<32768x64xf32, #tpu.memory_space<hbm>> -> memref<32768x64xf32, #tpu.memory_space<hbm>>
        tpu.enqueue_indirect_dma source(%dma_start3A_1675 : memref<32768x64xf32, #tpu.memory_space<hbm>>) target(%dma_start3A_1669 : memref<128x64xf32, #tpu.memory_space<vmem>>) offsets(%dma_start3A_1672 : memref<128xi32, #tpu.memory_space<vmem>>) semaphore(%arg8 : memref<!tpu.dma_semaphore, #tpu.memory_space<semaphore_mem>>)
      } else {
      }
      %dma_wait3A_458 = arith.constant 0 : i32
      %dma_wait3A_459 = arith.constant 0 : i32
      %dma_wait3A_460 = arith.constant 1 : i32
      %dma_wait3A_461 = arith.constant 0 : i32
      %dma_wait3A_462 = arith.constant 0 : i32
      %dma_wait3A_463 = tpu.memref_slice %arg6[%dma_wait3A_460, %dma_wait3A_461, %dma_wait3A_462] : memref<5x128x64xf32, #tpu.memory_space<vmem>> -> memref<1x128x64xf32, #tpu.memory_space<vmem>>
      %dma_wait3A_464 = tpu.memref_squeeze %dma_wait3A_463 : memref<1x128x64xf32, #tpu.memory_space<vmem>> -> memref<128x64xf32, #tpu.memory_space<vmem>>
      %dma_wait3A_465 = arith.constant 0 : i32
      %dma_wait3A_466 = tpu.memref_slice %arg5[%dma_wait3A_458, %dma_wait3A_459, %dma_wait3A_465] : memref<25x8x128xi32, #tpu.memory_space<vmem>> -> memref<1x1x128xi32, #tpu.memory_space<vmem>>
      %dma_wait3A_467 = tpu.memref_squeeze %dma_wait3A_466 : memref<1x1x128xi32, #tpu.memory_space<vmem>> -> memref<128xi32, #tpu.memory_space<vmem>>
      %dma_wait3A_468 = arith.constant 0 : i32
      %dma_wait3A_469 = arith.constant 0 : i32
      %dma_wait3A_470 = tpu.memref_slice %arg3[%dma_wait3A_468, %dma_wait3A_469] : memref<32768x64xf32, #tpu.memory_space<hbm>> -> memref<32768x64xf32, #tpu.memory_space<hbm>>
      tpu.wait_indirect_dma semaphore(%arg9 : memref<!tpu.dma_semaphore, #tpu.memory_space<semaphore_mem>>) src(%dma_wait3A_470 : memref<32768x64xf32, #tpu.memory_space<hbm>>) dst(%dma_wait3A_464 : memref<128x64xf32, #tpu.memory_space<vmem>>)
      %ge3A_471 = arith.constant 5 : i32
      %ge3A_472 = arith.cmpi sge, %add3A_448, %ge3A_471 : i32
      %convert_element_type3A_473 = arith.extui %ge3A_472 : i1 to i32
      %cond3A_474 = arith.constant 0 : i32
      %cond3A_475 = arith.cmpi ne, %convert_element_type3A_473, %cond3A_474 : i32
      scf.if %cond3A_475 {
        %dma_wait3A_1621 = arith.constant 0 : i32
        %dma_wait3A_1622 = arith.constant 0 : i32
        %dma_wait3A_1623 = arith.constant 0 : i32
        %dma_wait3A_1624 = arith.constant 0 : i32
        %dma_wait3A_1625 = arith.constant 0 : i32
        %dma_wait3A_1626 = tpu.memref_slice %arg7[%dma_wait3A_1621, %dma_wait3A_1623, %dma_wait3A_1624, %dma_wait3A_1625] : memref<5x8x8x136xf32, #tpu.memory_space<vmem>> -> memref<1x8x8x128xf32, #tpu.memory_space<vmem>>
        %dma_wait3A_1627 = tpu.memref_squeeze %dma_wait3A_1626 : memref<1x8x8x128xf32, #tpu.memory_space<vmem>> -> memref<8x8x128xf32, #tpu.memory_space<vmem>>
        %dma_wait3A_1628 = arith.constant 0 : i32
        %dma_wait3A_1629 = arith.constant 0 : i32
        %dma_wait3A_1630 = arith.constant 0 : i32
        %dma_wait3A_1631 = tpu.memref_slice %arg4[%dma_wait3A_1622, %dma_wait3A_1628, %add3A, %dma_wait3A_1629, %dma_wait3A_1630] : memref<200x8x32x8x128xf32, #tpu.memory_space<hbm>> -> memref<1x8x1x8x128xf32, #tpu.memory_space<hbm>>
        %dma_wait3A_1632 = tpu.memref_squeeze %dma_wait3A_1631 : memref<1x8x1x8x128xf32, #tpu.memory_space<hbm>> -> memref<8x8x128xf32, #tpu.memory_space<hbm>>
        %dma_wait3A_1633 = arith.constant 0 : i32
        %dma_wait3A_1634 = arith.constant 0 : i32
        %dma_wait3A_1635 = arith.constant 0 : i32
        %dma_wait3A_1636 = tpu.memref_slice %arg4[%dma_wait3A_1622, %dma_wait3A_1633, %add3A, %dma_wait3A_1634, %dma_wait3A_1635] : memref<200x8x32x8x128xf32, #tpu.memory_space<hbm>> -> memref<1x8x1x8x128xf32, #tpu.memory_space<hbm>>
        %dma_wait3A_1637 = tpu.memref_squeeze %dma_wait3A_1636 : memref<1x8x1x8x128xf32, #tpu.memory_space<hbm>> -> memref<8x8x128xf32, #tpu.memory_space<hbm>>
        %dma_wait3A_1638 = arith.constant 0 : i32
        %dma_wait3A_1639 = arith.constant 0 : i32
        %dma_wait3A_1640 = arith.constant 0 : i32
        %dma_wait3A_1641 = tpu.memref_slice %arg7[%dma_wait3A_1621, %dma_wait3A_1638, %dma_wait3A_1639, %dma_wait3A_1640] : memref<5x8x8x136xf32, #tpu.memory_space<vmem>> -> memref<1x8x8x128xf32, #tpu.memory_space<vmem>>
        %dma_wait3A_1642 = tpu.memref_squeeze %dma_wait3A_1641 : memref<1x8x8x128xf32, #tpu.memory_space<vmem>> -> memref<8x8x128xf32, #tpu.memory_space<vmem>>
        tpu.wait_dma2 semaphore(%arg14 : memref<!tpu.dma_semaphore, #tpu.memory_space<semaphore_mem>>) src(%dma_wait3A_1642 : memref<8x8x128xf32, #tpu.memory_space<vmem>>) dst(%dma_wait3A_1637 : memref<8x8x128xf32, #tpu.memory_space<hbm>>)
      } else {
      }
      %iota3A_476 = tpu.iota {dimensions = array<i32: 0>} : vector<16xi32>
      %add3A_477 = arith.constant 0 : i32
      %add3A_478 = vector.broadcast %add3A_477 : i32 to vector<16xi32>
      %add3A_479 = arith.addi %add3A_478, %iota3A_476 : vector<16xi32>
      %jit3A_480 = arith.constant 8 : i32
      %div3A_481 = vector.broadcast %jit3A_480 : i32 to vector<16xi32>
      %div3A_482 = arith.divsi %add3A_479, %div3A_481 : vector<16xi32>
      %sign3A_483 = arith.constant 0 : i32
      %sign3A_484 = vector.broadcast %sign3A_483 : i32 to vector<16xi32>
      %sign3A_485 = arith.cmpi sgt, %add3A_479, %sign3A_484 : vector<16xi32>
      %sign3A_486 = arith.extui %sign3A_485 : vector<16xi1> to vector<16xi32>
      %sign3A_487 = arith.constant 0 : i32
      %sign3A_488 = vector.broadcast %sign3A_487 : i32 to vector<16xi32>
      %sign3A_489 = arith.cmpi slt, %add3A_479, %sign3A_488 : vector<16xi32>
      %sign3A_490 = arith.extui %sign3A_489 : vector<16xi1> to vector<16xi32>
      %sign3A_491 = arith.subi %sign3A_486, %sign3A_490 : vector<16xi32>
      %sign3A_492 = arith.constant 0 : i32
      %sign3A_493 = arith.cmpi sgt, %jit3A_480, %sign3A_492 : i32
      %sign3A_494 = arith.extui %sign3A_493 : i1 to i32
      %sign3A_495 = arith.constant 0 : i32
      %sign3A_496 = arith.cmpi slt, %jit3A_480, %sign3A_495 : i32
      %sign3A_497 = arith.extui %sign3A_496 : i1 to i32
      %sign3A_498 = arith.subi %sign3A_494, %sign3A_497 : i32
      %ne3A_499 = vector.broadcast %sign3A_498 : i32 to vector<16xi32>
      %ne3A_500 = arith.cmpi ne, %sign3A_491, %ne3A_499 : vector<16xi32>
      %rem3A_501 = vector.broadcast %jit3A_480 : i32 to vector<16xi32>
      %rem3A_502 = arith.remsi %add3A_479, %rem3A_501 : vector<16xi32>
      %ne3A_503 = arith.constant 0 : i32
      %ne3A_504 = vector.broadcast %ne3A_503 : i32 to vector<16xi32>
      %ne3A_505 = arith.cmpi ne, %rem3A_502, %ne3A_504 : vector<16xi32>
      %and3A_506 = arith.andi %ne3A_500, %ne3A_505 : vector<16xi1>
      %sub3A_507 = arith.constant 1 : i32
      %sub3A_508 = vector.broadcast %sub3A_507 : i32 to vector<16xi32>
      %sub3A_509 = arith.subi %div3A_482, %sub3A_508 : vector<16xi32>
      %select_n3A_510 = arith.select %and3A_506, %sub3A_509, %div3A_482 : vector<16xi1>, vector<16xi32>
      %add3A_511 = arith.constant 16 : i32
      %add3A_512 = vector.broadcast %add3A_511 : i32 to vector<16xi32>
      %add3A_513 = arith.addi %add3A_512, %iota3A_476 : vector<16xi32>
      %jit3A_514 = arith.constant 8 : i32
      %div3A_515 = vector.broadcast %jit3A_514 : i32 to vector<16xi32>
      %div3A_516 = arith.divsi %add3A_513, %div3A_515 : vector<16xi32>
      %sign3A_517 = arith.constant 0 : i32
      %sign3A_518 = vector.broadcast %sign3A_517 : i32 to vector<16xi32>
      %sign3A_519 = arith.cmpi sgt, %add3A_513, %sign3A_518 : vector<16xi32>
      %sign3A_520 = arith.extui %sign3A_519 : vector<16xi1> to vector<16xi32>
      %sign3A_521 = arith.constant 0 : i32
      %sign3A_522 = vector.broadcast %sign3A_521 : i32 to vector<16xi32>
      %sign3A_523 = arith.cmpi slt, %add3A_513, %sign3A_522 : vector<16xi32>
      %sign3A_524 = arith.extui %sign3A_523 : vector<16xi1> to vector<16xi32>
      %sign3A_525 = arith.subi %sign3A_520, %sign3A_524 : vector<16xi32>
      %sign3A_526 = arith.constant 0 : i32
      %sign3A_527 = arith.cmpi sgt, %jit3A_514, %sign3A_526 : i32
      %sign3A_528 = arith.extui %sign3A_527 : i1 to i32
      %sign3A_529 = arith.constant 0 : i32
      %sign3A_530 = arith.cmpi slt, %jit3A_514, %sign3A_529 : i32
      %sign3A_531 = arith.extui %sign3A_530 : i1 to i32
      %sign3A_532 = arith.subi %sign3A_528, %sign3A_531 : i32
      %ne3A_533 = vector.broadcast %sign3A_532 : i32 to vector<16xi32>
      %ne3A_534 = arith.cmpi ne, %sign3A_525, %ne3A_533 : vector<16xi32>
      %rem3A_535 = vector.broadcast %jit3A_514 : i32 to vector<16xi32>
      %rem3A_536 = arith.remsi %add3A_513, %rem3A_535 : vector<16xi32>
      %ne3A_537 = arith.constant 0 : i32
      %ne3A_538 = vector.broadcast %ne3A_537 : i32 to vector<16xi32>
      %ne3A_539 = arith.cmpi ne, %rem3A_536, %ne3A_538 : vector<16xi32>
      %and3A_540 = arith.andi %ne3A_534, %ne3A_539 : vector<16xi1>
      %sub3A_541 = arith.constant 1 : i32
      %sub3A_542 = vector.broadcast %sub3A_541 : i32 to vector<16xi32>
      %sub3A_543 = arith.subi %div3A_516, %sub3A_542 : vector<16xi32>
      %select_n3A_544 = arith.select %and3A_540, %sub3A_543, %div3A_516 : vector<16xi1>, vector<16xi32>
      %add3A_545 = arith.constant 32 : i32
      %add3A_546 = vector.broadcast %add3A_545 : i32 to vector<16xi32>
      %add3A_547 = arith.addi %add3A_546, %iota3A_476 : vector<16xi32>
      %jit3A_548 = arith.constant 8 : i32
      %div3A_549 = vector.broadcast %jit3A_548 : i32 to vector<16xi32>
      %div3A_550 = arith.divsi %add3A_547, %div3A_549 : vector<16xi32>
      %sign3A_551 = arith.constant 0 : i32
      %sign3A_552 = vector.broadcast %sign3A_551 : i32 to vector<16xi32>
      %sign3A_553 = arith.cmpi sgt, %add3A_547, %sign3A_552 : vector<16xi32>
      %sign3A_554 = arith.extui %sign3A_553 : vector<16xi1> to vector<16xi32>
      %sign3A_555 = arith.constant 0 : i32
      %sign3A_556 = vector.broadcast %sign3A_555 : i32 to vector<16xi32>
      %sign3A_557 = arith.cmpi slt, %add3A_547, %sign3A_556 : vector<16xi32>
      %sign3A_558 = arith.extui %sign3A_557 : vector<16xi1> to vector<16xi32>
      %sign3A_559 = arith.subi %sign3A_554, %sign3A_558 : vector<16xi32>
      %sign3A_560 = arith.constant 0 : i32
      %sign3A_561 = arith.cmpi sgt, %jit3A_548, %sign3A_560 : i32
      %sign3A_562 = arith.extui %sign3A_561 : i1 to i32
      %sign3A_563 = arith.constant 0 : i32
      %sign3A_564 = arith.cmpi slt, %jit3A_548, %sign3A_563 : i32
      %sign3A_565 = arith.extui %sign3A_564 : i1 to i32
      %sign3A_566 = arith.subi %sign3A_562, %sign3A_565 : i32
      %ne3A_567 = vector.broadcast %sign3A_566 : i32 to vector<16xi32>
      %ne3A_568 = arith.cmpi ne, %sign3A_559, %ne3A_567 : vector<16xi32>
      %rem3A_569 = vector.broadcast %jit3A_548 : i32 to vector<16xi32>
      %rem3A_570 = arith.remsi %add3A_547, %rem3A_569 : vector<16xi32>
      %ne3A_571 = arith.constant 0 : i32
      %ne3A_572 = vector.broadcast %ne3A_571 : i32 to vector<16xi32>
      %ne3A_573 = arith.cmpi ne, %rem3A_570, %ne3A_572 : vector<16xi32>
      %and3A_574 = arith.andi %ne3A_568, %ne3A_573 : vector<16xi1>
      %sub3A_575 = arith.constant 1 : i32
      %sub3A_576 = vector.broadcast %sub3A_575 : i32 to vector<16xi32>
      %sub3A_577 = arith.subi %div3A_550, %sub3A_576 : vector<16xi32>
      %select_n3A_578 = arith.select %and3A_574, %sub3A_577, %div3A_550 : vector<16xi1>, vector<16xi32>
      %add3A_579 = arith.constant 48 : i32
      %add3A_580 = vector.broadcast %add3A_579 : i32 to vector<16xi32>
      %add3A_581 = arith.addi %add3A_580, %iota3A_476 : vector<16xi32>
      %jit3A_582 = arith.constant 8 : i32
      %div3A_583 = vector.broadcast %jit3A_582 : i32 to vector<16xi32>
      %div3A_584 = arith.divsi %add3A_581, %div3A_583 : vector<16xi32>
      %sign3A_585 = arith.constant 0 : i32
      %sign3A_586 = vector.broadcast %sign3A_585 : i32 to vector<16xi32>
      %sign3A_587 = arith.cmpi sgt, %add3A_581, %sign3A_586 : vector<16xi32>
      %sign3A_588 = arith.extui %sign3A_587 : vector<16xi1> to vector<16xi32>
      %sign3A_589 = arith.constant 0 : i32
      %sign3A_590 = vector.broadcast %sign3A_589 : i32 to vector<16xi32>
      %sign3A_591 = arith.cmpi slt, %add3A_581, %sign3A_590 : vector<16xi32>
      %sign3A_592 = arith.extui %sign3A_591 : vector<16xi1> to vector<16xi32>
      %sign3A_593 = arith.subi %sign3A_588, %sign3A_592 : vector<16xi32>
      %sign3A_594 = arith.constant 0 : i32
      %sign3A_595 = arith.cmpi sgt, %jit3A_582, %sign3A_594 : i32
      %sign3A_596 = arith.extui %sign3A_595 : i1 to i32
      %sign3A_597 = arith.constant 0 : i32
      %sign3A_598 = arith.cmpi slt, %jit3A_582, %sign3A_597 : i32
      %sign3A_599 = arith.extui %sign3A_598 : i1 to i32
      %sign3A_600 = arith.subi %sign3A_596, %sign3A_599 : i32
      %ne3A_601 = vector.broadcast %sign3A_600 : i32 to vector<16xi32>
      %ne3A_602 = arith.cmpi ne, %sign3A_593, %ne3A_601 : vector<16xi32>
      %rem3A_603 = vector.broadcast %jit3A_582 : i32 to vector<16xi32>
      %rem3A_604 = arith.remsi %add3A_581, %rem3A_603 : vector<16xi32>
      %ne3A_605 = arith.constant 0 : i32
      %ne3A_606 = vector.broadcast %ne3A_605 : i32 to vector<16xi32>
      %ne3A_607 = arith.cmpi ne, %rem3A_604, %ne3A_606 : vector<16xi32>
      %and3A_608 = arith.andi %ne3A_602, %ne3A_607 : vector<16xi1>
      %sub3A_609 = arith.constant 1 : i32
      %sub3A_610 = vector.broadcast %sub3A_609 : i32 to vector<16xi32>
      %sub3A_611 = arith.subi %div3A_584, %sub3A_610 : vector<16xi32>
      %select_n3A_612 = arith.select %and3A_608, %sub3A_611, %div3A_584 : vector<16xi1>, vector<16xi32>
      %add3A_613 = arith.constant 0 : i32
      %add3A_614 = vector.broadcast %add3A_613 : i32 to vector<16xi32>
      %add3A_615 = arith.addi %add3A_614, %iota3A_476 : vector<16xi32>
      %jit3A_616 = arith.constant 8 : i32
      %eq3A_617 = arith.constant 0 : i32
      %eq3A_618 = arith.cmpi eq, %jit3A_616, %eq3A_617 : i32
      %jit3A_619 = arith.constant 1 : i32
      %select_n3A_620 = arith.select %eq3A_618, %jit3A_619, %jit3A_616 : i32
      %rem3A_621 = vector.broadcast %select_n3A_620 : i32 to vector<16xi32>
      %rem3A_622 = arith.remsi %add3A_615, %rem3A_621 : vector<16xi32>
      %ne3A_623 = arith.constant 0 : i32
      %ne3A_624 = vector.broadcast %ne3A_623 : i32 to vector<16xi32>
      %ne3A_625 = arith.cmpi ne, %rem3A_622, %ne3A_624 : vector<16xi32>
      %lt3A_626 = arith.constant 0 : i32
      %lt3A_627 = vector.broadcast %lt3A_626 : i32 to vector<16xi32>
      %lt3A_628 = arith.cmpi slt, %rem3A_622, %lt3A_627 : vector<16xi32>
      %lt3A_629 = arith.constant 0 : i32
      %lt3A_630 = arith.cmpi slt, %select_n3A_620, %lt3A_629 : i32
      %ne3A_631 = vector.broadcast %lt3A_630 : i1 to vector<16xi1>
      %ne3A_632 = vector.broadcast %ne3A_631 : vector<16xi1> to vector<16xi1>
      %ne3A_633 = arith.xori %lt3A_628, %ne3A_632 : vector<16xi1>
      %and3A_634 = arith.andi %ne3A_633, %ne3A_625 : vector<16xi1>
      %add3A_635 = vector.broadcast %select_n3A_620 : i32 to vector<16xi32>
      %add3A_636 = arith.addi %rem3A_622, %add3A_635 : vector<16xi32>
      %select_n3A_637 = arith.select %and3A_634, %add3A_636, %rem3A_622 : vector<16xi1>, vector<16xi32>
      %add3A_638 = arith.constant 16 : i32
      %add3A_639 = vector.broadcast %add3A_638 : i32 to vector<16xi32>
      %add3A_640 = arith.addi %add3A_639, %iota3A_476 : vector<16xi32>
      %jit3A_641 = arith.constant 8 : i32
      %eq3A_642 = arith.constant 0 : i32
      %eq3A_643 = arith.cmpi eq, %jit3A_641, %eq3A_642 : i32
      %jit3A_644 = arith.constant 1 : i32
      %select_n3A_645 = arith.select %eq3A_643, %jit3A_644, %jit3A_641 : i32
      %rem3A_646 = vector.broadcast %select_n3A_645 : i32 to vector<16xi32>
      %rem3A_647 = arith.remsi %add3A_640, %rem3A_646 : vector<16xi32>
      %ne3A_648 = arith.constant 0 : i32
      %ne3A_649 = vector.broadcast %ne3A_648 : i32 to vector<16xi32>
      %ne3A_650 = arith.cmpi ne, %rem3A_647, %ne3A_649 : vector<16xi32>
      %lt3A_651 = arith.constant 0 : i32
      %lt3A_652 = vector.broadcast %lt3A_651 : i32 to vector<16xi32>
      %lt3A_653 = arith.cmpi slt, %rem3A_647, %lt3A_652 : vector<16xi32>
      %lt3A_654 = arith.constant 0 : i32
      %lt3A_655 = arith.cmpi slt, %select_n3A_645, %lt3A_654 : i32
      %ne3A_656 = vector.broadcast %lt3A_655 : i1 to vector<16xi1>
      %ne3A_657 = vector.broadcast %ne3A_656 : vector<16xi1> to vector<16xi1>
      %ne3A_658 = arith.xori %lt3A_653, %ne3A_657 : vector<16xi1>
      %and3A_659 = arith.andi %ne3A_658, %ne3A_650 : vector<16xi1>
      %add3A_660 = vector.broadcast %select_n3A_645 : i32 to vector<16xi32>
      %add3A_661 = arith.addi %rem3A_647, %add3A_660 : vector<16xi32>
      %select_n3A_662 = arith.select %and3A_659, %add3A_661, %rem3A_647 : vector<16xi1>, vector<16xi32>
      %add3A_663 = arith.constant 32 : i32
      %add3A_664 = vector.broadcast %add3A_663 : i32 to vector<16xi32>
      %add3A_665 = arith.addi %add3A_664, %iota3A_476 : vector<16xi32>
      %jit3A_666 = arith.constant 8 : i32
      %eq3A_667 = arith.constant 0 : i32
      %eq3A_668 = arith.cmpi eq, %jit3A_666, %eq3A_667 : i32
      %jit3A_669 = arith.constant 1 : i32
      %select_n3A_670 = arith.select %eq3A_668, %jit3A_669, %jit3A_666 : i32
      %rem3A_671 = vector.broadcast %select_n3A_670 : i32 to vector<16xi32>
      %rem3A_672 = arith.remsi %add3A_665, %rem3A_671 : vector<16xi32>
      %ne3A_673 = arith.constant 0 : i32
      %ne3A_674 = vector.broadcast %ne3A_673 : i32 to vector<16xi32>
      %ne3A_675 = arith.cmpi ne, %rem3A_672, %ne3A_674 : vector<16xi32>
      %lt3A_676 = arith.constant 0 : i32
      %lt3A_677 = vector.broadcast %lt3A_676 : i32 to vector<16xi32>
      %lt3A_678 = arith.cmpi slt, %rem3A_672, %lt3A_677 : vector<16xi32>
      %lt3A_679 = arith.constant 0 : i32
      %lt3A_680 = arith.cmpi slt, %select_n3A_670, %lt3A_679 : i32
      %ne3A_681 = vector.broadcast %lt3A_680 : i1 to vector<16xi1>
      %ne3A_682 = vector.broadcast %ne3A_681 : vector<16xi1> to vector<16xi1>
      %ne3A_683 = arith.xori %lt3A_678, %ne3A_682 : vector<16xi1>
      %and3A_684 = arith.andi %ne3A_683, %ne3A_675 : vector<16xi1>
      %add3A_685 = vector.broadcast %select_n3A_670 : i32 to vector<16xi32>
      %add3A_686 = arith.addi %rem3A_672, %add3A_685 : vector<16xi32>
      %select_n3A_687 = arith.select %and3A_684, %add3A_686, %rem3A_672 : vector<16xi1>, vector<16xi32>
      %add3A_688 = arith.constant 48 : i32
      %add3A_689 = vector.broadcast %add3A_688 : i32 to vector<16xi32>
      %add3A_690 = arith.addi %add3A_689, %iota3A_476 : vector<16xi32>
      %jit3A_691 = arith.constant 8 : i32
      %eq3A_692 = arith.constant 0 : i32
      %eq3A_693 = arith.cmpi eq, %jit3A_691, %eq3A_692 : i32
      %jit3A_694 = arith.constant 1 : i32
      %select_n3A_695 = arith.select %eq3A_693, %jit3A_694, %jit3A_691 : i32
      %rem3A_696 = vector.broadcast %select_n3A_695 : i32 to vector<16xi32>
      %rem3A_697 = arith.remsi %add3A_690, %rem3A_696 : vector<16xi32>
      %ne3A_698 = arith.constant 0 : i32
      %ne3A_699 = vector.broadcast %ne3A_698 : i32 to vector<16xi32>
      %ne3A_700 = arith.cmpi ne, %rem3A_697, %ne3A_699 : vector<16xi32>
      %lt3A_701 = arith.constant 0 : i32
      %lt3A_702 = vector.broadcast %lt3A_701 : i32 to vector<16xi32>
      %lt3A_703 = arith.cmpi slt, %rem3A_697, %lt3A_702 : vector<16xi32>
      %lt3A_704 = arith.constant 0 : i32
      %lt3A_705 = arith.cmpi slt, %select_n3A_695, %lt3A_704 : i32
      %ne3A_706 = vector.broadcast %lt3A_705 : i1 to vector<16xi1>
      %ne3A_707 = vector.broadcast %ne3A_706 : vector<16xi1> to vector<16xi1>
      %ne3A_708 = arith.xori %lt3A_703, %ne3A_707 : vector<16xi1>
      %and3A_709 = arith.andi %ne3A_708, %ne3A_700 : vector<16xi1>
      %add3A_710 = vector.broadcast %select_n3A_695 : i32 to vector<16xi32>
      %add3A_711 = arith.addi %rem3A_697, %add3A_710 : vector<16xi32>
      %select_n3A_712 = arith.select %and3A_709, %add3A_711, %rem3A_697 : vector<16xi1>, vector<16xi32>
      %parallel_loop3A_713 = arith.constant 0 : i32
      %parallel_loop3A_714 = arith.constant 128 : i32
      %parallel_loop3A_715 = arith.constant 1 : i32
      %parallel_loop3A_716 = arith.constant 1 : i32
      %parallel_loop3A_717 = arith.constant 1 : i32
      scf.for %parallel_loop3A_1621 = %parallel_loop3A_713 to %parallel_loop3A_714 step %parallel_loop3A_715  : i32 {
        %parallel_loop3A_1622 = arith.constant 0 : i32
        %parallel_loop3A_1623 = vector.broadcast %parallel_loop3A_1622 : i32 to vector<16xi32>
        %parallel_loop3A_1624 = vector.broadcast %parallel_loop3A_1621 : i32 to vector<16xi32>
        %parallel_loop3A_1625 = arith.addi %parallel_loop3A_1623, %parallel_loop3A_1624 : vector<16xi32>
        %parallel_loop3A_1626 = arith.constant 0 : i32
        %parallel_loop3A_1627 = arith.constant 0 : i32
        %parallel_loop3A_1628 = tpu.memref_slice %arg6[%parallel_loop3A_716, %parallel_loop3A_1626, %parallel_loop3A_1627] : memref<5x128x64xf32, #tpu.memory_space<vmem>> -> memref<1x128x64xf32, #tpu.memory_space<vmem>>
        %parallel_loop3A_1629 = tpu.memref_squeeze %parallel_loop3A_1628 : memref<1x128x64xf32, #tpu.memory_space<vmem>> -> memref<128x64xf32, #tpu.memory_space<vmem>>
        %parallel_loop3A_1630 = arith.index_cast %parallel_loop3A_1621 : i32 to index
        %parallel_loop3A_1631 = arith.constant 0 : index
        %parallel_loop3A_1632 = tpu.vector_load %parallel_loop3A_1629[%parallel_loop3A_1630, %parallel_loop3A_1631] {strides = array<i32>} : memref<128x64xf32, #tpu.memory_space<vmem>>, vector<16xf32>,
        %parallel_loop3A_1633 = arith.constant 0 : i32
        %parallel_loop3A_1634 = arith.constant 0 : i32
        %parallel_loop3A_1635 = arith.constant 0 : i32
        %parallel_loop3A_1636 = tpu.memref_slice %arg7[%parallel_loop3A_717, %parallel_loop3A_1633, %parallel_loop3A_1634, %parallel_loop3A_1635] : memref<5x8x8x136xf32, #tpu.memory_space<vmem>> -> memref<1x8x8x136xf32, #tpu.memory_space<vmem>>
        %parallel_loop3A_1637 = tpu.memref_squeeze %parallel_loop3A_1636 : memref<1x8x8x136xf32, #tpu.memory_space<vmem>> -> memref<8x8x136xf32, #tpu.memory_space<vmem>>
        tpu.vector_store_idx %parallel_loop3A_1637[%select_n3A_510, %select_n3A_637, %parallel_loop3A_1625], %parallel_loop3A_1632 : memref<8x8x136xf32, #tpu.memory_space<vmem>>[vector<16xi32>, vector<16xi32>, vector<16xi32>], vector<16xf32>,
        %parallel_loop3A_1638 = arith.constant 0 : i32
        %parallel_loop3A_1639 = arith.constant 0 : i32
        %parallel_loop3A_1640 = tpu.memref_slice %arg6[%parallel_loop3A_716, %parallel_loop3A_1638, %parallel_loop3A_1639] : memref<5x128x64xf32, #tpu.memory_space<vmem>> -> memref<1x128x64xf32, #tpu.memory_space<vmem>>
        %parallel_loop3A_1641 = tpu.memref_squeeze %parallel_loop3A_1640 : memref<1x128x64xf32, #tpu.memory_space<vmem>> -> memref<128x64xf32, #tpu.memory_space<vmem>>
        %parallel_loop3A_1642 = arith.index_cast %parallel_loop3A_1621 : i32 to index
        %parallel_loop3A_1643 = arith.constant 16 : index
        %parallel_loop3A_1644 = tpu.vector_load %parallel_loop3A_1641[%parallel_loop3A_1642, %parallel_loop3A_1643] {strides = array<i32>} : memref<128x64xf32, #tpu.memory_space<vmem>>, vector<16xf32>,
        %parallel_loop3A_1645 = arith.constant 0 : i32
        %parallel_loop3A_1646 = arith.constant 0 : i32
        %parallel_loop3A_1647 = arith.constant 0 : i32
        %parallel_loop3A_1648 = tpu.memref_slice %arg7[%parallel_loop3A_717, %parallel_loop3A_1645, %parallel_loop3A_1646, %parallel_loop3A_1647] : memref<5x8x8x136xf32, #tpu.memory_space<vmem>> -> memref<1x8x8x136xf32, #tpu.memory_space<vmem>>
        %parallel_loop3A_1649 = tpu.memref_squeeze %parallel_loop3A_1648 : memref<1x8x8x136xf32, #tpu.memory_space<vmem>> -> memref<8x8x136xf32, #tpu.memory_space<vmem>>
        tpu.vector_store_idx %parallel_loop3A_1649[%select_n3A_544, %select_n3A_662, %parallel_loop3A_1625], %parallel_loop3A_1644 : memref<8x8x136xf32, #tpu.memory_space<vmem>>[vector<16xi32>, vector<16xi32>, vector<16xi32>], vector<16xf32>,
        %parallel_loop3A_1650 = arith.constant 0 : i32
        %parallel_loop3A_1651 = arith.constant 0 : i32
        %parallel_loop3A_1652 = tpu.memref_slice %arg6[%parallel_loop3A_716, %parallel_loop3A_1650, %parallel_loop3A_1651] : memref<5x128x64xf32, #tpu.memory_space<vmem>> -> memref<1x128x64xf32, #tpu.memory_space<vmem>>
        %parallel_loop3A_1653 = tpu.memref_squeeze %parallel_loop3A_1652 : memref<1x128x64xf32, #tpu.memory_space<vmem>> -> memref<128x64xf32, #tpu.memory_space<vmem>>
        %parallel_loop3A_1654 = arith.index_cast %parallel_loop3A_1621 : i32 to index
        %parallel_loop3A_1655 = arith.constant 32 : index
        %parallel_loop3A_1656 = tpu.vector_load %parallel_loop3A_1653[%parallel_loop3A_1654, %parallel_loop3A_1655] {strides = array<i32>} : memref<128x64xf32, #tpu.memory_space<vmem>>, vector<16xf32>,
        %parallel_loop3A_1657 = arith.constant 0 : i32
        %parallel_loop3A_1658 = arith.constant 0 : i32
        %parallel_loop3A_1659 = arith.constant 0 : i32
        %parallel_loop3A_1660 = tpu.memref_slice %arg7[%parallel_loop3A_717, %parallel_loop3A_1657, %parallel_loop3A_1658, %parallel_loop3A_1659] : memref<5x8x8x136xf32, #tpu.memory_space<vmem>> -> memref<1x8x8x136xf32, #tpu.memory_space<vmem>>
        %parallel_loop3A_1661 = tpu.memref_squeeze %parallel_loop3A_1660 : memref<1x8x8x136xf32, #tpu.memory_space<vmem>> -> memref<8x8x136xf32, #tpu.memory_space<vmem>>
        tpu.vector_store_idx %parallel_loop3A_1661[%select_n3A_578, %select_n3A_687, %parallel_loop3A_1625], %parallel_loop3A_1656 : memref<8x8x136xf32, #tpu.memory_space<vmem>>[vector<16xi32>, vector<16xi32>, vector<16xi32>], vector<16xf32>,
        %parallel_loop3A_1662 = arith.constant 0 : i32
        %parallel_loop3A_1663 = arith.constant 0 : i32
        %parallel_loop3A_1664 = tpu.memref_slice %arg6[%parallel_loop3A_716, %parallel_loop3A_1662, %parallel_loop3A_1663] : memref<5x128x64xf32, #tpu.memory_space<vmem>> -> memref<1x128x64xf32, #tpu.memory_space<vmem>>
        %parallel_loop3A_1665 = tpu.memref_squeeze %parallel_loop3A_1664 : memref<1x128x64xf32, #tpu.memory_space<vmem>> -> memref<128x64xf32, #tpu.memory_space<vmem>>
        %parallel_loop3A_1666 = arith.index_cast %parallel_loop3A_1621 : i32 to index
        %parallel_loop3A_1667 = arith.constant 48 : index
        %parallel_loop3A_1668 = tpu.vector_load %parallel_loop3A_1665[%parallel_loop3A_1666, %parallel_loop3A_1667] {strides = array<i32>} : memref<128x64xf32, #tpu.memory_space<vmem>>, vector<16xf32>,
        %parallel_loop3A_1669 = arith.constant 0 : i32
        %parallel_loop3A_1670 = arith.constant 0 : i32
        %parallel_loop3A_1671 = arith.constant 0 : i32
        %parallel_loop3A_1672 = tpu.memref_slice %arg7[%parallel_loop3A_717, %parallel_loop3A_1669, %parallel_loop3A_1670, %parallel_loop3A_1671] : memref<5x8x8x136xf32, #tpu.memory_space<vmem>> -> memref<1x8x8x136xf32, #tpu.memory_space<vmem>>
        %parallel_loop3A_1673 = tpu.memref_squeeze %parallel_loop3A_1672 : memref<1x8x8x136xf32, #tpu.memory_space<vmem>> -> memref<8x8x136xf32, #tpu.memory_space<vmem>>
        tpu.vector_store_idx %parallel_loop3A_1673[%select_n3A_612, %select_n3A_712, %parallel_loop3A_1625], %parallel_loop3A_1668 : memref<8x8x136xf32, #tpu.memory_space<vmem>>[vector<16xi32>, vector<16xi32>, vector<16xi32>], vector<16xf32>,
      } {sc.loop_unroll_factor = 1 : i64, sc.parallel_access}
      %dma_start3A_718 = arith.constant 1 : i32
      %dma_start3A_719 = arith.constant 0 : i32
      %dma_start3A_720 = arith.constant 0 : i32
      %dma_start3A_721 = arith.constant 0 : i32
      %dma_start3A_722 = tpu.memref_slice %arg7[%dma_start3A_718, %dma_start3A_719, %dma_start3A_720, %dma_start3A_721] : memref<5x8x8x136xf32, #tpu.memory_space<vmem>> -> memref<1x8x8x128xf32, #tpu.memory_space<vmem>>
      %dma_start3A_723 = tpu.memref_squeeze %dma_start3A_722 : memref<1x8x8x128xf32, #tpu.memory_space<vmem>> -> memref<8x8x128xf32, #tpu.memory_space<vmem>>
      %dma_start3A_724 = arith.constant 0 : i32
      %dma_start3A_725 = arith.constant 0 : i32
      %dma_start3A_726 = arith.constant 0 : i32
      %dma_start3A_727 = tpu.memref_slice %arg4[%add3A_448, %dma_start3A_724, %add3A, %dma_start3A_725, %dma_start3A_726] : memref<200x8x32x8x128xf32, #tpu.memory_space<hbm>> -> memref<1x8x1x8x128xf32, #tpu.memory_space<hbm>>
      %dma_start3A_728 = tpu.memref_squeeze %dma_start3A_727 : memref<1x8x1x8x128xf32, #tpu.memory_space<hbm>> -> memref<8x8x128xf32, #tpu.memory_space<hbm>>
      %dma_start3A_729 = arith.constant 0 : i32
      %dma_start3A_730 = arith.constant 0 : i32
      %dma_start3A_731 = arith.constant 0 : i32
      %dma_start3A_732 = tpu.memref_slice %arg4[%add3A_448, %dma_start3A_729, %add3A, %dma_start3A_730, %dma_start3A_731] : memref<200x8x32x8x128xf32, #tpu.memory_space<hbm>> -> memref<1x8x1x8x128xf32, #tpu.memory_space<hbm>>
      %dma_start3A_733 = tpu.memref_squeeze %dma_start3A_732 : memref<1x8x1x8x128xf32, #tpu.memory_space<hbm>> -> memref<8x8x128xf32, #tpu.memory_space<hbm>>
      %dma_start3A_734 = arith.constant 0 : i32
      %dma_start3A_735 = arith.constant 0 : i32
      %dma_start3A_736 = arith.constant 0 : i32
      %dma_start3A_737 = tpu.memref_slice %arg7[%dma_start3A_718, %dma_start3A_734, %dma_start3A_735, %dma_start3A_736] : memref<5x8x8x136xf32, #tpu.memory_space<vmem>> -> memref<1x8x8x128xf32, #tpu.memory_space<vmem>>
      %dma_start3A_738 = tpu.memref_squeeze %dma_start3A_737 : memref<1x8x8x128xf32, #tpu.memory_space<vmem>> -> memref<8x8x128xf32, #tpu.memory_space<vmem>>
      tpu.enqueue_dma source(%dma_start3A_738 : memref<8x8x128xf32, #tpu.memory_space<vmem>>) target(%dma_start3A_733 : memref<8x8x128xf32, #tpu.memory_space<hbm>>) target_semaphore(%arg14 : memref<!tpu.dma_semaphore, #tpu.memory_space<semaphore_mem>>)
      %mul3A_739 = arith.constant 5 : i32
      %mul3A_740 = arith.muli %scan3A_165, %mul3A_739 : i32
      %add3A_741 = arith.constant 2 : i32
      %add3A_742 = arith.addi %mul3A_740, %add3A_741 : i32
      %add3A_743 = arith.constant 5 : i32
      %add3A_744 = arith.addi %add3A_742, %add3A_743 : i32
      %sub3A_745 = arith.constant 1 : i32
      %sub3A_746 = arith.subi %add3A_744, %sub3A_745 : i32
      %lt3A_747 = arith.constant 200 : i32
      %lt3A_748 = arith.cmpi slt, %sub3A_746, %lt3A_747 : i32
      %convert_element_type3A_749 = arith.extui %lt3A_748 : i1 to i32
      %cond3A_750 = arith.constant 0 : i32
      %cond3A_751 = arith.cmpi ne, %convert_element_type3A_749, %cond3A_750 : i32
      scf.if %cond3A_751 {
        %add3A_1621 = arith.constant 5 : i32
        %add3A_1622 = arith.addi %add3A_742, %add3A_1621 : i32
        %sub3A_1623 = arith.constant 1 : i32
        %sub3A_1624 = arith.subi %add3A_1622, %sub3A_1623 : i32
        %jit3A_1625 = arith.constant 8 : i32
        %div3A_1626 = arith.divsi %sub3A_1624, %jit3A_1625 : i32
        %sign3A_1627 = arith.constant 0 : i32
        %sign3A_1628 = arith.cmpi sgt, %sub3A_1624, %sign3A_1627 : i32
        %sign3A_1629 = arith.extui %sign3A_1628 : i1 to i32
        %sign3A_1630 = arith.constant 0 : i32
        %sign3A_1631 = arith.cmpi slt, %sub3A_1624, %sign3A_1630 : i32
        %sign3A_1632 = arith.extui %sign3A_1631 : i1 to i32
        %sign3A_1633 = arith.subi %sign3A_1629, %sign3A_1632 : i32
        %sign3A_1634 = arith.constant 0 : i32
        %sign3A_1635 = arith.cmpi sgt, %jit3A_1625, %sign3A_1634 : i32
        %sign3A_1636 = arith.extui %sign3A_1635 : i1 to i32
        %sign3A_1637 = arith.constant 0 : i32
        %sign3A_1638 = arith.cmpi slt, %jit3A_1625, %sign3A_1637 : i32
        %sign3A_1639 = arith.extui %sign3A_1638 : i1 to i32
        %sign3A_1640 = arith.subi %sign3A_1636, %sign3A_1639 : i32
        %ne3A_1641 = arith.cmpi ne, %sign3A_1633, %sign3A_1640 : i32
        %rem3A_1642 = arith.remsi %sub3A_1624, %jit3A_1625 : i32
        %ne3A_1643 = arith.constant 0 : i32
        %ne3A_1644 = arith.cmpi ne, %rem3A_1642, %ne3A_1643 : i32
        %and3A_1645 = arith.andi %ne3A_1641, %ne3A_1644 : i1
        %sub3A_1646 = arith.constant 1 : i32
        %sub3A_1647 = arith.subi %div3A_1626, %sub3A_1646 : i32
        %select_n3A_1648 = arith.select %and3A_1645, %sub3A_1647, %div3A_1626 : i32
        %jit3A_1649 = arith.constant 8 : i32
        %eq3A_1650 = arith.constant 0 : i32
        %eq3A_1651 = arith.cmpi eq, %jit3A_1649, %eq3A_1650 : i32
        %jit3A_1652 = arith.constant 1 : i32
        %select_n3A_1653 = arith.select %eq3A_1651, %jit3A_1652, %jit3A_1649 : i32
        %rem3A_1654 = arith.remsi %sub3A_1624, %select_n3A_1653 : i32
        %ne3A_1655 = arith.constant 0 : i32
        %ne3A_1656 = arith.cmpi ne, %rem3A_1654, %ne3A_1655 : i32
        %lt3A_1657 = arith.constant 0 : i32
        %lt3A_1658 = arith.cmpi slt, %rem3A_1654, %lt3A_1657 : i32
        %lt3A_1659 = arith.constant 0 : i32
        %lt3A_1660 = arith.cmpi slt, %select_n3A_1653, %lt3A_1659 : i32
        %ne3A_1661 = arith.xori %lt3A_1658, %lt3A_1660 : i1
        %and3A_1662 = arith.andi %ne3A_1661, %ne3A_1656 : i1
        %add3A_1663 = arith.addi %rem3A_1654, %select_n3A_1653 : i32
        %select_n3A_1664 = arith.select %and3A_1662, %add3A_1663, %rem3A_1654 : i32
        %dma_start3A_1665 = arith.constant 1 : i32
        %dma_start3A_1666 = arith.constant 0 : i32
        %dma_start3A_1667 = arith.constant 0 : i32
        %dma_start3A_1668 = tpu.memref_slice %arg6[%dma_start3A_1665, %dma_start3A_1666, %dma_start3A_1667] : memref<5x128x64xf32, #tpu.memory_space<vmem>> -> memref<1x128x64xf32, #tpu.memory_space<vmem>>
        %dma_start3A_1669 = tpu.memref_squeeze %dma_start3A_1668 : memref<1x128x64xf32, #tpu.memory_space<vmem>> -> memref<128x64xf32, #tpu.memory_space<vmem>>
        %dma_start3A_1670 = arith.constant 0 : i32
        %dma_start3A_1671 = tpu.memref_slice %arg5[%select_n3A_1648, %select_n3A_1664, %dma_start3A_1670] : memref<25x8x128xi32, #tpu.memory_space<vmem>> -> memref<1x1x128xi32, #tpu.memory_space<vmem>>
        %dma_start3A_1672 = tpu.memref_squeeze %dma_start3A_1671 : memref<1x1x128xi32, #tpu.memory_space<vmem>> -> memref<128xi32, #tpu.memory_space<vmem>>
        %dma_start3A_1673 = arith.constant 0 : i32
        %dma_start3A_1674 = arith.constant 0 : i32
        %dma_start3A_1675 = tpu.memref_slice %arg3[%dma_start3A_1673, %dma_start3A_1674] : memref<32768x64xf32, #tpu.memory_space<hbm>> -> memref<32768x64xf32, #tpu.memory_space<hbm>>
        tpu.enqueue_indirect_dma source(%dma_start3A_1675 : memref<32768x64xf32, #tpu.memory_space<hbm>>) target(%dma_start3A_1669 : memref<128x64xf32, #tpu.memory_space<vmem>>) offsets(%dma_start3A_1672 : memref<128xi32, #tpu.memory_space<vmem>>) semaphore(%arg9 : memref<!tpu.dma_semaphore, #tpu.memory_space<semaphore_mem>>)
      } else {
      }
      %dma_wait3A_752 = arith.constant 0 : i32
      %dma_wait3A_753 = arith.constant 0 : i32
      %dma_wait3A_754 = arith.constant 2 : i32
      %dma_wait3A_755 = arith.constant 0 : i32
      %dma_wait3A_756 = arith.constant 0 : i32
      %dma_wait3A_757 = tpu.memref_slice %arg6[%dma_wait3A_754, %dma_wait3A_755, %dma_wait3A_756] : memref<5x128x64xf32, #tpu.memory_space<vmem>> -> memref<1x128x64xf32, #tpu.memory_space<vmem>>
      %dma_wait3A_758 = tpu.memref_squeeze %dma_wait3A_757 : memref<1x128x64xf32, #tpu.memory_space<vmem>> -> memref<128x64xf32, #tpu.memory_space<vmem>>
      %dma_wait3A_759 = arith.constant 0 : i32
      %dma_wait3A_760 = tpu.memref_slice %arg5[%dma_wait3A_752, %dma_wait3A_753, %dma_wait3A_759] : memref<25x8x128xi32, #tpu.memory_space<vmem>> -> memref<1x1x128xi32, #tpu.memory_space<vmem>>
      %dma_wait3A_761 = tpu.memref_squeeze %dma_wait3A_760 : memref<1x1x128xi32, #tpu.memory_space<vmem>> -> memref<128xi32, #tpu.memory_space<vmem>>
      %dma_wait3A_762 = arith.constant 0 : i32
      %dma_wait3A_763 = arith.constant 0 : i32
      %dma_wait3A_764 = tpu.memref_slice %arg3[%dma_wait3A_762, %dma_wait3A_763] : memref<32768x64xf32, #tpu.memory_space<hbm>> -> memref<32768x64xf32, #tpu.memory_space<hbm>>
      tpu.wait_indirect_dma semaphore(%arg10 : memref<!tpu.dma_semaphore, #tpu.memory_space<semaphore_mem>>) src(%dma_wait3A_764 : memref<32768x64xf32, #tpu.memory_space<hbm>>) dst(%dma_wait3A_758 : memref<128x64xf32, #tpu.memory_space<vmem>>)
      %ge3A_765 = arith.constant 5 : i32
      %ge3A_766 = arith.cmpi sge, %add3A_742, %ge3A_765 : i32
      %convert_element_type3A_767 = arith.extui %ge3A_766 : i1 to i32
      %cond3A_768 = arith.constant 0 : i32
      %cond3A_769 = arith.cmpi ne, %convert_element_type3A_767, %cond3A_768 : i32
      scf.if %cond3A_769 {
        %dma_wait3A_1621 = arith.constant 0 : i32
        %dma_wait3A_1622 = arith.constant 0 : i32
        %dma_wait3A_1623 = arith.constant 0 : i32
        %dma_wait3A_1624 = arith.constant 0 : i32
        %dma_wait3A_1625 = arith.constant 0 : i32
        %dma_wait3A_1626 = tpu.memref_slice %arg7[%dma_wait3A_1621, %dma_wait3A_1623, %dma_wait3A_1624, %dma_wait3A_1625] : memref<5x8x8x136xf32, #tpu.memory_space<vmem>> -> memref<1x8x8x128xf32, #tpu.memory_space<vmem>>
        %dma_wait3A_1627 = tpu.memref_squeeze %dma_wait3A_1626 : memref<1x8x8x128xf32, #tpu.memory_space<vmem>> -> memref<8x8x128xf32, #tpu.memory_space<vmem>>
        %dma_wait3A_1628 = arith.constant 0 : i32
        %dma_wait3A_1629 = arith.constant 0 : i32
        %dma_wait3A_1630 = arith.constant 0 : i32
        %dma_wait3A_1631 = tpu.memref_slice %arg4[%dma_wait3A_1622, %dma_wait3A_1628, %add3A, %dma_wait3A_1629, %dma_wait3A_1630] : memref<200x8x32x8x128xf32, #tpu.memory_space<hbm>> -> memref<1x8x1x8x128xf32, #tpu.memory_space<hbm>>
        %dma_wait3A_1632 = tpu.memref_squeeze %dma_wait3A_1631 : memref<1x8x1x8x128xf32, #tpu.memory_space<hbm>> -> memref<8x8x128xf32, #tpu.memory_space<hbm>>
        %dma_wait3A_1633 = arith.constant 0 : i32
        %dma_wait3A_1634 = arith.constant 0 : i32
        %dma_wait3A_1635 = arith.constant 0 : i32
        %dma_wait3A_1636 = tpu.memref_slice %arg4[%dma_wait3A_1622, %dma_wait3A_1633, %add3A, %dma_wait3A_1634, %dma_wait3A_1635] : memref<200x8x32x8x128xf32, #tpu.memory_space<hbm>> -> memref<1x8x1x8x128xf32, #tpu.memory_space<hbm>>
        %dma_wait3A_1637 = tpu.memref_squeeze %dma_wait3A_1636 : memref<1x8x1x8x128xf32, #tpu.memory_space<hbm>> -> memref<8x8x128xf32, #tpu.memory_space<hbm>>
        %dma_wait3A_1638 = arith.constant 0 : i32
        %dma_wait3A_1639 = arith.constant 0 : i32
        %dma_wait3A_1640 = arith.constant 0 : i32
        %dma_wait3A_1641 = tpu.memref_slice %arg7[%dma_wait3A_1621, %dma_wait3A_1638, %dma_wait3A_1639, %dma_wait3A_1640] : memref<5x8x8x136xf32, #tpu.memory_space<vmem>> -> memref<1x8x8x128xf32, #tpu.memory_space<vmem>>
        %dma_wait3A_1642 = tpu.memref_squeeze %dma_wait3A_1641 : memref<1x8x8x128xf32, #tpu.memory_space<vmem>> -> memref<8x8x128xf32, #tpu.memory_space<vmem>>
        tpu.wait_dma2 semaphore(%arg15 : memref<!tpu.dma_semaphore, #tpu.memory_space<semaphore_mem>>) src(%dma_wait3A_1642 : memref<8x8x128xf32, #tpu.memory_space<vmem>>) dst(%dma_wait3A_1637 : memref<8x8x128xf32, #tpu.memory_space<hbm>>)
      } else {
      }
      %iota3A_770 = tpu.iota {dimensions = array<i32: 0>} : vector<16xi32>
      %add3A_771 = arith.constant 0 : i32
      %add3A_772 = vector.broadcast %add3A_771 : i32 to vector<16xi32>
      %add3A_773 = arith.addi %add3A_772, %iota3A_770 : vector<16xi32>
      %jit3A_774 = arith.constant 8 : i32
      %div3A_775 = vector.broadcast %jit3A_774 : i32 to vector<16xi32>
      %div3A_776 = arith.divsi %add3A_773, %div3A_775 : vector<16xi32>
      %sign3A_777 = arith.constant 0 : i32
      %sign3A_778 = vector.broadcast %sign3A_777 : i32 to vector<16xi32>
      %sign3A_779 = arith.cmpi sgt, %add3A_773, %sign3A_778 : vector<16xi32>
      %sign3A_780 = arith.extui %sign3A_779 : vector<16xi1> to vector<16xi32>
      %sign3A_781 = arith.constant 0 : i32
      %sign3A_782 = vector.broadcast %sign3A_781 : i32 to vector<16xi32>
      %sign3A_783 = arith.cmpi slt, %add3A_773, %sign3A_782 : vector<16xi32>
      %sign3A_784 = arith.extui %sign3A_783 : vector<16xi1> to vector<16xi32>
      %sign3A_785 = arith.subi %sign3A_780, %sign3A_784 : vector<16xi32>
      %sign3A_786 = arith.constant 0 : i32
      %sign3A_787 = arith.cmpi sgt, %jit3A_774, %sign3A_786 : i32
      %sign3A_788 = arith.extui %sign3A_787 : i1 to i32
      %sign3A_789 = arith.constant 0 : i32
      %sign3A_790 = arith.cmpi slt, %jit3A_774, %sign3A_789 : i32
      %sign3A_791 = arith.extui %sign3A_790 : i1 to i32
      %sign3A_792 = arith.subi %sign3A_788, %sign3A_791 : i32
      %ne3A_793 = vector.broadcast %sign3A_792 : i32 to vector<16xi32>
      %ne3A_794 = arith.cmpi ne, %sign3A_785, %ne3A_793 : vector<16xi32>
      %rem3A_795 = vector.broadcast %jit3A_774 : i32 to vector<16xi32>
      %rem3A_796 = arith.remsi %add3A_773, %rem3A_795 : vector<16xi32>
      %ne3A_797 = arith.constant 0 : i32
      %ne3A_798 = vector.broadcast %ne3A_797 : i32 to vector<16xi32>
      %ne3A_799 = arith.cmpi ne, %rem3A_796, %ne3A_798 : vector<16xi32>
      %and3A_800 = arith.andi %ne3A_794, %ne3A_799 : vector<16xi1>
      %sub3A_801 = arith.constant 1 : i32
      %sub3A_802 = vector.broadcast %sub3A_801 : i32 to vector<16xi32>
      %sub3A_803 = arith.subi %div3A_776, %sub3A_802 : vector<16xi32>
      %select_n3A_804 = arith.select %and3A_800, %sub3A_803, %div3A_776 : vector<16xi1>, vector<16xi32>
      %add3A_805 = arith.constant 16 : i32
      %add3A_806 = vector.broadcast %add3A_805 : i32 to vector<16xi32>
      %add3A_807 = arith.addi %add3A_806, %iota3A_770 : vector<16xi32>
      %jit3A_808 = arith.constant 8 : i32
      %div3A_809 = vector.broadcast %jit3A_808 : i32 to vector<16xi32>
      %div3A_810 = arith.divsi %add3A_807, %div3A_809 : vector<16xi32>
      %sign3A_811 = arith.constant 0 : i32
      %sign3A_812 = vector.broadcast %sign3A_811 : i32 to vector<16xi32>
      %sign3A_813 = arith.cmpi sgt, %add3A_807, %sign3A_812 : vector<16xi32>
      %sign3A_814 = arith.extui %sign3A_813 : vector<16xi1> to vector<16xi32>
      %sign3A_815 = arith.constant 0 : i32
      %sign3A_816 = vector.broadcast %sign3A_815 : i32 to vector<16xi32>
      %sign3A_817 = arith.cmpi slt, %add3A_807, %sign3A_816 : vector<16xi32>
      %sign3A_818 = arith.extui %sign3A_817 : vector<16xi1> to vector<16xi32>
      %sign3A_819 = arith.subi %sign3A_814, %sign3A_818 : vector<16xi32>
      %sign3A_820 = arith.constant 0 : i32
      %sign3A_821 = arith.cmpi sgt, %jit3A_808, %sign3A_820 : i32
      %sign3A_822 = arith.extui %sign3A_821 : i1 to i32
      %sign3A_823 = arith.constant 0 : i32
      %sign3A_824 = arith.cmpi slt, %jit3A_808, %sign3A_823 : i32
      %sign3A_825 = arith.extui %sign3A_824 : i1 to i32
      %sign3A_826 = arith.subi %sign3A_822, %sign3A_825 : i32
      %ne3A_827 = vector.broadcast %sign3A_826 : i32 to vector<16xi32>
      %ne3A_828 = arith.cmpi ne, %sign3A_819, %ne3A_827 : vector<16xi32>
      %rem3A_829 = vector.broadcast %jit3A_808 : i32 to vector<16xi32>
      %rem3A_830 = arith.remsi %add3A_807, %rem3A_829 : vector<16xi32>
      %ne3A_831 = arith.constant 0 : i32
      %ne3A_832 = vector.broadcast %ne3A_831 : i32 to vector<16xi32>
      %ne3A_833 = arith.cmpi ne, %rem3A_830, %ne3A_832 : vector<16xi32>
      %and3A_834 = arith.andi %ne3A_828, %ne3A_833 : vector<16xi1>
      %sub3A_835 = arith.constant 1 : i32
      %sub3A_836 = vector.broadcast %sub3A_835 : i32 to vector<16xi32>
      %sub3A_837 = arith.subi %div3A_810, %sub3A_836 : vector<16xi32>
      %select_n3A_838 = arith.select %and3A_834, %sub3A_837, %div3A_810 : vector<16xi1>, vector<16xi32>
      %add3A_839 = arith.constant 32 : i32
      %add3A_840 = vector.broadcast %add3A_839 : i32 to vector<16xi32>
      %add3A_841 = arith.addi %add3A_840, %iota3A_770 : vector<16xi32>
      %jit3A_842 = arith.constant 8 : i32
      %div3A_843 = vector.broadcast %jit3A_842 : i32 to vector<16xi32>
      %div3A_844 = arith.divsi %add3A_841, %div3A_843 : vector<16xi32>
      %sign3A_845 = arith.constant 0 : i32
      %sign3A_846 = vector.broadcast %sign3A_845 : i32 to vector<16xi32>
      %sign3A_847 = arith.cmpi sgt, %add3A_841, %sign3A_846 : vector<16xi32>
      %sign3A_848 = arith.extui %sign3A_847 : vector<16xi1> to vector<16xi32>
      %sign3A_849 = arith.constant 0 : i32
      %sign3A_850 = vector.broadcast %sign3A_849 : i32 to vector<16xi32>
      %sign3A_851 = arith.cmpi slt, %add3A_841, %sign3A_850 : vector<16xi32>
      %sign3A_852 = arith.extui %sign3A_851 : vector<16xi1> to vector<16xi32>
      %sign3A_853 = arith.subi %sign3A_848, %sign3A_852 : vector<16xi32>
      %sign3A_854 = arith.constant 0 : i32
      %sign3A_855 = arith.cmpi sgt, %jit3A_842, %sign3A_854 : i32
      %sign3A_856 = arith.extui %sign3A_855 : i1 to i32
      %sign3A_857 = arith.constant 0 : i32
      %sign3A_858 = arith.cmpi slt, %jit3A_842, %sign3A_857 : i32
      %sign3A_859 = arith.extui %sign3A_858 : i1 to i32
      %sign3A_860 = arith.subi %sign3A_856, %sign3A_859 : i32
      %ne3A_861 = vector.broadcast %sign3A_860 : i32 to vector<16xi32>
      %ne3A_862 = arith.cmpi ne, %sign3A_853, %ne3A_861 : vector<16xi32>
      %rem3A_863 = vector.broadcast %jit3A_842 : i32 to vector<16xi32>
      %rem3A_864 = arith.remsi %add3A_841, %rem3A_863 : vector<16xi32>
      %ne3A_865 = arith.constant 0 : i32
      %ne3A_866 = vector.broadcast %ne3A_865 : i32 to vector<16xi32>
      %ne3A_867 = arith.cmpi ne, %rem3A_864, %ne3A_866 : vector<16xi32>
      %and3A_868 = arith.andi %ne3A_862, %ne3A_867 : vector<16xi1>
      %sub3A_869 = arith.constant 1 : i32
      %sub3A_870 = vector.broadcast %sub3A_869 : i32 to vector<16xi32>
      %sub3A_871 = arith.subi %div3A_844, %sub3A_870 : vector<16xi32>
      %select_n3A_872 = arith.select %and3A_868, %sub3A_871, %div3A_844 : vector<16xi1>, vector<16xi32>
      %add3A_873 = arith.constant 48 : i32
      %add3A_874 = vector.broadcast %add3A_873 : i32 to vector<16xi32>
      %add3A_875 = arith.addi %add3A_874, %iota3A_770 : vector<16xi32>
      %jit3A_876 = arith.constant 8 : i32
      %div3A_877 = vector.broadcast %jit3A_876 : i32 to vector<16xi32>
      %div3A_878 = arith.divsi %add3A_875, %div3A_877 : vector<16xi32>
      %sign3A_879 = arith.constant 0 : i32
      %sign3A_880 = vector.broadcast %sign3A_879 : i32 to vector<16xi32>
      %sign3A_881 = arith.cmpi sgt, %add3A_875, %sign3A_880 : vector<16xi32>
      %sign3A_882 = arith.extui %sign3A_881 : vector<16xi1> to vector<16xi32>
      %sign3A_883 = arith.constant 0 : i32
      %sign3A_884 = vector.broadcast %sign3A_883 : i32 to vector<16xi32>
      %sign3A_885 = arith.cmpi slt, %add3A_875, %sign3A_884 : vector<16xi32>
      %sign3A_886 = arith.extui %sign3A_885 : vector<16xi1> to vector<16xi32>
      %sign3A_887 = arith.subi %sign3A_882, %sign3A_886 : vector<16xi32>
      %sign3A_888 = arith.constant 0 : i32
      %sign3A_889 = arith.cmpi sgt, %jit3A_876, %sign3A_888 : i32
      %sign3A_890 = arith.extui %sign3A_889 : i1 to i32
      %sign3A_891 = arith.constant 0 : i32
      %sign3A_892 = arith.cmpi slt, %jit3A_876, %sign3A_891 : i32
      %sign3A_893 = arith.extui %sign3A_892 : i1 to i32
      %sign3A_894 = arith.subi %sign3A_890, %sign3A_893 : i32
      %ne3A_895 = vector.broadcast %sign3A_894 : i32 to vector<16xi32>
      %ne3A_896 = arith.cmpi ne, %sign3A_887, %ne3A_895 : vector<16xi32>
      %rem3A_897 = vector.broadcast %jit3A_876 : i32 to vector<16xi32>
      %rem3A_898 = arith.remsi %add3A_875, %rem3A_897 : vector<16xi32>
      %ne3A_899 = arith.constant 0 : i32
      %ne3A_900 = vector.broadcast %ne3A_899 : i32 to vector<16xi32>
      %ne3A_901 = arith.cmpi ne, %rem3A_898, %ne3A_900 : vector<16xi32>
      %and3A_902 = arith.andi %ne3A_896, %ne3A_901 : vector<16xi1>
      %sub3A_903 = arith.constant 1 : i32
      %sub3A_904 = vector.broadcast %sub3A_903 : i32 to vector<16xi32>
      %sub3A_905 = arith.subi %div3A_878, %sub3A_904 : vector<16xi32>
      %select_n3A_906 = arith.select %and3A_902, %sub3A_905, %div3A_878 : vector<16xi1>, vector<16xi32>
      %add3A_907 = arith.constant 0 : i32
      %add3A_908 = vector.broadcast %add3A_907 : i32 to vector<16xi32>
      %add3A_909 = arith.addi %add3A_908, %iota3A_770 : vector<16xi32>
      %jit3A_910 = arith.constant 8 : i32
      %eq3A_911 = arith.constant 0 : i32
      %eq3A_912 = arith.cmpi eq, %jit3A_910, %eq3A_911 : i32
      %jit3A_913 = arith.constant 1 : i32
      %select_n3A_914 = arith.select %eq3A_912, %jit3A_913, %jit3A_910 : i32
      %rem3A_915 = vector.broadcast %select_n3A_914 : i32 to vector<16xi32>
      %rem3A_916 = arith.remsi %add3A_909, %rem3A_915 : vector<16xi32>
      %ne3A_917 = arith.constant 0 : i32
      %ne3A_918 = vector.broadcast %ne3A_917 : i32 to vector<16xi32>
      %ne3A_919 = arith.cmpi ne, %rem3A_916, %ne3A_918 : vector<16xi32>
      %lt3A_920 = arith.constant 0 : i32
      %lt3A_921 = vector.broadcast %lt3A_920 : i32 to vector<16xi32>
      %lt3A_922 = arith.cmpi slt, %rem3A_916, %lt3A_921 : vector<16xi32>
      %lt3A_923 = arith.constant 0 : i32
      %lt3A_924 = arith.cmpi slt, %select_n3A_914, %lt3A_923 : i32
      %ne3A_925 = vector.broadcast %lt3A_924 : i1 to vector<16xi1>
      %ne3A_926 = vector.broadcast %ne3A_925 : vector<16xi1> to vector<16xi1>
      %ne3A_927 = arith.xori %lt3A_922, %ne3A_926 : vector<16xi1>
      %and3A_928 = arith.andi %ne3A_927, %ne3A_919 : vector<16xi1>
      %add3A_929 = vector.broadcast %select_n3A_914 : i32 to vector<16xi32>
      %add3A_930 = arith.addi %rem3A_916, %add3A_929 : vector<16xi32>
      %select_n3A_931 = arith.select %and3A_928, %add3A_930, %rem3A_916 : vector<16xi1>, vector<16xi32>
      %add3A_932 = arith.constant 16 : i32
      %add3A_933 = vector.broadcast %add3A_932 : i32 to vector<16xi32>
      %add3A_934 = arith.addi %add3A_933, %iota3A_770 : vector<16xi32>
      %jit3A_935 = arith.constant 8 : i32
      %eq3A_936 = arith.constant 0 : i32
      %eq3A_937 = arith.cmpi eq, %jit3A_935, %eq3A_936 : i32
      %jit3A_938 = arith.constant 1 : i32
      %select_n3A_939 = arith.select %eq3A_937, %jit3A_938, %jit3A_935 : i32
      %rem3A_940 = vector.broadcast %select_n3A_939 : i32 to vector<16xi32>
      %rem3A_941 = arith.remsi %add3A_934, %rem3A_940 : vector<16xi32>
      %ne3A_942 = arith.constant 0 : i32
      %ne3A_943 = vector.broadcast %ne3A_942 : i32 to vector<16xi32>
      %ne3A_944 = arith.cmpi ne, %rem3A_941, %ne3A_943 : vector<16xi32>
      %lt3A_945 = arith.constant 0 : i32
      %lt3A_946 = vector.broadcast %lt3A_945 : i32 to vector<16xi32>
      %lt3A_947 = arith.cmpi slt, %rem3A_941, %lt3A_946 : vector<16xi32>
      %lt3A_948 = arith.constant 0 : i32
      %lt3A_949 = arith.cmpi slt, %select_n3A_939, %lt3A_948 : i32
      %ne3A_950 = vector.broadcast %lt3A_949 : i1 to vector<16xi1>
      %ne3A_951 = vector.broadcast %ne3A_950 : vector<16xi1> to vector<16xi1>
      %ne3A_952 = arith.xori %lt3A_947, %ne3A_951 : vector<16xi1>
      %and3A_953 = arith.andi %ne3A_952, %ne3A_944 : vector<16xi1>
      %add3A_954 = vector.broadcast %select_n3A_939 : i32 to vector<16xi32>
      %add3A_955 = arith.addi %rem3A_941, %add3A_954 : vector<16xi32>
      %select_n3A_956 = arith.select %and3A_953, %add3A_955, %rem3A_941 : vector<16xi1>, vector<16xi32>
      %add3A_957 = arith.constant 32 : i32
      %add3A_958 = vector.broadcast %add3A_957 : i32 to vector<16xi32>
      %add3A_959 = arith.addi %add3A_958, %iota3A_770 : vector<16xi32>
      %jit3A_960 = arith.constant 8 : i32
      %eq3A_961 = arith.constant 0 : i32
      %eq3A_962 = arith.cmpi eq, %jit3A_960, %eq3A_961 : i32
      %jit3A_963 = arith.constant 1 : i32
      %select_n3A_964 = arith.select %eq3A_962, %jit3A_963, %jit3A_960 : i32
      %rem3A_965 = vector.broadcast %select_n3A_964 : i32 to vector<16xi32>
      %rem3A_966 = arith.remsi %add3A_959, %rem3A_965 : vector<16xi32>
      %ne3A_967 = arith.constant 0 : i32
      %ne3A_968 = vector.broadcast %ne3A_967 : i32 to vector<16xi32>
      %ne3A_969 = arith.cmpi ne, %rem3A_966, %ne3A_968 : vector<16xi32>
      %lt3A_970 = arith.constant 0 : i32
      %lt3A_971 = vector.broadcast %lt3A_970 : i32 to vector<16xi32>
      %lt3A_972 = arith.cmpi slt, %rem3A_966, %lt3A_971 : vector<16xi32>
      %lt3A_973 = arith.constant 0 : i32
      %lt3A_974 = arith.cmpi slt, %select_n3A_964, %lt3A_973 : i32
      %ne3A_975 = vector.broadcast %lt3A_974 : i1 to vector<16xi1>
      %ne3A_976 = vector.broadcast %ne3A_975 : vector<16xi1> to vector<16xi1>
      %ne3A_977 = arith.xori %lt3A_972, %ne3A_976 : vector<16xi1>
      %and3A_978 = arith.andi %ne3A_977, %ne3A_969 : vector<16xi1>
      %add3A_979 = vector.broadcast %select_n3A_964 : i32 to vector<16xi32>
      %add3A_980 = arith.addi %rem3A_966, %add3A_979 : vector<16xi32>
      %select_n3A_981 = arith.select %and3A_978, %add3A_980, %rem3A_966 : vector<16xi1>, vector<16xi32>
      %add3A_982 = arith.constant 48 : i32
      %add3A_983 = vector.broadcast %add3A_982 : i32 to vector<16xi32>
      %add3A_984 = arith.addi %add3A_983, %iota3A_770 : vector<16xi32>
      %jit3A_985 = arith.constant 8 : i32
      %eq3A_986 = arith.constant 0 : i32
      %eq3A_987 = arith.cmpi eq, %jit3A_985, %eq3A_986 : i32
      %jit3A_988 = arith.constant 1 : i32
      %select_n3A_989 = arith.select %eq3A_987, %jit3A_988, %jit3A_985 : i32
      %rem3A_990 = vector.broadcast %select_n3A_989 : i32 to vector<16xi32>
      %rem3A_991 = arith.remsi %add3A_984, %rem3A_990 : vector<16xi32>
      %ne3A_992 = arith.constant 0 : i32
      %ne3A_993 = vector.broadcast %ne3A_992 : i32 to vector<16xi32>
      %ne3A_994 = arith.cmpi ne, %rem3A_991, %ne3A_993 : vector<16xi32>
      %lt3A_995 = arith.constant 0 : i32
      %lt3A_996 = vector.broadcast %lt3A_995 : i32 to vector<16xi32>
      %lt3A_997 = arith.cmpi slt, %rem3A_991, %lt3A_996 : vector<16xi32>
      %lt3A_998 = arith.constant 0 : i32
      %lt3A_999 = arith.cmpi slt, %select_n3A_989, %lt3A_998 : i32
      %ne3A_1000 = vector.broadcast %lt3A_999 : i1 to vector<16xi1>
      %ne3A_1001 = vector.broadcast %ne3A_1000 : vector<16xi1> to vector<16xi1>
      %ne3A_1002 = arith.xori %lt3A_997, %ne3A_1001 : vector<16xi1>
      %and3A_1003 = arith.andi %ne3A_1002, %ne3A_994 : vector<16xi1>
      %add3A_1004 = vector.broadcast %select_n3A_989 : i32 to vector<16xi32>
      %add3A_1005 = arith.addi %rem3A_991, %add3A_1004 : vector<16xi32>
      %select_n3A_1006 = arith.select %and3A_1003, %add3A_1005, %rem3A_991 : vector<16xi1>, vector<16xi32>
      %parallel_loop3A_1007 = arith.constant 0 : i32
      %parallel_loop3A_1008 = arith.constant 128 : i32
      %parallel_loop3A_1009 = arith.constant 1 : i32
      %parallel_loop3A_1010 = arith.constant 2 : i32
      %parallel_loop3A_1011 = arith.constant 2 : i32
      scf.for %parallel_loop3A_1621 = %parallel_loop3A_1007 to %parallel_loop3A_1008 step %parallel_loop3A_1009  : i32 {
        %parallel_loop3A_1622 = arith.constant 0 : i32
        %parallel_loop3A_1623 = vector.broadcast %parallel_loop3A_1622 : i32 to vector<16xi32>
        %parallel_loop3A_1624 = vector.broadcast %parallel_loop3A_1621 : i32 to vector<16xi32>
        %parallel_loop3A_1625 = arith.addi %parallel_loop3A_1623, %parallel_loop3A_1624 : vector<16xi32>
        %parallel_loop3A_1626 = arith.constant 0 : i32
        %parallel_loop3A_1627 = arith.constant 0 : i32
        %parallel_loop3A_1628 = tpu.memref_slice %arg6[%parallel_loop3A_1010, %parallel_loop3A_1626, %parallel_loop3A_1627] : memref<5x128x64xf32, #tpu.memory_space<vmem>> -> memref<1x128x64xf32, #tpu.memory_space<vmem>>
        %parallel_loop3A_1629 = tpu.memref_squeeze %parallel_loop3A_1628 : memref<1x128x64xf32, #tpu.memory_space<vmem>> -> memref<128x64xf32, #tpu.memory_space<vmem>>
        %parallel_loop3A_1630 = arith.index_cast %parallel_loop3A_1621 : i32 to index
        %parallel_loop3A_1631 = arith.constant 0 : index
        %parallel_loop3A_1632 = tpu.vector_load %parallel_loop3A_1629[%parallel_loop3A_1630, %parallel_loop3A_1631] {strides = array<i32>} : memref<128x64xf32, #tpu.memory_space<vmem>>, vector<16xf32>,
        %parallel_loop3A_1633 = arith.constant 0 : i32
        %parallel_loop3A_1634 = arith.constant 0 : i32
        %parallel_loop3A_1635 = arith.constant 0 : i32
        %parallel_loop3A_1636 = tpu.memref_slice %arg7[%parallel_loop3A_1011, %parallel_loop3A_1633, %parallel_loop3A_1634, %parallel_loop3A_1635] : memref<5x8x8x136xf32, #tpu.memory_space<vmem>> -> memref<1x8x8x136xf32, #tpu.memory_space<vmem>>
        %parallel_loop3A_1637 = tpu.memref_squeeze %parallel_loop3A_1636 : memref<1x8x8x136xf32, #tpu.memory_space<vmem>> -> memref<8x8x136xf32, #tpu.memory_space<vmem>>
        tpu.vector_store_idx %parallel_loop3A_1637[%select_n3A_804, %select_n3A_931, %parallel_loop3A_1625], %parallel_loop3A_1632 : memref<8x8x136xf32, #tpu.memory_space<vmem>>[vector<16xi32>, vector<16xi32>, vector<16xi32>], vector<16xf32>,
        %parallel_loop3A_1638 = arith.constant 0 : i32
        %parallel_loop3A_1639 = arith.constant 0 : i32
        %parallel_loop3A_1640 = tpu.memref_slice %arg6[%parallel_loop3A_1010, %parallel_loop3A_1638, %parallel_loop3A_1639] : memref<5x128x64xf32, #tpu.memory_space<vmem>> -> memref<1x128x64xf32, #tpu.memory_space<vmem>>
        %parallel_loop3A_1641 = tpu.memref_squeeze %parallel_loop3A_1640 : memref<1x128x64xf32, #tpu.memory_space<vmem>> -> memref<128x64xf32, #tpu.memory_space<vmem>>
        %parallel_loop3A_1642 = arith.index_cast %parallel_loop3A_1621 : i32 to index
        %parallel_loop3A_1643 = arith.constant 16 : index
        %parallel_loop3A_1644 = tpu.vector_load %parallel_loop3A_1641[%parallel_loop3A_1642, %parallel_loop3A_1643] {strides = array<i32>} : memref<128x64xf32, #tpu.memory_space<vmem>>, vector<16xf32>,
        %parallel_loop3A_1645 = arith.constant 0 : i32
        %parallel_loop3A_1646 = arith.constant 0 : i32
        %parallel_loop3A_1647 = arith.constant 0 : i32
        %parallel_loop3A_1648 = tpu.memref_slice %arg7[%parallel_loop3A_1011, %parallel_loop3A_1645, %parallel_loop3A_1646, %parallel_loop3A_1647] : memref<5x8x8x136xf32, #tpu.memory_space<vmem>> -> memref<1x8x8x136xf32, #tpu.memory_space<vmem>>
        %parallel_loop3A_1649 = tpu.memref_squeeze %parallel_loop3A_1648 : memref<1x8x8x136xf32, #tpu.memory_space<vmem>> -> memref<8x8x136xf32, #tpu.memory_space<vmem>>
        tpu.vector_store_idx %parallel_loop3A_1649[%select_n3A_838, %select_n3A_956, %parallel_loop3A_1625], %parallel_loop3A_1644 : memref<8x8x136xf32, #tpu.memory_space<vmem>>[vector<16xi32>, vector<16xi32>, vector<16xi32>], vector<16xf32>,
        %parallel_loop3A_1650 = arith.constant 0 : i32
        %parallel_loop3A_1651 = arith.constant 0 : i32
        %parallel_loop3A_1652 = tpu.memref_slice %arg6[%parallel_loop3A_1010, %parallel_loop3A_1650, %parallel_loop3A_1651] : memref<5x128x64xf32, #tpu.memory_space<vmem>> -> memref<1x128x64xf32, #tpu.memory_space<vmem>>
        %parallel_loop3A_1653 = tpu.memref_squeeze %parallel_loop3A_1652 : memref<1x128x64xf32, #tpu.memory_space<vmem>> -> memref<128x64xf32, #tpu.memory_space<vmem>>
        %parallel_loop3A_1654 = arith.index_cast %parallel_loop3A_1621 : i32 to index
        %parallel_loop3A_1655 = arith.constant 32 : index
        %parallel_loop3A_1656 = tpu.vector_load %parallel_loop3A_1653[%parallel_loop3A_1654, %parallel_loop3A_1655] {strides = array<i32>} : memref<128x64xf32, #tpu.memory_space<vmem>>, vector<16xf32>,
        %parallel_loop3A_1657 = arith.constant 0 : i32
        %parallel_loop3A_1658 = arith.constant 0 : i32
        %parallel_loop3A_1659 = arith.constant 0 : i32
        %parallel_loop3A_1660 = tpu.memref_slice %arg7[%parallel_loop3A_1011, %parallel_loop3A_1657, %parallel_loop3A_1658, %parallel_loop3A_1659] : memref<5x8x8x136xf32, #tpu.memory_space<vmem>> -> memref<1x8x8x136xf32, #tpu.memory_space<vmem>>
        %parallel_loop3A_1661 = tpu.memref_squeeze %parallel_loop3A_1660 : memref<1x8x8x136xf32, #tpu.memory_space<vmem>> -> memref<8x8x136xf32, #tpu.memory_space<vmem>>
        tpu.vector_store_idx %parallel_loop3A_1661[%select_n3A_872, %select_n3A_981, %parallel_loop3A_1625], %parallel_loop3A_1656 : memref<8x8x136xf32, #tpu.memory_space<vmem>>[vector<16xi32>, vector<16xi32>, vector<16xi32>], vector<16xf32>,
        %parallel_loop3A_1662 = arith.constant 0 : i32
        %parallel_loop3A_1663 = arith.constant 0 : i32
        %parallel_loop3A_1664 = tpu.memref_slice %arg6[%parallel_loop3A_1010, %parallel_loop3A_1662, %parallel_loop3A_1663] : memref<5x128x64xf32, #tpu.memory_space<vmem>> -> memref<1x128x64xf32, #tpu.memory_space<vmem>>
        %parallel_loop3A_1665 = tpu.memref_squeeze %parallel_loop3A_1664 : memref<1x128x64xf32, #tpu.memory_space<vmem>> -> memref<128x64xf32, #tpu.memory_space<vmem>>
        %parallel_loop3A_1666 = arith.index_cast %parallel_loop3A_1621 : i32 to index
        %parallel_loop3A_1667 = arith.constant 48 : index
        %parallel_loop3A_1668 = tpu.vector_load %parallel_loop3A_1665[%parallel_loop3A_1666, %parallel_loop3A_1667] {strides = array<i32>} : memref<128x64xf32, #tpu.memory_space<vmem>>, vector<16xf32>,
        %parallel_loop3A_1669 = arith.constant 0 : i32
        %parallel_loop3A_1670 = arith.constant 0 : i32
        %parallel_loop3A_1671 = arith.constant 0 : i32
        %parallel_loop3A_1672 = tpu.memref_slice %arg7[%parallel_loop3A_1011, %parallel_loop3A_1669, %parallel_loop3A_1670, %parallel_loop3A_1671] : memref<5x8x8x136xf32, #tpu.memory_space<vmem>> -> memref<1x8x8x136xf32, #tpu.memory_space<vmem>>
        %parallel_loop3A_1673 = tpu.memref_squeeze %parallel_loop3A_1672 : memref<1x8x8x136xf32, #tpu.memory_space<vmem>> -> memref<8x8x136xf32, #tpu.memory_space<vmem>>
        tpu.vector_store_idx %parallel_loop3A_1673[%select_n3A_906, %select_n3A_1006, %parallel_loop3A_1625], %parallel_loop3A_1668 : memref<8x8x136xf32, #tpu.memory_space<vmem>>[vector<16xi32>, vector<16xi32>, vector<16xi32>], vector<16xf32>,
      } {sc.loop_unroll_factor = 1 : i64, sc.parallel_access}
      %dma_start3A_1012 = arith.constant 2 : i32
      %dma_start3A_1013 = arith.constant 0 : i32
      %dma_start3A_1014 = arith.constant 0 : i32
      %dma_start3A_1015 = arith.constant 0 : i32
      %dma_start3A_1016 = tpu.memref_slice %arg7[%dma_start3A_1012, %dma_start3A_1013, %dma_start3A_1014, %dma_start3A_1015] : memref<5x8x8x136xf32, #tpu.memory_space<vmem>> -> memref<1x8x8x128xf32, #tpu.memory_space<vmem>>
      %dma_start3A_1017 = tpu.memref_squeeze %dma_start3A_1016 : memref<1x8x8x128xf32, #tpu.memory_space<vmem>> -> memref<8x8x128xf32, #tpu.memory_space<vmem>>
      %dma_start3A_1018 = arith.constant 0 : i32
      %dma_start3A_1019 = arith.constant 0 : i32
      %dma_start3A_1020 = arith.constant 0 : i32
      %dma_start3A_1021 = tpu.memref_slice %arg4[%add3A_742, %dma_start3A_1018, %add3A, %dma_start3A_1019, %dma_start3A_1020] : memref<200x8x32x8x128xf32, #tpu.memory_space<hbm>> -> memref<1x8x1x8x128xf32, #tpu.memory_space<hbm>>
      %dma_start3A_1022 = tpu.memref_squeeze %dma_start3A_1021 : memref<1x8x1x8x128xf32, #tpu.memory_space<hbm>> -> memref<8x8x128xf32, #tpu.memory_space<hbm>>
      %dma_start3A_1023 = arith.constant 0 : i32
      %dma_start3A_1024 = arith.constant 0 : i32
      %dma_start3A_1025 = arith.constant 0 : i32
      %dma_start3A_1026 = tpu.memref_slice %arg4[%add3A_742, %dma_start3A_1023, %add3A, %dma_start3A_1024, %dma_start3A_1025] : memref<200x8x32x8x128xf32, #tpu.memory_space<hbm>> -> memref<1x8x1x8x128xf32, #tpu.memory_space<hbm>>
      %dma_start3A_1027 = tpu.memref_squeeze %dma_start3A_1026 : memref<1x8x1x8x128xf32, #tpu.memory_space<hbm>> -> memref<8x8x128xf32, #tpu.memory_space<hbm>>
      %dma_start3A_1028 = arith.constant 0 : i32
      %dma_start3A_1029 = arith.constant 0 : i32
      %dma_start3A_1030 = arith.constant 0 : i32
      %dma_start3A_1031 = tpu.memref_slice %arg7[%dma_start3A_1012, %dma_start3A_1028, %dma_start3A_1029, %dma_start3A_1030] : memref<5x8x8x136xf32, #tpu.memory_space<vmem>> -> memref<1x8x8x128xf32, #tpu.memory_space<vmem>>
      %dma_start3A_1032 = tpu.memref_squeeze %dma_start3A_1031 : memref<1x8x8x128xf32, #tpu.memory_space<vmem>> -> memref<8x8x128xf32, #tpu.memory_space<vmem>>
      tpu.enqueue_dma source(%dma_start3A_1032 : memref<8x8x128xf32, #tpu.memory_space<vmem>>) target(%dma_start3A_1027 : memref<8x8x128xf32, #tpu.memory_space<hbm>>) target_semaphore(%arg15 : memref<!tpu.dma_semaphore, #tpu.memory_space<semaphore_mem>>)
      %mul3A_1033 = arith.constant 5 : i32
      %mul3A_1034 = arith.muli %scan3A_165, %mul3A_1033 : i32
      %add3A_1035 = arith.constant 3 : i32
      %add3A_1036 = arith.addi %mul3A_1034, %add3A_1035 : i32
      %add3A_1037 = arith.constant 5 : i32
      %add3A_1038 = arith.addi %add3A_1036, %add3A_1037 : i32
      %sub3A_1039 = arith.constant 1 : i32
      %sub3A_1040 = arith.subi %add3A_1038, %sub3A_1039 : i32
      %lt3A_1041 = arith.constant 200 : i32
      %lt3A_1042 = arith.cmpi slt, %sub3A_1040, %lt3A_1041 : i32
      %convert_element_type3A_1043 = arith.extui %lt3A_1042 : i1 to i32
      %cond3A_1044 = arith.constant 0 : i32
      %cond3A_1045 = arith.cmpi ne, %convert_element_type3A_1043, %cond3A_1044 : i32
      scf.if %cond3A_1045 {
        %add3A_1621 = arith.constant 5 : i32
        %add3A_1622 = arith.addi %add3A_1036, %add3A_1621 : i32
        %sub3A_1623 = arith.constant 1 : i32
        %sub3A_1624 = arith.subi %add3A_1622, %sub3A_1623 : i32
        %jit3A_1625 = arith.constant 8 : i32
        %div3A_1626 = arith.divsi %sub3A_1624, %jit3A_1625 : i32
        %sign3A_1627 = arith.constant 0 : i32
        %sign3A_1628 = arith.cmpi sgt, %sub3A_1624, %sign3A_1627 : i32
        %sign3A_1629 = arith.extui %sign3A_1628 : i1 to i32
        %sign3A_1630 = arith.constant 0 : i32
        %sign3A_1631 = arith.cmpi slt, %sub3A_1624, %sign3A_1630 : i32
        %sign3A_1632 = arith.extui %sign3A_1631 : i1 to i32
        %sign3A_1633 = arith.subi %sign3A_1629, %sign3A_1632 : i32
        %sign3A_1634 = arith.constant 0 : i32
        %sign3A_1635 = arith.cmpi sgt, %jit3A_1625, %sign3A_1634 : i32
        %sign3A_1636 = arith.extui %sign3A_1635 : i1 to i32
        %sign3A_1637 = arith.constant 0 : i32
        %sign3A_1638 = arith.cmpi slt, %jit3A_1625, %sign3A_1637 : i32
        %sign3A_1639 = arith.extui %sign3A_1638 : i1 to i32
        %sign3A_1640 = arith.subi %sign3A_1636, %sign3A_1639 : i32
        %ne3A_1641 = arith.cmpi ne, %sign3A_1633, %sign3A_1640 : i32
        %rem3A_1642 = arith.remsi %sub3A_1624, %jit3A_1625 : i32
        %ne3A_1643 = arith.constant 0 : i32
        %ne3A_1644 = arith.cmpi ne, %rem3A_1642, %ne3A_1643 : i32
        %and3A_1645 = arith.andi %ne3A_1641, %ne3A_1644 : i1
        %sub3A_1646 = arith.constant 1 : i32
        %sub3A_1647 = arith.subi %div3A_1626, %sub3A_1646 : i32
        %select_n3A_1648 = arith.select %and3A_1645, %sub3A_1647, %div3A_1626 : i32
        %jit3A_1649 = arith.constant 8 : i32
        %eq3A_1650 = arith.constant 0 : i32
        %eq3A_1651 = arith.cmpi eq, %jit3A_1649, %eq3A_1650 : i32
        %jit3A_1652 = arith.constant 1 : i32
        %select_n3A_1653 = arith.select %eq3A_1651, %jit3A_1652, %jit3A_1649 : i32
        %rem3A_1654 = arith.remsi %sub3A_1624, %select_n3A_1653 : i32
        %ne3A_1655 = arith.constant 0 : i32
        %ne3A_1656 = arith.cmpi ne, %rem3A_1654, %ne3A_1655 : i32
        %lt3A_1657 = arith.constant 0 : i32
        %lt3A_1658 = arith.cmpi slt, %rem3A_1654, %lt3A_1657 : i32
        %lt3A_1659 = arith.constant 0 : i32
        %lt3A_1660 = arith.cmpi slt, %select_n3A_1653, %lt3A_1659 : i32
        %ne3A_1661 = arith.xori %lt3A_1658, %lt3A_1660 : i1
        %and3A_1662 = arith.andi %ne3A_1661, %ne3A_1656 : i1
        %add3A_1663 = arith.addi %rem3A_1654, %select_n3A_1653 : i32
        %select_n3A_1664 = arith.select %and3A_1662, %add3A_1663, %rem3A_1654 : i32
        %dma_start3A_1665 = arith.constant 2 : i32
        %dma_start3A_1666 = arith.constant 0 : i32
        %dma_start3A_1667 = arith.constant 0 : i32
        %dma_start3A_1668 = tpu.memref_slice %arg6[%dma_start3A_1665, %dma_start3A_1666, %dma_start3A_1667] : memref<5x128x64xf32, #tpu.memory_space<vmem>> -> memref<1x128x64xf32, #tpu.memory_space<vmem>>
        %dma_start3A_1669 = tpu.memref_squeeze %dma_start3A_1668 : memref<1x128x64xf32, #tpu.memory_space<vmem>> -> memref<128x64xf32, #tpu.memory_space<vmem>>
        %dma_start3A_1670 = arith.constant 0 : i32
        %dma_start3A_1671 = tpu.memref_slice %arg5[%select_n3A_1648, %select_n3A_1664, %dma_start3A_1670] : memref<25x8x128xi32, #tpu.memory_space<vmem>> -> memref<1x1x128xi32, #tpu.memory_space<vmem>>
        %dma_start3A_1672 = tpu.memref_squeeze %dma_start3A_1671 : memref<1x1x128xi32, #tpu.memory_space<vmem>> -> memref<128xi32, #tpu.memory_space<vmem>>
        %dma_start3A_1673 = arith.constant 0 : i32
        %dma_start3A_1674 = arith.constant 0 : i32
        %dma_start3A_1675 = tpu.memref_slice %arg3[%dma_start3A_1673, %dma_start3A_1674] : memref<32768x64xf32, #tpu.memory_space<hbm>> -> memref<32768x64xf32, #tpu.memory_space<hbm>>
        tpu.enqueue_indirect_dma source(%dma_start3A_1675 : memref<32768x64xf32, #tpu.memory_space<hbm>>) target(%dma_start3A_1669 : memref<128x64xf32, #tpu.memory_space<vmem>>) offsets(%dma_start3A_1672 : memref<128xi32, #tpu.memory_space<vmem>>) semaphore(%arg10 : memref<!tpu.dma_semaphore, #tpu.memory_space<semaphore_mem>>)
      } else {
      }
      %dma_wait3A_1046 = arith.constant 0 : i32
      %dma_wait3A_1047 = arith.constant 0 : i32
      %dma_wait3A_1048 = arith.constant 3 : i32
      %dma_wait3A_1049 = arith.constant 0 : i32
      %dma_wait3A_1050 = arith.constant 0 : i32
      %dma_wait3A_1051 = tpu.memref_slice %arg6[%dma_wait3A_1048, %dma_wait3A_1049, %dma_wait3A_1050] : memref<5x128x64xf32, #tpu.memory_space<vmem>> -> memref<1x128x64xf32, #tpu.memory_space<vmem>>
      %dma_wait3A_1052 = tpu.memref_squeeze %dma_wait3A_1051 : memref<1x128x64xf32, #tpu.memory_space<vmem>> -> memref<128x64xf32, #tpu.memory_space<vmem>>
      %dma_wait3A_1053 = arith.constant 0 : i32
      %dma_wait3A_1054 = tpu.memref_slice %arg5[%dma_wait3A_1046, %dma_wait3A_1047, %dma_wait3A_1053] : memref<25x8x128xi32, #tpu.memory_space<vmem>> -> memref<1x1x128xi32, #tpu.memory_space<vmem>>
      %dma_wait3A_1055 = tpu.memref_squeeze %dma_wait3A_1054 : memref<1x1x128xi32, #tpu.memory_space<vmem>> -> memref<128xi32, #tpu.memory_space<vmem>>
      %dma_wait3A_1056 = arith.constant 0 : i32
      %dma_wait3A_1057 = arith.constant 0 : i32
      %dma_wait3A_1058 = tpu.memref_slice %arg3[%dma_wait3A_1056, %dma_wait3A_1057] : memref<32768x64xf32, #tpu.memory_space<hbm>> -> memref<32768x64xf32, #tpu.memory_space<hbm>>
      tpu.wait_indirect_dma semaphore(%arg11 : memref<!tpu.dma_semaphore, #tpu.memory_space<semaphore_mem>>) src(%dma_wait3A_1058 : memref<32768x64xf32, #tpu.memory_space<hbm>>) dst(%dma_wait3A_1052 : memref<128x64xf32, #tpu.memory_space<vmem>>)
      %ge3A_1059 = arith.constant 5 : i32
      %ge3A_1060 = arith.cmpi sge, %add3A_1036, %ge3A_1059 : i32
      %convert_element_type3A_1061 = arith.extui %ge3A_1060 : i1 to i32
      %cond3A_1062 = arith.constant 0 : i32
      %cond3A_1063 = arith.cmpi ne, %convert_element_type3A_1061, %cond3A_1062 : i32
      scf.if %cond3A_1063 {
        %dma_wait3A_1621 = arith.constant 0 : i32
        %dma_wait3A_1622 = arith.constant 0 : i32
        %dma_wait3A_1623 = arith.constant 0 : i32
        %dma_wait3A_1624 = arith.constant 0 : i32
        %dma_wait3A_1625 = arith.constant 0 : i32
        %dma_wait3A_1626 = tpu.memref_slice %arg7[%dma_wait3A_1621, %dma_wait3A_1623, %dma_wait3A_1624, %dma_wait3A_1625] : memref<5x8x8x136xf32, #tpu.memory_space<vmem>> -> memref<1x8x8x128xf32, #tpu.memory_space<vmem>>
        %dma_wait3A_1627 = tpu.memref_squeeze %dma_wait3A_1626 : memref<1x8x8x128xf32, #tpu.memory_space<vmem>> -> memref<8x8x128xf32, #tpu.memory_space<vmem>>
        %dma_wait3A_1628 = arith.constant 0 : i32
        %dma_wait3A_1629 = arith.constant 0 : i32
        %dma_wait3A_1630 = arith.constant 0 : i32
        %dma_wait3A_1631 = tpu.memref_slice %arg4[%dma_wait3A_1622, %dma_wait3A_1628, %add3A, %dma_wait3A_1629, %dma_wait3A_1630] : memref<200x8x32x8x128xf32, #tpu.memory_space<hbm>> -> memref<1x8x1x8x128xf32, #tpu.memory_space<hbm>>
        %dma_wait3A_1632 = tpu.memref_squeeze %dma_wait3A_1631 : memref<1x8x1x8x128xf32, #tpu.memory_space<hbm>> -> memref<8x8x128xf32, #tpu.memory_space<hbm>>
        %dma_wait3A_1633 = arith.constant 0 : i32
        %dma_wait3A_1634 = arith.constant 0 : i32
        %dma_wait3A_1635 = arith.constant 0 : i32
        %dma_wait3A_1636 = tpu.memref_slice %arg4[%dma_wait3A_1622, %dma_wait3A_1633, %add3A, %dma_wait3A_1634, %dma_wait3A_1635] : memref<200x8x32x8x128xf32, #tpu.memory_space<hbm>> -> memref<1x8x1x8x128xf32, #tpu.memory_space<hbm>>
        %dma_wait3A_1637 = tpu.memref_squeeze %dma_wait3A_1636 : memref<1x8x1x8x128xf32, #tpu.memory_space<hbm>> -> memref<8x8x128xf32, #tpu.memory_space<hbm>>
        %dma_wait3A_1638 = arith.constant 0 : i32
        %dma_wait3A_1639 = arith.constant 0 : i32
        %dma_wait3A_1640 = arith.constant 0 : i32
        %dma_wait3A_1641 = tpu.memref_slice %arg7[%dma_wait3A_1621, %dma_wait3A_1638, %dma_wait3A_1639, %dma_wait3A_1640] : memref<5x8x8x136xf32, #tpu.memory_space<vmem>> -> memref<1x8x8x128xf32, #tpu.memory_space<vmem>>
        %dma_wait3A_1642 = tpu.memref_squeeze %dma_wait3A_1641 : memref<1x8x8x128xf32, #tpu.memory_space<vmem>> -> memref<8x8x128xf32, #tpu.memory_space<vmem>>
        tpu.wait_dma2 semaphore(%arg16 : memref<!tpu.dma_semaphore, #tpu.memory_space<semaphore_mem>>) src(%dma_wait3A_1642 : memref<8x8x128xf32, #tpu.memory_space<vmem>>) dst(%dma_wait3A_1637 : memref<8x8x128xf32, #tpu.memory_space<hbm>>)
      } else {
      }
      %iota3A_1064 = tpu.iota {dimensions = array<i32: 0>} : vector<16xi32>
      %add3A_1065 = arith.constant 0 : i32
      %add3A_1066 = vector.broadcast %add3A_1065 : i32 to vector<16xi32>
      %add3A_1067 = arith.addi %add3A_1066, %iota3A_1064 : vector<16xi32>
      %jit3A_1068 = arith.constant 8 : i32
      %div3A_1069 = vector.broadcast %jit3A_1068 : i32 to vector<16xi32>
      %div3A_1070 = arith.divsi %add3A_1067, %div3A_1069 : vector<16xi32>
      %sign3A_1071 = arith.constant 0 : i32
      %sign3A_1072 = vector.broadcast %sign3A_1071 : i32 to vector<16xi32>
      %sign3A_1073 = arith.cmpi sgt, %add3A_1067, %sign3A_1072 : vector<16xi32>
      %sign3A_1074 = arith.extui %sign3A_1073 : vector<16xi1> to vector<16xi32>
      %sign3A_1075 = arith.constant 0 : i32
      %sign3A_1076 = vector.broadcast %sign3A_1075 : i32 to vector<16xi32>
      %sign3A_1077 = arith.cmpi slt, %add3A_1067, %sign3A_1076 : vector<16xi32>
      %sign3A_1078 = arith.extui %sign3A_1077 : vector<16xi1> to vector<16xi32>
      %sign3A_1079 = arith.subi %sign3A_1074, %sign3A_1078 : vector<16xi32>
      %sign3A_1080 = arith.constant 0 : i32
      %sign3A_1081 = arith.cmpi sgt, %jit3A_1068, %sign3A_1080 : i32
      %sign3A_1082 = arith.extui %sign3A_1081 : i1 to i32
      %sign3A_1083 = arith.constant 0 : i32
      %sign3A_1084 = arith.cmpi slt, %jit3A_1068, %sign3A_1083 : i32
      %sign3A_1085 = arith.extui %sign3A_1084 : i1 to i32
      %sign3A_1086 = arith.subi %sign3A_1082, %sign3A_1085 : i32
      %ne3A_1087 = vector.broadcast %sign3A_1086 : i32 to vector<16xi32>
      %ne3A_1088 = arith.cmpi ne, %sign3A_1079, %ne3A_1087 : vector<16xi32>
      %rem3A_1089 = vector.broadcast %jit3A_1068 : i32 to vector<16xi32>
      %rem3A_1090 = arith.remsi %add3A_1067, %rem3A_1089 : vector<16xi32>
      %ne3A_1091 = arith.constant 0 : i32
      %ne3A_1092 = vector.broadcast %ne3A_1091 : i32 to vector<16xi32>
      %ne3A_1093 = arith.cmpi ne, %rem3A_1090, %ne3A_1092 : vector<16xi32>
      %and3A_1094 = arith.andi %ne3A_1088, %ne3A_1093 : vector<16xi1>
      %sub3A_1095 = arith.constant 1 : i32
      %sub3A_1096 = vector.broadcast %sub3A_1095 : i32 to vector<16xi32>
      %sub3A_1097 = arith.subi %div3A_1070, %sub3A_1096 : vector<16xi32>
      %select_n3A_1098 = arith.select %and3A_1094, %sub3A_1097, %div3A_1070 : vector<16xi1>, vector<16xi32>
      %add3A_1099 = arith.constant 16 : i32
      %add3A_1100 = vector.broadcast %add3A_1099 : i32 to vector<16xi32>
      %add3A_1101 = arith.addi %add3A_1100, %iota3A_1064 : vector<16xi32>
      %jit3A_1102 = arith.constant 8 : i32
      %div3A_1103 = vector.broadcast %jit3A_1102 : i32 to vector<16xi32>
      %div3A_1104 = arith.divsi %add3A_1101, %div3A_1103 : vector<16xi32>
      %sign3A_1105 = arith.constant 0 : i32
      %sign3A_1106 = vector.broadcast %sign3A_1105 : i32 to vector<16xi32>
      %sign3A_1107 = arith.cmpi sgt, %add3A_1101, %sign3A_1106 : vector<16xi32>
      %sign3A_1108 = arith.extui %sign3A_1107 : vector<16xi1> to vector<16xi32>
      %sign3A_1109 = arith.constant 0 : i32
      %sign3A_1110 = vector.broadcast %sign3A_1109 : i32 to vector<16xi32>
      %sign3A_1111 = arith.cmpi slt, %add3A_1101, %sign3A_1110 : vector<16xi32>
      %sign3A_1112 = arith.extui %sign3A_1111 : vector<16xi1> to vector<16xi32>
      %sign3A_1113 = arith.subi %sign3A_1108, %sign3A_1112 : vector<16xi32>
      %sign3A_1114 = arith.constant 0 : i32
      %sign3A_1115 = arith.cmpi sgt, %jit3A_1102, %sign3A_1114 : i32
      %sign3A_1116 = arith.extui %sign3A_1115 : i1 to i32
      %sign3A_1117 = arith.constant 0 : i32
      %sign3A_1118 = arith.cmpi slt, %jit3A_1102, %sign3A_1117 : i32
      %sign3A_1119 = arith.extui %sign3A_1118 : i1 to i32
      %sign3A_1120 = arith.subi %sign3A_1116, %sign3A_1119 : i32
      %ne3A_1121 = vector.broadcast %sign3A_1120 : i32 to vector<16xi32>
      %ne3A_1122 = arith.cmpi ne, %sign3A_1113, %ne3A_1121 : vector<16xi32>
      %rem3A_1123 = vector.broadcast %jit3A_1102 : i32 to vector<16xi32>
      %rem3A_1124 = arith.remsi %add3A_1101, %rem3A_1123 : vector<16xi32>
      %ne3A_1125 = arith.constant 0 : i32
      %ne3A_1126 = vector.broadcast %ne3A_1125 : i32 to vector<16xi32>
      %ne3A_1127 = arith.cmpi ne, %rem3A_1124, %ne3A_1126 : vector<16xi32>
      %and3A_1128 = arith.andi %ne3A_1122, %ne3A_1127 : vector<16xi1>
      %sub3A_1129 = arith.constant 1 : i32
      %sub3A_1130 = vector.broadcast %sub3A_1129 : i32 to vector<16xi32>
      %sub3A_1131 = arith.subi %div3A_1104, %sub3A_1130 : vector<16xi32>
      %select_n3A_1132 = arith.select %and3A_1128, %sub3A_1131, %div3A_1104 : vector<16xi1>, vector<16xi32>
      %add3A_1133 = arith.constant 32 : i32
      %add3A_1134 = vector.broadcast %add3A_1133 : i32 to vector<16xi32>
      %add3A_1135 = arith.addi %add3A_1134, %iota3A_1064 : vector<16xi32>
      %jit3A_1136 = arith.constant 8 : i32
      %div3A_1137 = vector.broadcast %jit3A_1136 : i32 to vector<16xi32>
      %div3A_1138 = arith.divsi %add3A_1135, %div3A_1137 : vector<16xi32>
      %sign3A_1139 = arith.constant 0 : i32
      %sign3A_1140 = vector.broadcast %sign3A_1139 : i32 to vector<16xi32>
      %sign3A_1141 = arith.cmpi sgt, %add3A_1135, %sign3A_1140 : vector<16xi32>
      %sign3A_1142 = arith.extui %sign3A_1141 : vector<16xi1> to vector<16xi32>
      %sign3A_1143 = arith.constant 0 : i32
      %sign3A_1144 = vector.broadcast %sign3A_1143 : i32 to vector<16xi32>
      %sign3A_1145 = arith.cmpi slt, %add3A_1135, %sign3A_1144 : vector<16xi32>
      %sign3A_1146 = arith.extui %sign3A_1145 : vector<16xi1> to vector<16xi32>
      %sign3A_1147 = arith.subi %sign3A_1142, %sign3A_1146 : vector<16xi32>
      %sign3A_1148 = arith.constant 0 : i32
      %sign3A_1149 = arith.cmpi sgt, %jit3A_1136, %sign3A_1148 : i32
      %sign3A_1150 = arith.extui %sign3A_1149 : i1 to i32
      %sign3A_1151 = arith.constant 0 : i32
      %sign3A_1152 = arith.cmpi slt, %jit3A_1136, %sign3A_1151 : i32
      %sign3A_1153 = arith.extui %sign3A_1152 : i1 to i32
      %sign3A_1154 = arith.subi %sign3A_1150, %sign3A_1153 : i32
      %ne3A_1155 = vector.broadcast %sign3A_1154 : i32 to vector<16xi32>
      %ne3A_1156 = arith.cmpi ne, %sign3A_1147, %ne3A_1155 : vector<16xi32>
      %rem3A_1157 = vector.broadcast %jit3A_1136 : i32 to vector<16xi32>
      %rem3A_1158 = arith.remsi %add3A_1135, %rem3A_1157 : vector<16xi32>
      %ne3A_1159 = arith.constant 0 : i32
      %ne3A_1160 = vector.broadcast %ne3A_1159 : i32 to vector<16xi32>
      %ne3A_1161 = arith.cmpi ne, %rem3A_1158, %ne3A_1160 : vector<16xi32>
      %and3A_1162 = arith.andi %ne3A_1156, %ne3A_1161 : vector<16xi1>
      %sub3A_1163 = arith.constant 1 : i32
      %sub3A_1164 = vector.broadcast %sub3A_1163 : i32 to vector<16xi32>
      %sub3A_1165 = arith.subi %div3A_1138, %sub3A_1164 : vector<16xi32>
      %select_n3A_1166 = arith.select %and3A_1162, %sub3A_1165, %div3A_1138 : vector<16xi1>, vector<16xi32>
      %add3A_1167 = arith.constant 48 : i32
      %add3A_1168 = vector.broadcast %add3A_1167 : i32 to vector<16xi32>
      %add3A_1169 = arith.addi %add3A_1168, %iota3A_1064 : vector<16xi32>
      %jit3A_1170 = arith.constant 8 : i32
      %div3A_1171 = vector.broadcast %jit3A_1170 : i32 to vector<16xi32>
      %div3A_1172 = arith.divsi %add3A_1169, %div3A_1171 : vector<16xi32>
      %sign3A_1173 = arith.constant 0 : i32
      %sign3A_1174 = vector.broadcast %sign3A_1173 : i32 to vector<16xi32>
      %sign3A_1175 = arith.cmpi sgt, %add3A_1169, %sign3A_1174 : vector<16xi32>
      %sign3A_1176 = arith.extui %sign3A_1175 : vector<16xi1> to vector<16xi32>
      %sign3A_1177 = arith.constant 0 : i32
      %sign3A_1178 = vector.broadcast %sign3A_1177 : i32 to vector<16xi32>
      %sign3A_1179 = arith.cmpi slt, %add3A_1169, %sign3A_1178 : vector<16xi32>
      %sign3A_1180 = arith.extui %sign3A_1179 : vector<16xi1> to vector<16xi32>
      %sign3A_1181 = arith.subi %sign3A_1176, %sign3A_1180 : vector<16xi32>
      %sign3A_1182 = arith.constant 0 : i32
      %sign3A_1183 = arith.cmpi sgt, %jit3A_1170, %sign3A_1182 : i32
      %sign3A_1184 = arith.extui %sign3A_1183 : i1 to i32
      %sign3A_1185 = arith.constant 0 : i32
      %sign3A_1186 = arith.cmpi slt, %jit3A_1170, %sign3A_1185 : i32
      %sign3A_1187 = arith.extui %sign3A_1186 : i1 to i32
      %sign3A_1188 = arith.subi %sign3A_1184, %sign3A_1187 : i32
      %ne3A_1189 = vector.broadcast %sign3A_1188 : i32 to vector<16xi32>
      %ne3A_1190 = arith.cmpi ne, %sign3A_1181, %ne3A_1189 : vector<16xi32>
      %rem3A_1191 = vector.broadcast %jit3A_1170 : i32 to vector<16xi32>
      %rem3A_1192 = arith.remsi %add3A_1169, %rem3A_1191 : vector<16xi32>
      %ne3A_1193 = arith.constant 0 : i32
      %ne3A_1194 = vector.broadcast %ne3A_1193 : i32 to vector<16xi32>
      %ne3A_1195 = arith.cmpi ne, %rem3A_1192, %ne3A_1194 : vector<16xi32>
      %and3A_1196 = arith.andi %ne3A_1190, %ne3A_1195 : vector<16xi1>
      %sub3A_1197 = arith.constant 1 : i32
      %sub3A_1198 = vector.broadcast %sub3A_1197 : i32 to vector<16xi32>
      %sub3A_1199 = arith.subi %div3A_1172, %sub3A_1198 : vector<16xi32>
      %select_n3A_1200 = arith.select %and3A_1196, %sub3A_1199, %div3A_1172 : vector<16xi1>, vector<16xi32>
      %add3A_1201 = arith.constant 0 : i32
      %add3A_1202 = vector.broadcast %add3A_1201 : i32 to vector<16xi32>
      %add3A_1203 = arith.addi %add3A_1202, %iota3A_1064 : vector<16xi32>
      %jit3A_1204 = arith.constant 8 : i32
      %eq3A_1205 = arith.constant 0 : i32
      %eq3A_1206 = arith.cmpi eq, %jit3A_1204, %eq3A_1205 : i32
      %jit3A_1207 = arith.constant 1 : i32
      %select_n3A_1208 = arith.select %eq3A_1206, %jit3A_1207, %jit3A_1204 : i32
      %rem3A_1209 = vector.broadcast %select_n3A_1208 : i32 to vector<16xi32>
      %rem3A_1210 = arith.remsi %add3A_1203, %rem3A_1209 : vector<16xi32>
      %ne3A_1211 = arith.constant 0 : i32
      %ne3A_1212 = vector.broadcast %ne3A_1211 : i32 to vector<16xi32>
      %ne3A_1213 = arith.cmpi ne, %rem3A_1210, %ne3A_1212 : vector<16xi32>
      %lt3A_1214 = arith.constant 0 : i32
      %lt3A_1215 = vector.broadcast %lt3A_1214 : i32 to vector<16xi32>
      %lt3A_1216 = arith.cmpi slt, %rem3A_1210, %lt3A_1215 : vector<16xi32>
      %lt3A_1217 = arith.constant 0 : i32
      %lt3A_1218 = arith.cmpi slt, %select_n3A_1208, %lt3A_1217 : i32
      %ne3A_1219 = vector.broadcast %lt3A_1218 : i1 to vector<16xi1>
      %ne3A_1220 = vector.broadcast %ne3A_1219 : vector<16xi1> to vector<16xi1>
      %ne3A_1221 = arith.xori %lt3A_1216, %ne3A_1220 : vector<16xi1>
      %and3A_1222 = arith.andi %ne3A_1221, %ne3A_1213 : vector<16xi1>
      %add3A_1223 = vector.broadcast %select_n3A_1208 : i32 to vector<16xi32>
      %add3A_1224 = arith.addi %rem3A_1210, %add3A_1223 : vector<16xi32>
      %select_n3A_1225 = arith.select %and3A_1222, %add3A_1224, %rem3A_1210 : vector<16xi1>, vector<16xi32>
      %add3A_1226 = arith.constant 16 : i32
      %add3A_1227 = vector.broadcast %add3A_1226 : i32 to vector<16xi32>
      %add3A_1228 = arith.addi %add3A_1227, %iota3A_1064 : vector<16xi32>
      %jit3A_1229 = arith.constant 8 : i32
      %eq3A_1230 = arith.constant 0 : i32
      %eq3A_1231 = arith.cmpi eq, %jit3A_1229, %eq3A_1230 : i32
      %jit3A_1232 = arith.constant 1 : i32
      %select_n3A_1233 = arith.select %eq3A_1231, %jit3A_1232, %jit3A_1229 : i32
      %rem3A_1234 = vector.broadcast %select_n3A_1233 : i32 to vector<16xi32>
      %rem3A_1235 = arith.remsi %add3A_1228, %rem3A_1234 : vector<16xi32>
      %ne3A_1236 = arith.constant 0 : i32
      %ne3A_1237 = vector.broadcast %ne3A_1236 : i32 to vector<16xi32>
      %ne3A_1238 = arith.cmpi ne, %rem3A_1235, %ne3A_1237 : vector<16xi32>
      %lt3A_1239 = arith.constant 0 : i32
      %lt3A_1240 = vector.broadcast %lt3A_1239 : i32 to vector<16xi32>
      %lt3A_1241 = arith.cmpi slt, %rem3A_1235, %lt3A_1240 : vector<16xi32>
      %lt3A_1242 = arith.constant 0 : i32
      %lt3A_1243 = arith.cmpi slt, %select_n3A_1233, %lt3A_1242 : i32
      %ne3A_1244 = vector.broadcast %lt3A_1243 : i1 to vector<16xi1>
      %ne3A_1245 = vector.broadcast %ne3A_1244 : vector<16xi1> to vector<16xi1>
      %ne3A_1246 = arith.xori %lt3A_1241, %ne3A_1245 : vector<16xi1>
      %and3A_1247 = arith.andi %ne3A_1246, %ne3A_1238 : vector<16xi1>
      %add3A_1248 = vector.broadcast %select_n3A_1233 : i32 to vector<16xi32>
      %add3A_1249 = arith.addi %rem3A_1235, %add3A_1248 : vector<16xi32>
      %select_n3A_1250 = arith.select %and3A_1247, %add3A_1249, %rem3A_1235 : vector<16xi1>, vector<16xi32>
      %add3A_1251 = arith.constant 32 : i32
      %add3A_1252 = vector.broadcast %add3A_1251 : i32 to vector<16xi32>
      %add3A_1253 = arith.addi %add3A_1252, %iota3A_1064 : vector<16xi32>
      %jit3A_1254 = arith.constant 8 : i32
      %eq3A_1255 = arith.constant 0 : i32
      %eq3A_1256 = arith.cmpi eq, %jit3A_1254, %eq3A_1255 : i32
      %jit3A_1257 = arith.constant 1 : i32
      %select_n3A_1258 = arith.select %eq3A_1256, %jit3A_1257, %jit3A_1254 : i32
      %rem3A_1259 = vector.broadcast %select_n3A_1258 : i32 to vector<16xi32>
      %rem3A_1260 = arith.remsi %add3A_1253, %rem3A_1259 : vector<16xi32>
      %ne3A_1261 = arith.constant 0 : i32
      %ne3A_1262 = vector.broadcast %ne3A_1261 : i32 to vector<16xi32>
      %ne3A_1263 = arith.cmpi ne, %rem3A_1260, %ne3A_1262 : vector<16xi32>
      %lt3A_1264 = arith.constant 0 : i32
      %lt3A_1265 = vector.broadcast %lt3A_1264 : i32 to vector<16xi32>
      %lt3A_1266 = arith.cmpi slt, %rem3A_1260, %lt3A_1265 : vector<16xi32>
      %lt3A_1267 = arith.constant 0 : i32
      %lt3A_1268 = arith.cmpi slt, %select_n3A_1258, %lt3A_1267 : i32
      %ne3A_1269 = vector.broadcast %lt3A_1268 : i1 to vector<16xi1>
      %ne3A_1270 = vector.broadcast %ne3A_1269 : vector<16xi1> to vector<16xi1>
      %ne3A_1271 = arith.xori %lt3A_1266, %ne3A_1270 : vector<16xi1>
      %and3A_1272 = arith.andi %ne3A_1271, %ne3A_1263 : vector<16xi1>
      %add3A_1273 = vector.broadcast %select_n3A_1258 : i32 to vector<16xi32>
      %add3A_1274 = arith.addi %rem3A_1260, %add3A_1273 : vector<16xi32>
      %select_n3A_1275 = arith.select %and3A_1272, %add3A_1274, %rem3A_1260 : vector<16xi1>, vector<16xi32>
      %add3A_1276 = arith.constant 48 : i32
      %add3A_1277 = vector.broadcast %add3A_1276 : i32 to vector<16xi32>
      %add3A_1278 = arith.addi %add3A_1277, %iota3A_1064 : vector<16xi32>
      %jit3A_1279 = arith.constant 8 : i32
      %eq3A_1280 = arith.constant 0 : i32
      %eq3A_1281 = arith.cmpi eq, %jit3A_1279, %eq3A_1280 : i32
      %jit3A_1282 = arith.constant 1 : i32
      %select_n3A_1283 = arith.select %eq3A_1281, %jit3A_1282, %jit3A_1279 : i32
      %rem3A_1284 = vector.broadcast %select_n3A_1283 : i32 to vector<16xi32>
      %rem3A_1285 = arith.remsi %add3A_1278, %rem3A_1284 : vector<16xi32>
      %ne3A_1286 = arith.constant 0 : i32
      %ne3A_1287 = vector.broadcast %ne3A_1286 : i32 to vector<16xi32>
      %ne3A_1288 = arith.cmpi ne, %rem3A_1285, %ne3A_1287 : vector<16xi32>
      %lt3A_1289 = arith.constant 0 : i32
      %lt3A_1290 = vector.broadcast %lt3A_1289 : i32 to vector<16xi32>
      %lt3A_1291 = arith.cmpi slt, %rem3A_1285, %lt3A_1290 : vector<16xi32>
      %lt3A_1292 = arith.constant 0 : i32
      %lt3A_1293 = arith.cmpi slt, %select_n3A_1283, %lt3A_1292 : i32
      %ne3A_1294 = vector.broadcast %lt3A_1293 : i1 to vector<16xi1>
      %ne3A_1295 = vector.broadcast %ne3A_1294 : vector<16xi1> to vector<16xi1>
      %ne3A_1296 = arith.xori %lt3A_1291, %ne3A_1295 : vector<16xi1>
      %and3A_1297 = arith.andi %ne3A_1296, %ne3A_1288 : vector<16xi1>
      %add3A_1298 = vector.broadcast %select_n3A_1283 : i32 to vector<16xi32>
      %add3A_1299 = arith.addi %rem3A_1285, %add3A_1298 : vector<16xi32>
      %select_n3A_1300 = arith.select %and3A_1297, %add3A_1299, %rem3A_1285 : vector<16xi1>, vector<16xi32>
      %parallel_loop3A_1301 = arith.constant 0 : i32
      %parallel_loop3A_1302 = arith.constant 128 : i32
      %parallel_loop3A_1303 = arith.constant 1 : i32
      %parallel_loop3A_1304 = arith.constant 3 : i32
      %parallel_loop3A_1305 = arith.constant 3 : i32
      scf.for %parallel_loop3A_1621 = %parallel_loop3A_1301 to %parallel_loop3A_1302 step %parallel_loop3A_1303  : i32 {
        %parallel_loop3A_1622 = arith.constant 0 : i32
        %parallel_loop3A_1623 = vector.broadcast %parallel_loop3A_1622 : i32 to vector<16xi32>
        %parallel_loop3A_1624 = vector.broadcast %parallel_loop3A_1621 : i32 to vector<16xi32>
        %parallel_loop3A_1625 = arith.addi %parallel_loop3A_1623, %parallel_loop3A_1624 : vector<16xi32>
        %parallel_loop3A_1626 = arith.constant 0 : i32
        %parallel_loop3A_1627 = arith.constant 0 : i32
        %parallel_loop3A_1628 = tpu.memref_slice %arg6[%parallel_loop3A_1304, %parallel_loop3A_1626, %parallel_loop3A_1627] : memref<5x128x64xf32, #tpu.memory_space<vmem>> -> memref<1x128x64xf32, #tpu.memory_space<vmem>>
        %parallel_loop3A_1629 = tpu.memref_squeeze %parallel_loop3A_1628 : memref<1x128x64xf32, #tpu.memory_space<vmem>> -> memref<128x64xf32, #tpu.memory_space<vmem>>
        %parallel_loop3A_1630 = arith.index_cast %parallel_loop3A_1621 : i32 to index
        %parallel_loop3A_1631 = arith.constant 0 : index
        %parallel_loop3A_1632 = tpu.vector_load %parallel_loop3A_1629[%parallel_loop3A_1630, %parallel_loop3A_1631] {strides = array<i32>} : memref<128x64xf32, #tpu.memory_space<vmem>>, vector<16xf32>,
        %parallel_loop3A_1633 = arith.constant 0 : i32
        %parallel_loop3A_1634 = arith.constant 0 : i32
        %parallel_loop3A_1635 = arith.constant 0 : i32
        %parallel_loop3A_1636 = tpu.memref_slice %arg7[%parallel_loop3A_1305, %parallel_loop3A_1633, %parallel_loop3A_1634, %parallel_loop3A_1635] : memref<5x8x8x136xf32, #tpu.memory_space<vmem>> -> memref<1x8x8x136xf32, #tpu.memory_space<vmem>>
        %parallel_loop3A_1637 = tpu.memref_squeeze %parallel_loop3A_1636 : memref<1x8x8x136xf32, #tpu.memory_space<vmem>> -> memref<8x8x136xf32, #tpu.memory_space<vmem>>
        tpu.vector_store_idx %parallel_loop3A_1637[%select_n3A_1098, %select_n3A_1225, %parallel_loop3A_1625], %parallel_loop3A_1632 : memref<8x8x136xf32, #tpu.memory_space<vmem>>[vector<16xi32>, vector<16xi32>, vector<16xi32>], vector<16xf32>,
        %parallel_loop3A_1638 = arith.constant 0 : i32
        %parallel_loop3A_1639 = arith.constant 0 : i32
        %parallel_loop3A_1640 = tpu.memref_slice %arg6[%parallel_loop3A_1304, %parallel_loop3A_1638, %parallel_loop3A_1639] : memref<5x128x64xf32, #tpu.memory_space<vmem>> -> memref<1x128x64xf32, #tpu.memory_space<vmem>>
        %parallel_loop3A_1641 = tpu.memref_squeeze %parallel_loop3A_1640 : memref<1x128x64xf32, #tpu.memory_space<vmem>> -> memref<128x64xf32, #tpu.memory_space<vmem>>
        %parallel_loop3A_1642 = arith.index_cast %parallel_loop3A_1621 : i32 to index
        %parallel_loop3A_1643 = arith.constant 16 : index
        %parallel_loop3A_1644 = tpu.vector_load %parallel_loop3A_1641[%parallel_loop3A_1642, %parallel_loop3A_1643] {strides = array<i32>} : memref<128x64xf32, #tpu.memory_space<vmem>>, vector<16xf32>,
        %parallel_loop3A_1645 = arith.constant 0 : i32
        %parallel_loop3A_1646 = arith.constant 0 : i32
        %parallel_loop3A_1647 = arith.constant 0 : i32
        %parallel_loop3A_1648 = tpu.memref_slice %arg7[%parallel_loop3A_1305, %parallel_loop3A_1645, %parallel_loop3A_1646, %parallel_loop3A_1647] : memref<5x8x8x136xf32, #tpu.memory_space<vmem>> -> memref<1x8x8x136xf32, #tpu.memory_space<vmem>>
        %parallel_loop3A_1649 = tpu.memref_squeeze %parallel_loop3A_1648 : memref<1x8x8x136xf32, #tpu.memory_space<vmem>> -> memref<8x8x136xf32, #tpu.memory_space<vmem>>
        tpu.vector_store_idx %parallel_loop3A_1649[%select_n3A_1132, %select_n3A_1250, %parallel_loop3A_1625], %parallel_loop3A_1644 : memref<8x8x136xf32, #tpu.memory_space<vmem>>[vector<16xi32>, vector<16xi32>, vector<16xi32>], vector<16xf32>,
        %parallel_loop3A_1650 = arith.constant 0 : i32
        %parallel_loop3A_1651 = arith.constant 0 : i32
        %parallel_loop3A_1652 = tpu.memref_slice %arg6[%parallel_loop3A_1304, %parallel_loop3A_1650, %parallel_loop3A_1651] : memref<5x128x64xf32, #tpu.memory_space<vmem>> -> memref<1x128x64xf32, #tpu.memory_space<vmem>>
        %parallel_loop3A_1653 = tpu.memref_squeeze %parallel_loop3A_1652 : memref<1x128x64xf32, #tpu.memory_space<vmem>> -> memref<128x64xf32, #tpu.memory_space<vmem>>
        %parallel_loop3A_1654 = arith.index_cast %parallel_loop3A_1621 : i32 to index
        %parallel_loop3A_1655 = arith.constant 32 : index
        %parallel_loop3A_1656 = tpu.vector_load %parallel_loop3A_1653[%parallel_loop3A_1654, %parallel_loop3A_1655] {strides = array<i32>} : memref<128x64xf32, #tpu.memory_space<vmem>>, vector<16xf32>,
        %parallel_loop3A_1657 = arith.constant 0 : i32
        %parallel_loop3A_1658 = arith.constant 0 : i32
        %parallel_loop3A_1659 = arith.constant 0 : i32
        %parallel_loop3A_1660 = tpu.memref_slice %arg7[%parallel_loop3A_1305, %parallel_loop3A_1657, %parallel_loop3A_1658, %parallel_loop3A_1659] : memref<5x8x8x136xf32, #tpu.memory_space<vmem>> -> memref<1x8x8x136xf32, #tpu.memory_space<vmem>>
        %parallel_loop3A_1661 = tpu.memref_squeeze %parallel_loop3A_1660 : memref<1x8x8x136xf32, #tpu.memory_space<vmem>> -> memref<8x8x136xf32, #tpu.memory_space<vmem>>
        tpu.vector_store_idx %parallel_loop3A_1661[%select_n3A_1166, %select_n3A_1275, %parallel_loop3A_1625], %parallel_loop3A_1656 : memref<8x8x136xf32, #tpu.memory_space<vmem>>[vector<16xi32>, vector<16xi32>, vector<16xi32>], vector<16xf32>,
        %parallel_loop3A_1662 = arith.constant 0 : i32
        %parallel_loop3A_1663 = arith.constant 0 : i32
        %parallel_loop3A_1664 = tpu.memref_slice %arg6[%parallel_loop3A_1304, %parallel_loop3A_1662, %parallel_loop3A_1663] : memref<5x128x64xf32, #tpu.memory_space<vmem>> -> memref<1x128x64xf32, #tpu.memory_space<vmem>>
        %parallel_loop3A_1665 = tpu.memref_squeeze %parallel_loop3A_1664 : memref<1x128x64xf32, #tpu.memory_space<vmem>> -> memref<128x64xf32, #tpu.memory_space<vmem>>
        %parallel_loop3A_1666 = arith.index_cast %parallel_loop3A_1621 : i32 to index
        %parallel_loop3A_1667 = arith.constant 48 : index
        %parallel_loop3A_1668 = tpu.vector_load %parallel_loop3A_1665[%parallel_loop3A_1666, %parallel_loop3A_1667] {strides = array<i32>} : memref<128x64xf32, #tpu.memory_space<vmem>>, vector<16xf32>,
        %parallel_loop3A_1669 = arith.constant 0 : i32
        %parallel_loop3A_1670 = arith.constant 0 : i32
        %parallel_loop3A_1671 = arith.constant 0 : i32
        %parallel_loop3A_1672 = tpu.memref_slice %arg7[%parallel_loop3A_1305, %parallel_loop3A_1669, %parallel_loop3A_1670, %parallel_loop3A_1671] : memref<5x8x8x136xf32, #tpu.memory_space<vmem>> -> memref<1x8x8x136xf32, #tpu.memory_space<vmem>>
        %parallel_loop3A_1673 = tpu.memref_squeeze %parallel_loop3A_1672 : memref<1x8x8x136xf32, #tpu.memory_space<vmem>> -> memref<8x8x136xf32, #tpu.memory_space<vmem>>
        tpu.vector_store_idx %parallel_loop3A_1673[%select_n3A_1200, %select_n3A_1300, %parallel_loop3A_1625], %parallel_loop3A_1668 : memref<8x8x136xf32, #tpu.memory_space<vmem>>[vector<16xi32>, vector<16xi32>, vector<16xi32>], vector<16xf32>,
      } {sc.loop_unroll_factor = 1 : i64, sc.parallel_access}
      %dma_start3A_1306 = arith.constant 3 : i32
      %dma_start3A_1307 = arith.constant 0 : i32
      %dma_start3A_1308 = arith.constant 0 : i32
      %dma_start3A_1309 = arith.constant 0 : i32
      %dma_start3A_1310 = tpu.memref_slice %arg7[%dma_start3A_1306, %dma_start3A_1307, %dma_start3A_1308, %dma_start3A_1309] : memref<5x8x8x136xf32, #tpu.memory_space<vmem>> -> memref<1x8x8x128xf32, #tpu.memory_space<vmem>>
      %dma_start3A_1311 = tpu.memref_squeeze %dma_start3A_1310 : memref<1x8x8x128xf32, #tpu.memory_space<vmem>> -> memref<8x8x128xf32, #tpu.memory_space<vmem>>
      %dma_start3A_1312 = arith.constant 0 : i32
      %dma_start3A_1313 = arith.constant 0 : i32
      %dma_start3A_1314 = arith.constant 0 : i32
      %dma_start3A_1315 = tpu.memref_slice %arg4[%add3A_1036, %dma_start3A_1312, %add3A, %dma_start3A_1313, %dma_start3A_1314] : memref<200x8x32x8x128xf32, #tpu.memory_space<hbm>> -> memref<1x8x1x8x128xf32, #tpu.memory_space<hbm>>
      %dma_start3A_1316 = tpu.memref_squeeze %dma_start3A_1315 : memref<1x8x1x8x128xf32, #tpu.memory_space<hbm>> -> memref<8x8x128xf32, #tpu.memory_space<hbm>>
      %dma_start3A_1317 = arith.constant 0 : i32
      %dma_start3A_1318 = arith.constant 0 : i32
      %dma_start3A_1319 = arith.constant 0 : i32
      %dma_start3A_1320 = tpu.memref_slice %arg4[%add3A_1036, %dma_start3A_1317, %add3A, %dma_start3A_1318, %dma_start3A_1319] : memref<200x8x32x8x128xf32, #tpu.memory_space<hbm>> -> memref<1x8x1x8x128xf32, #tpu.memory_space<hbm>>
      %dma_start3A_1321 = tpu.memref_squeeze %dma_start3A_1320 : memref<1x8x1x8x128xf32, #tpu.memory_space<hbm>> -> memref<8x8x128xf32, #tpu.memory_space<hbm>>
      %dma_start3A_1322 = arith.constant 0 : i32
      %dma_start3A_1323 = arith.constant 0 : i32
      %dma_start3A_1324 = arith.constant 0 : i32
      %dma_start3A_1325 = tpu.memref_slice %arg7[%dma_start3A_1306, %dma_start3A_1322, %dma_start3A_1323, %dma_start3A_1324] : memref<5x8x8x136xf32, #tpu.memory_space<vmem>> -> memref<1x8x8x128xf32, #tpu.memory_space<vmem>>
      %dma_start3A_1326 = tpu.memref_squeeze %dma_start3A_1325 : memref<1x8x8x128xf32, #tpu.memory_space<vmem>> -> memref<8x8x128xf32, #tpu.memory_space<vmem>>
      tpu.enqueue_dma source(%dma_start3A_1326 : memref<8x8x128xf32, #tpu.memory_space<vmem>>) target(%dma_start3A_1321 : memref<8x8x128xf32, #tpu.memory_space<hbm>>) target_semaphore(%arg16 : memref<!tpu.dma_semaphore, #tpu.memory_space<semaphore_mem>>)
      %mul3A_1327 = arith.constant 5 : i32
      %mul3A_1328 = arith.muli %scan3A_165, %mul3A_1327 : i32
      %add3A_1329 = arith.constant 4 : i32
      %add3A_1330 = arith.addi %mul3A_1328, %add3A_1329 : i32
      %add3A_1331 = arith.constant 5 : i32
      %add3A_1332 = arith.addi %add3A_1330, %add3A_1331 : i32
      %sub3A_1333 = arith.constant 1 : i32
      %sub3A_1334 = arith.subi %add3A_1332, %sub3A_1333 : i32
      %lt3A_1335 = arith.constant 200 : i32
      %lt3A_1336 = arith.cmpi slt, %sub3A_1334, %lt3A_1335 : i32
      %convert_element_type3A_1337 = arith.extui %lt3A_1336 : i1 to i32
      %cond3A_1338 = arith.constant 0 : i32
      %cond3A_1339 = arith.cmpi ne, %convert_element_type3A_1337, %cond3A_1338 : i32
      scf.if %cond3A_1339 {
        %add3A_1621 = arith.constant 5 : i32
        %add3A_1622 = arith.addi %add3A_1330, %add3A_1621 : i32
        %sub3A_1623 = arith.constant 1 : i32
        %sub3A_1624 = arith.subi %add3A_1622, %sub3A_1623 : i32
        %jit3A_1625 = arith.constant 8 : i32
        %div3A_1626 = arith.divsi %sub3A_1624, %jit3A_1625 : i32
        %sign3A_1627 = arith.constant 0 : i32
        %sign3A_1628 = arith.cmpi sgt, %sub3A_1624, %sign3A_1627 : i32
        %sign3A_1629 = arith.extui %sign3A_1628 : i1 to i32
        %sign3A_1630 = arith.constant 0 : i32
        %sign3A_1631 = arith.cmpi slt, %sub3A_1624, %sign3A_1630 : i32
        %sign3A_1632 = arith.extui %sign3A_1631 : i1 to i32
        %sign3A_1633 = arith.subi %sign3A_1629, %sign3A_1632 : i32
        %sign3A_1634 = arith.constant 0 : i32
        %sign3A_1635 = arith.cmpi sgt, %jit3A_1625, %sign3A_1634 : i32
        %sign3A_1636 = arith.extui %sign3A_1635 : i1 to i32
        %sign3A_1637 = arith.constant 0 : i32
        %sign3A_1638 = arith.cmpi slt, %jit3A_1625, %sign3A_1637 : i32
        %sign3A_1639 = arith.extui %sign3A_1638 : i1 to i32
        %sign3A_1640 = arith.subi %sign3A_1636, %sign3A_1639 : i32
        %ne3A_1641 = arith.cmpi ne, %sign3A_1633, %sign3A_1640 : i32
        %rem3A_1642 = arith.remsi %sub3A_1624, %jit3A_1625 : i32
        %ne3A_1643 = arith.constant 0 : i32
        %ne3A_1644 = arith.cmpi ne, %rem3A_1642, %ne3A_1643 : i32
        %and3A_1645 = arith.andi %ne3A_1641, %ne3A_1644 : i1
        %sub3A_1646 = arith.constant 1 : i32
        %sub3A_1647 = arith.subi %div3A_1626, %sub3A_1646 : i32
        %select_n3A_1648 = arith.select %and3A_1645, %sub3A_1647, %div3A_1626 : i32
        %jit3A_1649 = arith.constant 8 : i32
        %eq3A_1650 = arith.constant 0 : i32
        %eq3A_1651 = arith.cmpi eq, %jit3A_1649, %eq3A_1650 : i32
        %jit3A_1652 = arith.constant 1 : i32
        %select_n3A_1653 = arith.select %eq3A_1651, %jit3A_1652, %jit3A_1649 : i32
        %rem3A_1654 = arith.remsi %sub3A_1624, %select_n3A_1653 : i32
        %ne3A_1655 = arith.constant 0 : i32
        %ne3A_1656 = arith.cmpi ne, %rem3A_1654, %ne3A_1655 : i32
        %lt3A_1657 = arith.constant 0 : i32
        %lt3A_1658 = arith.cmpi slt, %rem3A_1654, %lt3A_1657 : i32
        %lt3A_1659 = arith.constant 0 : i32
        %lt3A_1660 = arith.cmpi slt, %select_n3A_1653, %lt3A_1659 : i32
        %ne3A_1661 = arith.xori %lt3A_1658, %lt3A_1660 : i1
        %and3A_1662 = arith.andi %ne3A_1661, %ne3A_1656 : i1
        %add3A_1663 = arith.addi %rem3A_1654, %select_n3A_1653 : i32
        %select_n3A_1664 = arith.select %and3A_1662, %add3A_1663, %rem3A_1654 : i32
        %dma_start3A_1665 = arith.constant 3 : i32
        %dma_start3A_1666 = arith.constant 0 : i32
        %dma_start3A_1667 = arith.constant 0 : i32
        %dma_start3A_1668 = tpu.memref_slice %arg6[%dma_start3A_1665, %dma_start3A_1666, %dma_start3A_1667] : memref<5x128x64xf32, #tpu.memory_space<vmem>> -> memref<1x128x64xf32, #tpu.memory_space<vmem>>
        %dma_start3A_1669 = tpu.memref_squeeze %dma_start3A_1668 : memref<1x128x64xf32, #tpu.memory_space<vmem>> -> memref<128x64xf32, #tpu.memory_space<vmem>>
        %dma_start3A_1670 = arith.constant 0 : i32
        %dma_start3A_1671 = tpu.memref_slice %arg5[%select_n3A_1648, %select_n3A_1664, %dma_start3A_1670] : memref<25x8x128xi32, #tpu.memory_space<vmem>> -> memref<1x1x128xi32, #tpu.memory_space<vmem>>
        %dma_start3A_1672 = tpu.memref_squeeze %dma_start3A_1671 : memref<1x1x128xi32, #tpu.memory_space<vmem>> -> memref<128xi32, #tpu.memory_space<vmem>>
        %dma_start3A_1673 = arith.constant 0 : i32
        %dma_start3A_1674 = arith.constant 0 : i32
        %dma_start3A_1675 = tpu.memref_slice %arg3[%dma_start3A_1673, %dma_start3A_1674] : memref<32768x64xf32, #tpu.memory_space<hbm>> -> memref<32768x64xf32, #tpu.memory_space<hbm>>
        tpu.enqueue_indirect_dma source(%dma_start3A_1675 : memref<32768x64xf32, #tpu.memory_space<hbm>>) target(%dma_start3A_1669 : memref<128x64xf32, #tpu.memory_space<vmem>>) offsets(%dma_start3A_1672 : memref<128xi32, #tpu.memory_space<vmem>>) semaphore(%arg11 : memref<!tpu.dma_semaphore, #tpu.memory_space<semaphore_mem>>)
      } else {
      }
      %dma_wait3A_1340 = arith.constant 0 : i32
      %dma_wait3A_1341 = arith.constant 0 : i32
      %dma_wait3A_1342 = arith.constant 4 : i32
      %dma_wait3A_1343 = arith.constant 0 : i32
      %dma_wait3A_1344 = arith.constant 0 : i32
      %dma_wait3A_1345 = tpu.memref_slice %arg6[%dma_wait3A_1342, %dma_wait3A_1343, %dma_wait3A_1344] : memref<5x128x64xf32, #tpu.memory_space<vmem>> -> memref<1x128x64xf32, #tpu.memory_space<vmem>>
      %dma_wait3A_1346 = tpu.memref_squeeze %dma_wait3A_1345 : memref<1x128x64xf32, #tpu.memory_space<vmem>> -> memref<128x64xf32, #tpu.memory_space<vmem>>
      %dma_wait3A_1347 = arith.constant 0 : i32
      %dma_wait3A_1348 = tpu.memref_slice %arg5[%dma_wait3A_1340, %dma_wait3A_1341, %dma_wait3A_1347] : memref<25x8x128xi32, #tpu.memory_space<vmem>> -> memref<1x1x128xi32, #tpu.memory_space<vmem>>
      %dma_wait3A_1349 = tpu.memref_squeeze %dma_wait3A_1348 : memref<1x1x128xi32, #tpu.memory_space<vmem>> -> memref<128xi32, #tpu.memory_space<vmem>>
      %dma_wait3A_1350 = arith.constant 0 : i32
      %dma_wait3A_1351 = arith.constant 0 : i32
      %dma_wait3A_1352 = tpu.memref_slice %arg3[%dma_wait3A_1350, %dma_wait3A_1351] : memref<32768x64xf32, #tpu.memory_space<hbm>> -> memref<32768x64xf32, #tpu.memory_space<hbm>>
      tpu.wait_indirect_dma semaphore(%arg12 : memref<!tpu.dma_semaphore, #tpu.memory_space<semaphore_mem>>) src(%dma_wait3A_1352 : memref<32768x64xf32, #tpu.memory_space<hbm>>) dst(%dma_wait3A_1346 : memref<128x64xf32, #tpu.memory_space<vmem>>)
      %ge3A_1353 = arith.constant 5 : i32
      %ge3A_1354 = arith.cmpi sge, %add3A_1330, %ge3A_1353 : i32
      %convert_element_type3A_1355 = arith.extui %ge3A_1354 : i1 to i32
      %cond3A_1356 = arith.constant 0 : i32
      %cond3A_1357 = arith.cmpi ne, %convert_element_type3A_1355, %cond3A_1356 : i32
      scf.if %cond3A_1357 {
        %dma_wait3A_1621 = arith.constant 0 : i32
        %dma_wait3A_1622 = arith.constant 0 : i32
        %dma_wait3A_1623 = arith.constant 0 : i32
        %dma_wait3A_1624 = arith.constant 0 : i32
        %dma_wait3A_1625 = arith.constant 0 : i32
        %dma_wait3A_1626 = tpu.memref_slice %arg7[%dma_wait3A_1621, %dma_wait3A_1623, %dma_wait3A_1624, %dma_wait3A_1625] : memref<5x8x8x136xf32, #tpu.memory_space<vmem>> -> memref<1x8x8x128xf32, #tpu.memory_space<vmem>>
        %dma_wait3A_1627 = tpu.memref_squeeze %dma_wait3A_1626 : memref<1x8x8x128xf32, #tpu.memory_space<vmem>> -> memref<8x8x128xf32, #tpu.memory_space<vmem>>
        %dma_wait3A_1628 = arith.constant 0 : i32
        %dma_wait3A_1629 = arith.constant 0 : i32
        %dma_wait3A_1630 = arith.constant 0 : i32
        %dma_wait3A_1631 = tpu.memref_slice %arg4[%dma_wait3A_1622, %dma_wait3A_1628, %add3A, %dma_wait3A_1629, %dma_wait3A_1630] : memref<200x8x32x8x128xf32, #tpu.memory_space<hbm>> -> memref<1x8x1x8x128xf32, #tpu.memory_space<hbm>>
        %dma_wait3A_1632 = tpu.memref_squeeze %dma_wait3A_1631 : memref<1x8x1x8x128xf32, #tpu.memory_space<hbm>> -> memref<8x8x128xf32, #tpu.memory_space<hbm>>
        %dma_wait3A_1633 = arith.constant 0 : i32
        %dma_wait3A_1634 = arith.constant 0 : i32
        %dma_wait3A_1635 = arith.constant 0 : i32
        %dma_wait3A_1636 = tpu.memref_slice %arg4[%dma_wait3A_1622, %dma_wait3A_1633, %add3A, %dma_wait3A_1634, %dma_wait3A_1635] : memref<200x8x32x8x128xf32, #tpu.memory_space<hbm>> -> memref<1x8x1x8x128xf32, #tpu.memory_space<hbm>>
        %dma_wait3A_1637 = tpu.memref_squeeze %dma_wait3A_1636 : memref<1x8x1x8x128xf32, #tpu.memory_space<hbm>> -> memref<8x8x128xf32, #tpu.memory_space<hbm>>
        %dma_wait3A_1638 = arith.constant 0 : i32
        %dma_wait3A_1639 = arith.constant 0 : i32
        %dma_wait3A_1640 = arith.constant 0 : i32
        %dma_wait3A_1641 = tpu.memref_slice %arg7[%dma_wait3A_1621, %dma_wait3A_1638, %dma_wait3A_1639, %dma_wait3A_1640] : memref<5x8x8x136xf32, #tpu.memory_space<vmem>> -> memref<1x8x8x128xf32, #tpu.memory_space<vmem>>
        %dma_wait3A_1642 = tpu.memref_squeeze %dma_wait3A_1641 : memref<1x8x8x128xf32, #tpu.memory_space<vmem>> -> memref<8x8x128xf32, #tpu.memory_space<vmem>>
        tpu.wait_dma2 semaphore(%arg17 : memref<!tpu.dma_semaphore, #tpu.memory_space<semaphore_mem>>) src(%dma_wait3A_1642 : memref<8x8x128xf32, #tpu.memory_space<vmem>>) dst(%dma_wait3A_1637 : memref<8x8x128xf32, #tpu.memory_space<hbm>>)
      } else {
      }
      %iota3A_1358 = tpu.iota {dimensions = array<i32: 0>} : vector<16xi32>
      %add3A_1359 = arith.constant 0 : i32
      %add3A_1360 = vector.broadcast %add3A_1359 : i32 to vector<16xi32>
      %add3A_1361 = arith.addi %add3A_1360, %iota3A_1358 : vector<16xi32>
      %jit3A_1362 = arith.constant 8 : i32
      %div3A_1363 = vector.broadcast %jit3A_1362 : i32 to vector<16xi32>
      %div3A_1364 = arith.divsi %add3A_1361, %div3A_1363 : vector<16xi32>
      %sign3A_1365 = arith.constant 0 : i32
      %sign3A_1366 = vector.broadcast %sign3A_1365 : i32 to vector<16xi32>
      %sign3A_1367 = arith.cmpi sgt, %add3A_1361, %sign3A_1366 : vector<16xi32>
      %sign3A_1368 = arith.extui %sign3A_1367 : vector<16xi1> to vector<16xi32>
      %sign3A_1369 = arith.constant 0 : i32
      %sign3A_1370 = vector.broadcast %sign3A_1369 : i32 to vector<16xi32>
      %sign3A_1371 = arith.cmpi slt, %add3A_1361, %sign3A_1370 : vector<16xi32>
      %sign3A_1372 = arith.extui %sign3A_1371 : vector<16xi1> to vector<16xi32>
      %sign3A_1373 = arith.subi %sign3A_1368, %sign3A_1372 : vector<16xi32>
      %sign3A_1374 = arith.constant 0 : i32
      %sign3A_1375 = arith.cmpi sgt, %jit3A_1362, %sign3A_1374 : i32
      %sign3A_1376 = arith.extui %sign3A_1375 : i1 to i32
      %sign3A_1377 = arith.constant 0 : i32
      %sign3A_1378 = arith.cmpi slt, %jit3A_1362, %sign3A_1377 : i32
      %sign3A_1379 = arith.extui %sign3A_1378 : i1 to i32
      %sign3A_1380 = arith.subi %sign3A_1376, %sign3A_1379 : i32
      %ne3A_1381 = vector.broadcast %sign3A_1380 : i32 to vector<16xi32>
      %ne3A_1382 = arith.cmpi ne, %sign3A_1373, %ne3A_1381 : vector<16xi32>
      %rem3A_1383 = vector.broadcast %jit3A_1362 : i32 to vector<16xi32>
      %rem3A_1384 = arith.remsi %add3A_1361, %rem3A_1383 : vector<16xi32>
      %ne3A_1385 = arith.constant 0 : i32
      %ne3A_1386 = vector.broadcast %ne3A_1385 : i32 to vector<16xi32>
      %ne3A_1387 = arith.cmpi ne, %rem3A_1384, %ne3A_1386 : vector<16xi32>
      %and3A_1388 = arith.andi %ne3A_1382, %ne3A_1387 : vector<16xi1>
      %sub3A_1389 = arith.constant 1 : i32
      %sub3A_1390 = vector.broadcast %sub3A_1389 : i32 to vector<16xi32>
      %sub3A_1391 = arith.subi %div3A_1364, %sub3A_1390 : vector<16xi32>
      %select_n3A_1392 = arith.select %and3A_1388, %sub3A_1391, %div3A_1364 : vector<16xi1>, vector<16xi32>
      %add3A_1393 = arith.constant 16 : i32
      %add3A_1394 = vector.broadcast %add3A_1393 : i32 to vector<16xi32>
      %add3A_1395 = arith.addi %add3A_1394, %iota3A_1358 : vector<16xi32>
      %jit3A_1396 = arith.constant 8 : i32
      %div3A_1397 = vector.broadcast %jit3A_1396 : i32 to vector<16xi32>
      %div3A_1398 = arith.divsi %add3A_1395, %div3A_1397 : vector<16xi32>
      %sign3A_1399 = arith.constant 0 : i32
      %sign3A_1400 = vector.broadcast %sign3A_1399 : i32 to vector<16xi32>
      %sign3A_1401 = arith.cmpi sgt, %add3A_1395, %sign3A_1400 : vector<16xi32>
      %sign3A_1402 = arith.extui %sign3A_1401 : vector<16xi1> to vector<16xi32>
      %sign3A_1403 = arith.constant 0 : i32
      %sign3A_1404 = vector.broadcast %sign3A_1403 : i32 to vector<16xi32>
      %sign3A_1405 = arith.cmpi slt, %add3A_1395, %sign3A_1404 : vector<16xi32>
      %sign3A_1406 = arith.extui %sign3A_1405 : vector<16xi1> to vector<16xi32>
      %sign3A_1407 = arith.subi %sign3A_1402, %sign3A_1406 : vector<16xi32>
      %sign3A_1408 = arith.constant 0 : i32
      %sign3A_1409 = arith.cmpi sgt, %jit3A_1396, %sign3A_1408 : i32
      %sign3A_1410 = arith.extui %sign3A_1409 : i1 to i32
      %sign3A_1411 = arith.constant 0 : i32
      %sign3A_1412 = arith.cmpi slt, %jit3A_1396, %sign3A_1411 : i32
      %sign3A_1413 = arith.extui %sign3A_1412 : i1 to i32
      %sign3A_1414 = arith.subi %sign3A_1410, %sign3A_1413 : i32
      %ne3A_1415 = vector.broadcast %sign3A_1414 : i32 to vector<16xi32>
      %ne3A_1416 = arith.cmpi ne, %sign3A_1407, %ne3A_1415 : vector<16xi32>
      %rem3A_1417 = vector.broadcast %jit3A_1396 : i32 to vector<16xi32>
      %rem3A_1418 = arith.remsi %add3A_1395, %rem3A_1417 : vector<16xi32>
      %ne3A_1419 = arith.constant 0 : i32
      %ne3A_1420 = vector.broadcast %ne3A_1419 : i32 to vector<16xi32>
      %ne3A_1421 = arith.cmpi ne, %rem3A_1418, %ne3A_1420 : vector<16xi32>
      %and3A_1422 = arith.andi %ne3A_1416, %ne3A_1421 : vector<16xi1>
      %sub3A_1423 = arith.constant 1 : i32
      %sub3A_1424 = vector.broadcast %sub3A_1423 : i32 to vector<16xi32>
      %sub3A_1425 = arith.subi %div3A_1398, %sub3A_1424 : vector<16xi32>
      %select_n3A_1426 = arith.select %and3A_1422, %sub3A_1425, %div3A_1398 : vector<16xi1>, vector<16xi32>
      %add3A_1427 = arith.constant 32 : i32
      %add3A_1428 = vector.broadcast %add3A_1427 : i32 to vector<16xi32>
      %add3A_1429 = arith.addi %add3A_1428, %iota3A_1358 : vector<16xi32>
      %jit3A_1430 = arith.constant 8 : i32
      %div3A_1431 = vector.broadcast %jit3A_1430 : i32 to vector<16xi32>
      %div3A_1432 = arith.divsi %add3A_1429, %div3A_1431 : vector<16xi32>
      %sign3A_1433 = arith.constant 0 : i32
      %sign3A_1434 = vector.broadcast %sign3A_1433 : i32 to vector<16xi32>
      %sign3A_1435 = arith.cmpi sgt, %add3A_1429, %sign3A_1434 : vector<16xi32>
      %sign3A_1436 = arith.extui %sign3A_1435 : vector<16xi1> to vector<16xi32>
      %sign3A_1437 = arith.constant 0 : i32
      %sign3A_1438 = vector.broadcast %sign3A_1437 : i32 to vector<16xi32>
      %sign3A_1439 = arith.cmpi slt, %add3A_1429, %sign3A_1438 : vector<16xi32>
      %sign3A_1440 = arith.extui %sign3A_1439 : vector<16xi1> to vector<16xi32>
      %sign3A_1441 = arith.subi %sign3A_1436, %sign3A_1440 : vector<16xi32>
      %sign3A_1442 = arith.constant 0 : i32
      %sign3A_1443 = arith.cmpi sgt, %jit3A_1430, %sign3A_1442 : i32
      %sign3A_1444 = arith.extui %sign3A_1443 : i1 to i32
      %sign3A_1445 = arith.constant 0 : i32
      %sign3A_1446 = arith.cmpi slt, %jit3A_1430, %sign3A_1445 : i32
      %sign3A_1447 = arith.extui %sign3A_1446 : i1 to i32
      %sign3A_1448 = arith.subi %sign3A_1444, %sign3A_1447 : i32
      %ne3A_1449 = vector.broadcast %sign3A_1448 : i32 to vector<16xi32>
      %ne3A_1450 = arith.cmpi ne, %sign3A_1441, %ne3A_1449 : vector<16xi32>
      %rem3A_1451 = vector.broadcast %jit3A_1430 : i32 to vector<16xi32>
      %rem3A_1452 = arith.remsi %add3A_1429, %rem3A_1451 : vector<16xi32>
      %ne3A_1453 = arith.constant 0 : i32
      %ne3A_1454 = vector.broadcast %ne3A_1453 : i32 to vector<16xi32>
      %ne3A_1455 = arith.cmpi ne, %rem3A_1452, %ne3A_1454 : vector<16xi32>
      %and3A_1456 = arith.andi %ne3A_1450, %ne3A_1455 : vector<16xi1>
      %sub3A_1457 = arith.constant 1 : i32
      %sub3A_1458 = vector.broadcast %sub3A_1457 : i32 to vector<16xi32>
      %sub3A_1459 = arith.subi %div3A_1432, %sub3A_1458 : vector<16xi32>
      %select_n3A_1460 = arith.select %and3A_1456, %sub3A_1459, %div3A_1432 : vector<16xi1>, vector<16xi32>
      %add3A_1461 = arith.constant 48 : i32
      %add3A_1462 = vector.broadcast %add3A_1461 : i32 to vector<16xi32>
      %add3A_1463 = arith.addi %add3A_1462, %iota3A_1358 : vector<16xi32>
      %jit3A_1464 = arith.constant 8 : i32
      %div3A_1465 = vector.broadcast %jit3A_1464 : i32 to vector<16xi32>
      %div3A_1466 = arith.divsi %add3A_1463, %div3A_1465 : vector<16xi32>
      %sign3A_1467 = arith.constant 0 : i32
      %sign3A_1468 = vector.broadcast %sign3A_1467 : i32 to vector<16xi32>
      %sign3A_1469 = arith.cmpi sgt, %add3A_1463, %sign3A_1468 : vector<16xi32>
      %sign3A_1470 = arith.extui %sign3A_1469 : vector<16xi1> to vector<16xi32>
      %sign3A_1471 = arith.constant 0 : i32
      %sign3A_1472 = vector.broadcast %sign3A_1471 : i32 to vector<16xi32>
      %sign3A_1473 = arith.cmpi slt, %add3A_1463, %sign3A_1472 : vector<16xi32>
      %sign3A_1474 = arith.extui %sign3A_1473 : vector<16xi1> to vector<16xi32>
      %sign3A_1475 = arith.subi %sign3A_1470, %sign3A_1474 : vector<16xi32>
      %sign3A_1476 = arith.constant 0 : i32
      %sign3A_1477 = arith.cmpi sgt, %jit3A_1464, %sign3A_1476 : i32
      %sign3A_1478 = arith.extui %sign3A_1477 : i1 to i32
      %sign3A_1479 = arith.constant 0 : i32
      %sign3A_1480 = arith.cmpi slt, %jit3A_1464, %sign3A_1479 : i32
      %sign3A_1481 = arith.extui %sign3A_1480 : i1 to i32
      %sign3A_1482 = arith.subi %sign3A_1478, %sign3A_1481 : i32
      %ne3A_1483 = vector.broadcast %sign3A_1482 : i32 to vector<16xi32>
      %ne3A_1484 = arith.cmpi ne, %sign3A_1475, %ne3A_1483 : vector<16xi32>
      %rem3A_1485 = vector.broadcast %jit3A_1464 : i32 to vector<16xi32>
      %rem3A_1486 = arith.remsi %add3A_1463, %rem3A_1485 : vector<16xi32>
      %ne3A_1487 = arith.constant 0 : i32
      %ne3A_1488 = vector.broadcast %ne3A_1487 : i32 to vector<16xi32>
      %ne3A_1489 = arith.cmpi ne, %rem3A_1486, %ne3A_1488 : vector<16xi32>
      %and3A_1490 = arith.andi %ne3A_1484, %ne3A_1489 : vector<16xi1>
      %sub3A_1491 = arith.constant 1 : i32
      %sub3A_1492 = vector.broadcast %sub3A_1491 : i32 to vector<16xi32>
      %sub3A_1493 = arith.subi %div3A_1466, %sub3A_1492 : vector<16xi32>
      %select_n3A_1494 = arith.select %and3A_1490, %sub3A_1493, %div3A_1466 : vector<16xi1>, vector<16xi32>
      %add3A_1495 = arith.constant 0 : i32
      %add3A_1496 = vector.broadcast %add3A_1495 : i32 to vector<16xi32>
      %add3A_1497 = arith.addi %add3A_1496, %iota3A_1358 : vector<16xi32>
      %jit3A_1498 = arith.constant 8 : i32
      %eq3A_1499 = arith.constant 0 : i32
      %eq3A_1500 = arith.cmpi eq, %jit3A_1498, %eq3A_1499 : i32
      %jit3A_1501 = arith.constant 1 : i32
      %select_n3A_1502 = arith.select %eq3A_1500, %jit3A_1501, %jit3A_1498 : i32
      %rem3A_1503 = vector.broadcast %select_n3A_1502 : i32 to vector<16xi32>
      %rem3A_1504 = arith.remsi %add3A_1497, %rem3A_1503 : vector<16xi32>
      %ne3A_1505 = arith.constant 0 : i32
      %ne3A_1506 = vector.broadcast %ne3A_1505 : i32 to vector<16xi32>
      %ne3A_1507 = arith.cmpi ne, %rem3A_1504, %ne3A_1506 : vector<16xi32>
      %lt3A_1508 = arith.constant 0 : i32
      %lt3A_1509 = vector.broadcast %lt3A_1508 : i32 to vector<16xi32>
      %lt3A_1510 = arith.cmpi slt, %rem3A_1504, %lt3A_1509 : vector<16xi32>
      %lt3A_1511 = arith.constant 0 : i32
      %lt3A_1512 = arith.cmpi slt, %select_n3A_1502, %lt3A_1511 : i32
      %ne3A_1513 = vector.broadcast %lt3A_1512 : i1 to vector<16xi1>
      %ne3A_1514 = vector.broadcast %ne3A_1513 : vector<16xi1> to vector<16xi1>
      %ne3A_1515 = arith.xori %lt3A_1510, %ne3A_1514 : vector<16xi1>
      %and3A_1516 = arith.andi %ne3A_1515, %ne3A_1507 : vector<16xi1>
      %add3A_1517 = vector.broadcast %select_n3A_1502 : i32 to vector<16xi32>
      %add3A_1518 = arith.addi %rem3A_1504, %add3A_1517 : vector<16xi32>
      %select_n3A_1519 = arith.select %and3A_1516, %add3A_1518, %rem3A_1504 : vector<16xi1>, vector<16xi32>
      %add3A_1520 = arith.constant 16 : i32
      %add3A_1521 = vector.broadcast %add3A_1520 : i32 to vector<16xi32>
      %add3A_1522 = arith.addi %add3A_1521, %iota3A_1358 : vector<16xi32>
      %jit3A_1523 = arith.constant 8 : i32
      %eq3A_1524 = arith.constant 0 : i32
      %eq3A_1525 = arith.cmpi eq, %jit3A_1523, %eq3A_1524 : i32
      %jit3A_1526 = arith.constant 1 : i32
      %select_n3A_1527 = arith.select %eq3A_1525, %jit3A_1526, %jit3A_1523 : i32
      %rem3A_1528 = vector.broadcast %select_n3A_1527 : i32 to vector<16xi32>
      %rem3A_1529 = arith.remsi %add3A_1522, %rem3A_1528 : vector<16xi32>
      %ne3A_1530 = arith.constant 0 : i32
      %ne3A_1531 = vector.broadcast %ne3A_1530 : i32 to vector<16xi32>
      %ne3A_1532 = arith.cmpi ne, %rem3A_1529, %ne3A_1531 : vector<16xi32>
      %lt3A_1533 = arith.constant 0 : i32
      %lt3A_1534 = vector.broadcast %lt3A_1533 : i32 to vector<16xi32>
      %lt3A_1535 = arith.cmpi slt, %rem3A_1529, %lt3A_1534 : vector<16xi32>
      %lt3A_1536 = arith.constant 0 : i32
      %lt3A_1537 = arith.cmpi slt, %select_n3A_1527, %lt3A_1536 : i32
      %ne3A_1538 = vector.broadcast %lt3A_1537 : i1 to vector<16xi1>
      %ne3A_1539 = vector.broadcast %ne3A_1538 : vector<16xi1> to vector<16xi1>
      %ne3A_1540 = arith.xori %lt3A_1535, %ne3A_1539 : vector<16xi1>
      %and3A_1541 = arith.andi %ne3A_1540, %ne3A_1532 : vector<16xi1>
      %add3A_1542 = vector.broadcast %select_n3A_1527 : i32 to vector<16xi32>
      %add3A_1543 = arith.addi %rem3A_1529, %add3A_1542 : vector<16xi32>
      %select_n3A_1544 = arith.select %and3A_1541, %add3A_1543, %rem3A_1529 : vector<16xi1>, vector<16xi32>
      %add3A_1545 = arith.constant 32 : i32
      %add3A_1546 = vector.broadcast %add3A_1545 : i32 to vector<16xi32>
      %add3A_1547 = arith.addi %add3A_1546, %iota3A_1358 : vector<16xi32>
      %jit3A_1548 = arith.constant 8 : i32
      %eq3A_1549 = arith.constant 0 : i32
      %eq3A_1550 = arith.cmpi eq, %jit3A_1548, %eq3A_1549 : i32
      %jit3A_1551 = arith.constant 1 : i32
      %select_n3A_1552 = arith.select %eq3A_1550, %jit3A_1551, %jit3A_1548 : i32
      %rem3A_1553 = vector.broadcast %select_n3A_1552 : i32 to vector<16xi32>
      %rem3A_1554 = arith.remsi %add3A_1547, %rem3A_1553 : vector<16xi32>
      %ne3A_1555 = arith.constant 0 : i32
      %ne3A_1556 = vector.broadcast %ne3A_1555 : i32 to vector<16xi32>
      %ne3A_1557 = arith.cmpi ne, %rem3A_1554, %ne3A_1556 : vector<16xi32>
      %lt3A_1558 = arith.constant 0 : i32
      %lt3A_1559 = vector.broadcast %lt3A_1558 : i32 to vector<16xi32>
      %lt3A_1560 = arith.cmpi slt, %rem3A_1554, %lt3A_1559 : vector<16xi32>
      %lt3A_1561 = arith.constant 0 : i32
      %lt3A_1562 = arith.cmpi slt, %select_n3A_1552, %lt3A_1561 : i32
      %ne3A_1563 = vector.broadcast %lt3A_1562 : i1 to vector<16xi1>
      %ne3A_1564 = vector.broadcast %ne3A_1563 : vector<16xi1> to vector<16xi1>
      %ne3A_1565 = arith.xori %lt3A_1560, %ne3A_1564 : vector<16xi1>
      %and3A_1566 = arith.andi %ne3A_1565, %ne3A_1557 : vector<16xi1>
      %add3A_1567 = vector.broadcast %select_n3A_1552 : i32 to vector<16xi32>
      %add3A_1568 = arith.addi %rem3A_1554, %add3A_1567 : vector<16xi32>
      %select_n3A_1569 = arith.select %and3A_1566, %add3A_1568, %rem3A_1554 : vector<16xi1>, vector<16xi32>
      %add3A_1570 = arith.constant 48 : i32
      %add3A_1571 = vector.broadcast %add3A_1570 : i32 to vector<16xi32>
      %add3A_1572 = arith.addi %add3A_1571, %iota3A_1358 : vector<16xi32>
      %jit3A_1573 = arith.constant 8 : i32
      %eq3A_1574 = arith.constant 0 : i32
      %eq3A_1575 = arith.cmpi eq, %jit3A_1573, %eq3A_1574 : i32
      %jit3A_1576 = arith.constant 1 : i32
      %select_n3A_1577 = arith.select %eq3A_1575, %jit3A_1576, %jit3A_1573 : i32
      %rem3A_1578 = vector.broadcast %select_n3A_1577 : i32 to vector<16xi32>
      %rem3A_1579 = arith.remsi %add3A_1572, %rem3A_1578 : vector<16xi32>
      %ne3A_1580 = arith.constant 0 : i32
      %ne3A_1581 = vector.broadcast %ne3A_1580 : i32 to vector<16xi32>
      %ne3A_1582 = arith.cmpi ne, %rem3A_1579, %ne3A_1581 : vector<16xi32>
      %lt3A_1583 = arith.constant 0 : i32
      %lt3A_1584 = vector.broadcast %lt3A_1583 : i32 to vector<16xi32>
      %lt3A_1585 = arith.cmpi slt, %rem3A_1579, %lt3A_1584 : vector<16xi32>
      %lt3A_1586 = arith.constant 0 : i32
      %lt3A_1587 = arith.cmpi slt, %select_n3A_1577, %lt3A_1586 : i32
      %ne3A_1588 = vector.broadcast %lt3A_1587 : i1 to vector<16xi1>
      %ne3A_1589 = vector.broadcast %ne3A_1588 : vector<16xi1> to vector<16xi1>
      %ne3A_1590 = arith.xori %lt3A_1585, %ne3A_1589 : vector<16xi1>
      %and3A_1591 = arith.andi %ne3A_1590, %ne3A_1582 : vector<16xi1>
      %add3A_1592 = vector.broadcast %select_n3A_1577 : i32 to vector<16xi32>
      %add3A_1593 = arith.addi %rem3A_1579, %add3A_1592 : vector<16xi32>
      %select_n3A_1594 = arith.select %and3A_1591, %add3A_1593, %rem3A_1579 : vector<16xi1>, vector<16xi32>
      %parallel_loop3A_1595 = arith.constant 0 : i32
      %parallel_loop3A_1596 = arith.constant 128 : i32
      %parallel_loop3A_1597 = arith.constant 1 : i32
      %parallel_loop3A_1598 = arith.constant 4 : i32
      %parallel_loop3A_1599 = arith.constant 4 : i32
      scf.for %parallel_loop3A_1621 = %parallel_loop3A_1595 to %parallel_loop3A_1596 step %parallel_loop3A_1597  : i32 {
        %parallel_loop3A_1622 = arith.constant 0 : i32
        %parallel_loop3A_1623 = vector.broadcast %parallel_loop3A_1622 : i32 to vector<16xi32>
        %parallel_loop3A_1624 = vector.broadcast %parallel_loop3A_1621 : i32 to vector<16xi32>
        %parallel_loop3A_1625 = arith.addi %parallel_loop3A_1623, %parallel_loop3A_1624 : vector<16xi32>
        %parallel_loop3A_1626 = arith.constant 0 : i32
        %parallel_loop3A_1627 = arith.constant 0 : i32
        %parallel_loop3A_1628 = tpu.memref_slice %arg6[%parallel_loop3A_1598, %parallel_loop3A_1626, %parallel_loop3A_1627] : memref<5x128x64xf32, #tpu.memory_space<vmem>> -> memref<1x128x64xf32, #tpu.memory_space<vmem>>
        %parallel_loop3A_1629 = tpu.memref_squeeze %parallel_loop3A_1628 : memref<1x128x64xf32, #tpu.memory_space<vmem>> -> memref<128x64xf32, #tpu.memory_space<vmem>>
        %parallel_loop3A_1630 = arith.index_cast %parallel_loop3A_1621 : i32 to index
        %parallel_loop3A_1631 = arith.constant 0 : index
        %parallel_loop3A_1632 = tpu.vector_load %parallel_loop3A_1629[%parallel_loop3A_1630, %parallel_loop3A_1631] {strides = array<i32>} : memref<128x64xf32, #tpu.memory_space<vmem>>, vector<16xf32>,
        %parallel_loop3A_1633 = arith.constant 0 : i32
        %parallel_loop3A_1634 = arith.constant 0 : i32
        %parallel_loop3A_1635 = arith.constant 0 : i32
        %parallel_loop3A_1636 = tpu.memref_slice %arg7[%parallel_loop3A_1599, %parallel_loop3A_1633, %parallel_loop3A_1634, %parallel_loop3A_1635] : memref<5x8x8x136xf32, #tpu.memory_space<vmem>> -> memref<1x8x8x136xf32, #tpu.memory_space<vmem>>
        %parallel_loop3A_1637 = tpu.memref_squeeze %parallel_loop3A_1636 : memref<1x8x8x136xf32, #tpu.memory_space<vmem>> -> memref<8x8x136xf32, #tpu.memory_space<vmem>>
        tpu.vector_store_idx %parallel_loop3A_1637[%select_n3A_1392, %select_n3A_1519, %parallel_loop3A_1625], %parallel_loop3A_1632 : memref<8x8x136xf32, #tpu.memory_space<vmem>>[vector<16xi32>, vector<16xi32>, vector<16xi32>], vector<16xf32>,
        %parallel_loop3A_1638 = arith.constant 0 : i32
        %parallel_loop3A_1639 = arith.constant 0 : i32
        %parallel_loop3A_1640 = tpu.memref_slice %arg6[%parallel_loop3A_1598, %parallel_loop3A_1638, %parallel_loop3A_1639] : memref<5x128x64xf32, #tpu.memory_space<vmem>> -> memref<1x128x64xf32, #tpu.memory_space<vmem>>
        %parallel_loop3A_1641 = tpu.memref_squeeze %parallel_loop3A_1640 : memref<1x128x64xf32, #tpu.memory_space<vmem>> -> memref<128x64xf32, #tpu.memory_space<vmem>>
        %parallel_loop3A_1642 = arith.index_cast %parallel_loop3A_1621 : i32 to index
        %parallel_loop3A_1643 = arith.constant 16 : index
        %parallel_loop3A_1644 = tpu.vector_load %parallel_loop3A_1641[%parallel_loop3A_1642, %parallel_loop3A_1643] {strides = array<i32>} : memref<128x64xf32, #tpu.memory_space<vmem>>, vector<16xf32>,
        %parallel_loop3A_1645 = arith.constant 0 : i32
        %parallel_loop3A_1646 = arith.constant 0 : i32
        %parallel_loop3A_1647 = arith.constant 0 : i32
        %parallel_loop3A_1648 = tpu.memref_slice %arg7[%parallel_loop3A_1599, %parallel_loop3A_1645, %parallel_loop3A_1646, %parallel_loop3A_1647] : memref<5x8x8x136xf32, #tpu.memory_space<vmem>> -> memref<1x8x8x136xf32, #tpu.memory_space<vmem>>
        %parallel_loop3A_1649 = tpu.memref_squeeze %parallel_loop3A_1648 : memref<1x8x8x136xf32, #tpu.memory_space<vmem>> -> memref<8x8x136xf32, #tpu.memory_space<vmem>>
        tpu.vector_store_idx %parallel_loop3A_1649[%select_n3A_1426, %select_n3A_1544, %parallel_loop3A_1625], %parallel_loop3A_1644 : memref<8x8x136xf32, #tpu.memory_space<vmem>>[vector<16xi32>, vector<16xi32>, vector<16xi32>], vector<16xf32>,
        %parallel_loop3A_1650 = arith.constant 0 : i32
        %parallel_loop3A_1651 = arith.constant 0 : i32
        %parallel_loop3A_1652 = tpu.memref_slice %arg6[%parallel_loop3A_1598, %parallel_loop3A_1650, %parallel_loop3A_1651] : memref<5x128x64xf32, #tpu.memory_space<vmem>> -> memref<1x128x64xf32, #tpu.memory_space<vmem>>
        %parallel_loop3A_1653 = tpu.memref_squeeze %parallel_loop3A_1652 : memref<1x128x64xf32, #tpu.memory_space<vmem>> -> memref<128x64xf32, #tpu.memory_space<vmem>>
        %parallel_loop3A_1654 = arith.index_cast %parallel_loop3A_1621 : i32 to index
        %parallel_loop3A_1655 = arith.constant 32 : index
        %parallel_loop3A_1656 = tpu.vector_load %parallel_loop3A_1653[%parallel_loop3A_1654, %parallel_loop3A_1655] {strides = array<i32>} : memref<128x64xf32, #tpu.memory_space<vmem>>, vector<16xf32>,
        %parallel_loop3A_1657 = arith.constant 0 : i32
        %parallel_loop3A_1658 = arith.constant 0 : i32
        %parallel_loop3A_1659 = arith.constant 0 : i32
        %parallel_loop3A_1660 = tpu.memref_slice %arg7[%parallel_loop3A_1599, %parallel_loop3A_1657, %parallel_loop3A_1658, %parallel_loop3A_1659] : memref<5x8x8x136xf32, #tpu.memory_space<vmem>> -> memref<1x8x8x136xf32, #tpu.memory_space<vmem>>
        %parallel_loop3A_1661 = tpu.memref_squeeze %parallel_loop3A_1660 : memref<1x8x8x136xf32, #tpu.memory_space<vmem>> -> memref<8x8x136xf32, #tpu.memory_space<vmem>>
        tpu.vector_store_idx %parallel_loop3A_1661[%select_n3A_1460, %select_n3A_1569, %parallel_loop3A_1625], %parallel_loop3A_1656 : memref<8x8x136xf32, #tpu.memory_space<vmem>>[vector<16xi32>, vector<16xi32>, vector<16xi32>], vector<16xf32>,
        %parallel_loop3A_1662 = arith.constant 0 : i32
        %parallel_loop3A_1663 = arith.constant 0 : i32
        %parallel_loop3A_1664 = tpu.memref_slice %arg6[%parallel_loop3A_1598, %parallel_loop3A_1662, %parallel_loop3A_1663] : memref<5x128x64xf32, #tpu.memory_space<vmem>> -> memref<1x128x64xf32, #tpu.memory_space<vmem>>
        %parallel_loop3A_1665 = tpu.memref_squeeze %parallel_loop3A_1664 : memref<1x128x64xf32, #tpu.memory_space<vmem>> -> memref<128x64xf32, #tpu.memory_space<vmem>>
        %parallel_loop3A_1666 = arith.index_cast %parallel_loop3A_1621 : i32 to index
        %parallel_loop3A_1667 = arith.constant 48 : index
        %parallel_loop3A_1668 = tpu.vector_load %parallel_loop3A_1665[%parallel_loop3A_1666, %parallel_loop3A_1667] {strides = array<i32>} : memref<128x64xf32, #tpu.memory_space<vmem>>, vector<16xf32>,
        %parallel_loop3A_1669 = arith.constant 0 : i32
        %parallel_loop3A_1670 = arith.constant 0 : i32
        %parallel_loop3A_1671 = arith.constant 0 : i32
        %parallel_loop3A_1672 = tpu.memref_slice %arg7[%parallel_loop3A_1599, %parallel_loop3A_1669, %parallel_loop3A_1670, %parallel_loop3A_1671] : memref<5x8x8x136xf32, #tpu.memory_space<vmem>> -> memref<1x8x8x136xf32, #tpu.memory_space<vmem>>
        %parallel_loop3A_1673 = tpu.memref_squeeze %parallel_loop3A_1672 : memref<1x8x8x136xf32, #tpu.memory_space<vmem>> -> memref<8x8x136xf32, #tpu.memory_space<vmem>>
        tpu.vector_store_idx %parallel_loop3A_1673[%select_n3A_1494, %select_n3A_1594, %parallel_loop3A_1625], %parallel_loop3A_1668 : memref<8x8x136xf32, #tpu.memory_space<vmem>>[vector<16xi32>, vector<16xi32>, vector<16xi32>], vector<16xf32>,
      } {sc.loop_unroll_factor = 1 : i64, sc.parallel_access}
      %dma_start3A_1600 = arith.constant 4 : i32
      %dma_start3A_1601 = arith.constant 0 : i32
      %dma_start3A_1602 = arith.constant 0 : i32
      %dma_start3A_1603 = arith.constant 0 : i32
      %dma_start3A_1604 = tpu.memref_slice %arg7[%dma_start3A_1600, %dma_start3A_1601, %dma_start3A_1602, %dma_start3A_1603] : memref<5x8x8x136xf32, #tpu.memory_space<vmem>> -> memref<1x8x8x128xf32, #tpu.memory_space<vmem>>
      %dma_start3A_1605 = tpu.memref_squeeze %dma_start3A_1604 : memref<1x8x8x128xf32, #tpu.memory_space<vmem>> -> memref<8x8x128xf32, #tpu.memory_space<vmem>>
      %dma_start3A_1606 = arith.constant 0 : i32
      %dma_start3A_1607 = arith.constant 0 : i32
      %dma_start3A_1608 = arith.constant 0 : i32
      %dma_start3A_1609 = tpu.memref_slice %arg4[%add3A_1330, %dma_start3A_1606, %add3A, %dma_start3A_1607, %dma_start3A_1608] : memref<200x8x32x8x128xf32, #tpu.memory_space<hbm>> -> memref<1x8x1x8x128xf32, #tpu.memory_space<hbm>>
      %dma_start3A_1610 = tpu.memref_squeeze %dma_start3A_1609 : memref<1x8x1x8x128xf32, #tpu.memory_space<hbm>> -> memref<8x8x128xf32, #tpu.memory_space<hbm>>
      %dma_start3A_1611 = arith.constant 0 : i32
      %dma_start3A_1612 = arith.constant 0 : i32
      %dma_start3A_1613 = arith.constant 0 : i32
      %dma_start3A_1614 = tpu.memref_slice %arg4[%add3A_1330, %dma_start3A_1611, %add3A, %dma_start3A_1612, %dma_start3A_1613] : memref<200x8x32x8x128xf32, #tpu.memory_space<hbm>> -> memref<1x8x1x8x128xf32, #tpu.memory_space<hbm>>
      %dma_start3A_1615 = tpu.memref_squeeze %dma_start3A_1614 : memref<1x8x1x8x128xf32, #tpu.memory_space<hbm>> -> memref<8x8x128xf32, #tpu.memory_space<hbm>>
      %dma_start3A_1616 = arith.constant 0 : i32
      %dma_start3A_1617 = arith.constant 0 : i32
      %dma_start3A_1618 = arith.constant 0 : i32
      %dma_start3A_1619 = tpu.memref_slice %arg7[%dma_start3A_1600, %dma_start3A_1616, %dma_start3A_1617, %dma_start3A_1618] : memref<5x8x8x136xf32, #tpu.memory_space<vmem>> -> memref<1x8x8x128xf32, #tpu.memory_space<vmem>>
      %dma_start3A_1620 = tpu.memref_squeeze %dma_start3A_1619 : memref<1x8x8x128xf32, #tpu.memory_space<vmem>> -> memref<8x8x128xf32, #tpu.memory_space<vmem>>
      tpu.enqueue_dma source(%dma_start3A_1620 : memref<8x8x128xf32, #tpu.memory_space<vmem>>) target(%dma_start3A_1615 : memref<8x8x128xf32, #tpu.memory_space<hbm>>) target_semaphore(%arg17 : memref<!tpu.dma_semaphore, #tpu.memory_space<semaphore_mem>>)
    }
    %scan3A_55 = arith.constant 40 : i32
    %dma_wait3A = arith.constant 0 : i32
    %dma_wait3A_56 = arith.constant 0 : i32
    %dma_wait3A_57 = arith.constant 0 : i32
    %dma_wait3A_58 = arith.constant 0 : i32
    %dma_wait3A_59 = arith.constant 0 : i32
    %dma_wait3A_60 = tpu.memref_slice %arg7[%dma_wait3A, %dma_wait3A_57, %dma_wait3A_58, %dma_wait3A_59] : memref<5x8x8x136xf32, #tpu.memory_space<vmem>> -> memref<1x8x8x128xf32, #tpu.memory_space<vmem>>
    %dma_wait3A_61 = tpu.memref_squeeze %dma_wait3A_60 : memref<1x8x8x128xf32, #tpu.memory_space<vmem>> -> memref<8x8x128xf32, #tpu.memory_space<vmem>>
    %dma_wait3A_62 = arith.constant 0 : i32
    %dma_wait3A_63 = arith.constant 0 : i32
    %dma_wait3A_64 = arith.constant 0 : i32
    %dma_wait3A_65 = tpu.memref_slice %arg4[%dma_wait3A_56, %dma_wait3A_62, %add3A, %dma_wait3A_63, %dma_wait3A_64] : memref<200x8x32x8x128xf32, #tpu.memory_space<hbm>> -> memref<1x8x1x8x128xf32, #tpu.memory_space<hbm>>
    %dma_wait3A_66 = tpu.memref_squeeze %dma_wait3A_65 : memref<1x8x1x8x128xf32, #tpu.memory_space<hbm>> -> memref<8x8x128xf32, #tpu.memory_space<hbm>>
    %dma_wait3A_67 = arith.constant 0 : i32
    %dma_wait3A_68 = arith.constant 0 : i32
    %dma_wait3A_69 = arith.constant 0 : i32
    %dma_wait3A_70 = tpu.memref_slice %arg4[%dma_wait3A_56, %dma_wait3A_67, %add3A, %dma_wait3A_68, %dma_wait3A_69] : memref<200x8x32x8x128xf32, #tpu.memory_space<hbm>> -> memref<1x8x1x8x128xf32, #tpu.memory_space<hbm>>
    %dma_wait3A_71 = tpu.memref_squeeze %dma_wait3A_70 : memref<1x8x1x8x128xf32, #tpu.memory_space<hbm>> -> memref<8x8x128xf32, #tpu.memory_space<hbm>>
    %dma_wait3A_72 = arith.constant 0 : i32
    %dma_wait3A_73 = arith.constant 0 : i32
    %dma_wait3A_74 = arith.constant 0 : i32
    %dma_wait3A_75 = tpu.memref_slice %arg7[%dma_wait3A, %dma_wait3A_72, %dma_wait3A_73, %dma_wait3A_74] : memref<5x8x8x136xf32, #tpu.memory_space<vmem>> -> memref<1x8x8x128xf32, #tpu.memory_space<vmem>>
    %dma_wait3A_76 = tpu.memref_squeeze %dma_wait3A_75 : memref<1x8x8x128xf32, #tpu.memory_space<vmem>> -> memref<8x8x128xf32, #tpu.memory_space<vmem>>
    tpu.wait_dma2 semaphore(%arg13 : memref<!tpu.dma_semaphore, #tpu.memory_space<semaphore_mem>>) src(%dma_wait3A_76 : memref<8x8x128xf32, #tpu.memory_space<vmem>>) dst(%dma_wait3A_71 : memref<8x8x128xf32, #tpu.memory_space<hbm>>)
    %dma_wait3A_77 = arith.constant 0 : i32
    %dma_wait3A_78 = arith.constant 0 : i32
    %dma_wait3A_79 = arith.constant 0 : i32
    %dma_wait3A_80 = arith.constant 0 : i32
    %dma_wait3A_81 = arith.constant 0 : i32
    %dma_wait3A_82 = tpu.memref_slice %arg7[%dma_wait3A_77, %dma_wait3A_79, %dma_wait3A_80, %dma_wait3A_81] : memref<5x8x8x136xf32, #tpu.memory_space<vmem>> -> memref<1x8x8x128xf32, #tpu.memory_space<vmem>>
    %dma_wait3A_83 = tpu.memref_squeeze %dma_wait3A_82 : memref<1x8x8x128xf32, #tpu.memory_space<vmem>> -> memref<8x8x128xf32, #tpu.memory_space<vmem>>
    %dma_wait3A_84 = arith.constant 0 : i32
    %dma_wait3A_85 = arith.constant 0 : i32
    %dma_wait3A_86 = arith.constant 0 : i32
    %dma_wait3A_87 = tpu.memref_slice %arg4[%dma_wait3A_78, %dma_wait3A_84, %add3A, %dma_wait3A_85, %dma_wait3A_86] : memref<200x8x32x8x128xf32, #tpu.memory_space<hbm>> -> memref<1x8x1x8x128xf32, #tpu.memory_space<hbm>>
    %dma_wait3A_88 = tpu.memref_squeeze %dma_wait3A_87 : memref<1x8x1x8x128xf32, #tpu.memory_space<hbm>> -> memref<8x8x128xf32, #tpu.memory_space<hbm>>
    %dma_wait3A_89 = arith.constant 0 : i32
    %dma_wait3A_90 = arith.constant 0 : i32
    %dma_wait3A_91 = arith.constant 0 : i32
    %dma_wait3A_92 = tpu.memref_slice %arg4[%dma_wait3A_78, %dma_wait3A_89, %add3A, %dma_wait3A_90, %dma_wait3A_91] : memref<200x8x32x8x128xf32, #tpu.memory_space<hbm>> -> memref<1x8x1x8x128xf32, #tpu.memory_space<hbm>>
    %dma_wait3A_93 = tpu.memref_squeeze %dma_wait3A_92 : memref<1x8x1x8x128xf32, #tpu.memory_space<hbm>> -> memref<8x8x128xf32, #tpu.memory_space<hbm>>
    %dma_wait3A_94 = arith.constant 0 : i32
    %dma_wait3A_95 = arith.constant 0 : i32
    %dma_wait3A_96 = arith.constant 0 : i32
    %dma_wait3A_97 = tpu.memref_slice %arg7[%dma_wait3A_77, %dma_wait3A_94, %dma_wait3A_95, %dma_wait3A_96] : memref<5x8x8x136xf32, #tpu.memory_space<vmem>> -> memref<1x8x8x128xf32, #tpu.memory_space<vmem>>
    %dma_wait3A_98 = tpu.memref_squeeze %dma_wait3A_97 : memref<1x8x8x128xf32, #tpu.memory_space<vmem>> -> memref<8x8x128xf32, #tpu.memory_space<vmem>>
    tpu.wait_dma2 semaphore(%arg14 : memref<!tpu.dma_semaphore, #tpu.memory_space<semaphore_mem>>) src(%dma_wait3A_98 : memref<8x8x128xf32, #tpu.memory_space<vmem>>) dst(%dma_wait3A_93 : memref<8x8x128xf32, #tpu.memory_space<hbm>>)
    %dma_wait3A_99 = arith.constant 0 : i32
    %dma_wait3A_100 = arith.constant 0 : i32
    %dma_wait3A_101 = arith.constant 0 : i32
    %dma_wait3A_102 = arith.constant 0 : i32
    %dma_wait3A_103 = arith.constant 0 : i32
    %dma_wait3A_104 = tpu.memref_slice %arg7[%dma_wait3A_99, %dma_wait3A_101, %dma_wait3A_102, %dma_wait3A_103] : memref<5x8x8x136xf32, #tpu.memory_space<vmem>> -> memref<1x8x8x128xf32, #tpu.memory_space<vmem>>
    %dma_wait3A_105 = tpu.memref_squeeze %dma_wait3A_104 : memref<1x8x8x128xf32, #tpu.memory_space<vmem>> -> memref<8x8x128xf32, #tpu.memory_space<vmem>>
    %dma_wait3A_106 = arith.constant 0 : i32
    %dma_wait3A_107 = arith.constant 0 : i32
    %dma_wait3A_108 = arith.constant 0 : i32
    %dma_wait3A_109 = tpu.memref_slice %arg4[%dma_wait3A_100, %dma_wait3A_106, %add3A, %dma_wait3A_107, %dma_wait3A_108] : memref<200x8x32x8x128xf32, #tpu.memory_space<hbm>> -> memref<1x8x1x8x128xf32, #tpu.memory_space<hbm>>
    %dma_wait3A_110 = tpu.memref_squeeze %dma_wait3A_109 : memref<1x8x1x8x128xf32, #tpu.memory_space<hbm>> -> memref<8x8x128xf32, #tpu.memory_space<hbm>>
    %dma_wait3A_111 = arith.constant 0 : i32
    %dma_wait3A_112 = arith.constant 0 : i32
    %dma_wait3A_113 = arith.constant 0 : i32
    %dma_wait3A_114 = tpu.memref_slice %arg4[%dma_wait3A_100, %dma_wait3A_111, %add3A, %dma_wait3A_112, %dma_wait3A_113] : memref<200x8x32x8x128xf32, #tpu.memory_space<hbm>> -> memref<1x8x1x8x128xf32, #tpu.memory_space<hbm>>
    %dma_wait3A_115 = tpu.memref_squeeze %dma_wait3A_114 : memref<1x8x1x8x128xf32, #tpu.memory_space<hbm>> -> memref<8x8x128xf32, #tpu.memory_space<hbm>>
    %dma_wait3A_116 = arith.constant 0 : i32
    %dma_wait3A_117 = arith.constant 0 : i32
    %dma_wait3A_118 = arith.constant 0 : i32
    %dma_wait3A_119 = tpu.memref_slice %arg7[%dma_wait3A_99, %dma_wait3A_116, %dma_wait3A_117, %dma_wait3A_118] : memref<5x8x8x136xf32, #tpu.memory_space<vmem>> -> memref<1x8x8x128xf32, #tpu.memory_space<vmem>>
    %dma_wait3A_120 = tpu.memref_squeeze %dma_wait3A_119 : memref<1x8x8x128xf32, #tpu.memory_space<vmem>> -> memref<8x8x128xf32, #tpu.memory_space<vmem>>
    tpu.wait_dma2 semaphore(%arg15 : memref<!tpu.dma_semaphore, #tpu.memory_space<semaphore_mem>>) src(%dma_wait3A_120 : memref<8x8x128xf32, #tpu.memory_space<vmem>>) dst(%dma_wait3A_115 : memref<8x8x128xf32, #tpu.memory_space<hbm>>)
    %dma_wait3A_121 = arith.constant 0 : i32
    %dma_wait3A_122 = arith.constant 0 : i32
    %dma_wait3A_123 = arith.constant 0 : i32
    %dma_wait3A_124 = arith.constant 0 : i32
    %dma_wait3A_125 = arith.constant 0 : i32
    %dma_wait3A_126 = tpu.memref_slice %arg7[%dma_wait3A_121, %dma_wait3A_123, %dma_wait3A_124, %dma_wait3A_125] : memref<5x8x8x136xf32, #tpu.memory_space<vmem>> -> memref<1x8x8x128xf32, #tpu.memory_space<vmem>>
    %dma_wait3A_127 = tpu.memref_squeeze %dma_wait3A_126 : memref<1x8x8x128xf32, #tpu.memory_space<vmem>> -> memref<8x8x128xf32, #tpu.memory_space<vmem>>
    %dma_wait3A_128 = arith.constant 0 : i32
    %dma_wait3A_129 = arith.constant 0 : i32
    %dma_wait3A_130 = arith.constant 0 : i32
    %dma_wait3A_131 = tpu.memref_slice %arg4[%dma_wait3A_122, %dma_wait3A_128, %add3A, %dma_wait3A_129, %dma_wait3A_130] : memref<200x8x32x8x128xf32, #tpu.memory_space<hbm>> -> memref<1x8x1x8x128xf32, #tpu.memory_space<hbm>>
    %dma_wait3A_132 = tpu.memref_squeeze %dma_wait3A_131 : memref<1x8x1x8x128xf32, #tpu.memory_space<hbm>> -> memref<8x8x128xf32, #tpu.memory_space<hbm>>
    %dma_wait3A_133 = arith.constant 0 : i32
    %dma_wait3A_134 = arith.constant 0 : i32
    %dma_wait3A_135 = arith.constant 0 : i32
    %dma_wait3A_136 = tpu.memref_slice %arg4[%dma_wait3A_122, %dma_wait3A_133, %add3A, %dma_wait3A_134, %dma_wait3A_135] : memref<200x8x32x8x128xf32, #tpu.memory_space<hbm>> -> memref<1x8x1x8x128xf32, #tpu.memory_space<hbm>>
    %dma_wait3A_137 = tpu.memref_squeeze %dma_wait3A_136 : memref<1x8x1x8x128xf32, #tpu.memory_space<hbm>> -> memref<8x8x128xf32, #tpu.memory_space<hbm>>
    %dma_wait3A_138 = arith.constant 0 : i32
    %dma_wait3A_139 = arith.constant 0 : i32
    %dma_wait3A_140 = arith.constant 0 : i32
    %dma_wait3A_141 = tpu.memref_slice %arg7[%dma_wait3A_121, %dma_wait3A_138, %dma_wait3A_139, %dma_wait3A_140] : memref<5x8x8x136xf32, #tpu.memory_space<vmem>> -> memref<1x8x8x128xf32, #tpu.memory_space<vmem>>
    %dma_wait3A_142 = tpu.memref_squeeze %dma_wait3A_141 : memref<1x8x8x128xf32, #tpu.memory_space<vmem>> -> memref<8x8x128xf32, #tpu.memory_space<vmem>>
    tpu.wait_dma2 semaphore(%arg16 : memref<!tpu.dma_semaphore, #tpu.memory_space<semaphore_mem>>) src(%dma_wait3A_142 : memref<8x8x128xf32, #tpu.memory_space<vmem>>) dst(%dma_wait3A_137 : memref<8x8x128xf32, #tpu.memory_space<hbm>>)
    %dma_wait3A_143 = arith.constant 0 : i32
    %dma_wait3A_144 = arith.constant 0 : i32
    %dma_wait3A_145 = arith.constant 0 : i32
    %dma_wait3A_146 = arith.constant 0 : i32
    %dma_wait3A_147 = arith.constant 0 : i32
    %dma_wait3A_148 = tpu.memref_slice %arg7[%dma_wait3A_143, %dma_wait3A_145, %dma_wait3A_146, %dma_wait3A_147] : memref<5x8x8x136xf32, #tpu.memory_space<vmem>> -> memref<1x8x8x128xf32, #tpu.memory_space<vmem>>
    %dma_wait3A_149 = tpu.memref_squeeze %dma_wait3A_148 : memref<1x8x8x128xf32, #tpu.memory_space<vmem>> -> memref<8x8x128xf32, #tpu.memory_space<vmem>>
    %dma_wait3A_150 = arith.constant 0 : i32
    %dma_wait3A_151 = arith.constant 0 : i32
    %dma_wait3A_152 = arith.constant 0 : i32
    %dma_wait3A_153 = tpu.memref_slice %arg4[%dma_wait3A_144, %dma_wait3A_150, %add3A, %dma_wait3A_151, %dma_wait3A_152] : memref<200x8x32x8x128xf32, #tpu.memory_space<hbm>> -> memref<1x8x1x8x128xf32, #tpu.memory_space<hbm>>
    %dma_wait3A_154 = tpu.memref_squeeze %dma_wait3A_153 : memref<1x8x1x8x128xf32, #tpu.memory_space<hbm>> -> memref<8x8x128xf32, #tpu.memory_space<hbm>>
    %dma_wait3A_155 = arith.constant 0 : i32
    %dma_wait3A_156 = arith.constant 0 : i32
    %dma_wait3A_157 = arith.constant 0 : i32
    %dma_wait3A_158 = tpu.memref_slice %arg4[%dma_wait3A_144, %dma_wait3A_155, %add3A, %dma_wait3A_156, %dma_wait3A_157] : memref<200x8x32x8x128xf32, #tpu.memory_space<hbm>> -> memref<1x8x1x8x128xf32, #tpu.memory_space<hbm>>
    %dma_wait3A_159 = tpu.memref_squeeze %dma_wait3A_158 : memref<1x8x1x8x128xf32, #tpu.memory_space<hbm>> -> memref<8x8x128xf32, #tpu.memory_space<hbm>>
    %dma_wait3A_160 = arith.constant 0 : i32
    %dma_wait3A_161 = arith.constant 0 : i32
    %dma_wait3A_162 = arith.constant 0 : i32
    %dma_wait3A_163 = tpu.memref_slice %arg7[%dma_wait3A_143, %dma_wait3A_160, %dma_wait3A_161, %dma_wait3A_162] : memref<5x8x8x136xf32, #tpu.memory_space<vmem>> -> memref<1x8x8x128xf32, #tpu.memory_space<vmem>>
    %dma_wait3A_164 = tpu.memref_squeeze %dma_wait3A_163 : memref<1x8x8x128xf32, #tpu.memory_space<vmem>> -> memref<8x8x128xf32, #tpu.memory_space<vmem>>
    tpu.wait_dma2 semaphore(%arg17 : memref<!tpu.dma_semaphore, #tpu.memory_space<semaphore_mem>>) src(%dma_wait3A_164 : memref<8x8x128xf32, #tpu.memory_space<vmem>>) dst(%dma_wait3A_159 : memref<8x8x128xf32, #tpu.memory_space<hbm>>)
    return
  }
}

</mosaic_0001>

<sc_bundles>
// kernel: kernel.3.cloned.1.call-start
scs
__scs_entry_jumppad:
0x0: {  	(pc) =	sbr.rel $0x88, $3  }
0x1: {  	(tag) =	ssettag $0x0;
	lr =	simm.s32 $0x1  }
0x2: {  	[smem:$0x3F9F] =	sst lr;
	_ =	strace $0xD0000000  }
0x3: {  	_ = 	snop  }
0x4: {  	_ = 	snop  }
0x5: {  	_ = 	snop  }
0x6: {  	_ = 	snop  }
0x7: {  	_ = 	snop  }
__scs_overlays_trampoline_lowered:
0x8: {  	[smem:$0x3FAE] =	sst s0  }
0x9: {  	[smem:$0x3FAF] =	sst s1  }
0xa: {  	[smem:$0x3FB0] =	sst s2  }
0xb: {  	[smem:$0x3FB1] =	sst s3  }
0xc: {  	[smem:$0x3FB2] =	sst s4  }
0xd: {  	[smem:$0x3FB3] =	sst s5  }
0xe: {  	[smem:$0x3FB4] =	sst s6  }
0xf: {  	[smem:$0x3FB5] =	sst s7  }
0x10: {  	[smem:$0x3FB6] =	sst s8  }
0x11: {  	[smem:$0x3FB7] =	sst s9;
	s0 =	simm.s32 @!p0 $0x0  }
0x12: {  	s1 =	sld [smem:$0x3F9D];
	s0 =	simm.s32 @p0 $0x1  }
0x13: {  	[smem:$0x3FB8] =	sst s0;
	s0 =	simm.s32 @!p1 $0x0  }
0x14: {  	s2 =	sld [smem:$0x3F9C];
	s0 =	simm.s32 @p1 $0x1  }
0x15: {  	[smem:$0x3FB9] =	sst s0;
	s0 =	simm.s32 @!p2 $0x0  }
0x16: {  	s3 =	sld [smem:$0x3FDB];
	s0 =	simm.s32 @p2 $0x1  }
0x17: {  	s4 =	simm.s32 $0x1BF5;
	[smem:$0x3FBB] =	sst s0  }
0x18: {  	s0 =	sld [smem:$0x3F9E];
	_ =	swait.ge [sflag:s4], $0x0  }
0x19: {  	s7 =	sld [smem:$0x3F9F]  }
0x1a: {  	s8 =	sadd.s32 $0xFFFFE003, lr  }
0x1b: {  	s9 =	sadd.s32 $0xFFFFFEF7, lr;
	s5 =	simm.s32 $0xFFFFFFFF;
	p2 =	slt.u32 s8, $0xFFFFF086  }
0x1c: {  	p1 =	slt.u32 s9, $0xF7A;
	s5 =	simm.s32 @!p2 $0x0  }
0x1d: {  	s5 =	simm.s32 @p1 $0x1;
	p0 =	seq.s32 s7, s2  }
0x1e: {  	s7 =	smul.u32 @!p0 $0xF7A, s2;
	p2 =	seq.s32 @!p0 s5, $0x0  }
0x1f: {  	s9 =	smul.u32 $0xF7A, s1;
	s8 =	simm.s32 @!p0 $0x1BF5;
	p2 =	por !p2, p0  }
0x20: {  	[sflag:s8] =	ssyncset.s32 @!p0 $0xFFFFF086;
	s6 =	sadd.s32 @!p0 s3, s7;
	s7 =	simm.s32 @!p0 $0x108  }
0x21: {  	s3 =	sadd.s32 s3, s9;
	s6 =	sadd.s32 @!p0 $0x88, s6;
	s7 =	simm.s32 @p2 $0x1082  }
0x22: {  	[simem:s7], [sflag:s8] =	dma.local @!p0 [hbm:s6], $0xF7A  }
0x23: {  	s9 =	sor.u32 $0xD0000000, s2;
	s6 =	simm.s32 $0x108;
	_ =	swait.ge @!p0 [sflag:s8], $0x0  }
0x24: {  	s3 =	sadd.s32 $0x88, s3;
	s6 =	simm.s32 @!p1 $0x1082;
	[sflag:s4] =	ssyncset.s32 $0xFFFFF086  }
0x25: {  	[simem:s6], [sflag:s4] =	dma.local [hbm:s3], $0xF7A  }
0x26: {  	[smem:$0x3F9F] =	sst s1;
	(tag) =	ssettag s2;
	_ =	strace s9  }
0x27: {  	s1 =	sld [smem:$0x3FAF]  }
0x28: {  	s2 =	sld [smem:$0x3FB0]  }
0x29: {  	s4 =	sld [smem:$0x3FB2]  }
0x2a: {  	p0 =	seq.s32 s5, $0x0;
	s5 =	sld [smem:$0x3FB3]  }
0x2b: {  	s6 =	sld [smem:$0x3FB4]  }
0x2c: {  	s7 =	sld [smem:$0x3FB5]  }
0x2d: {  	s3 =	simm.s32 $0x108;
	s8 =	sld [smem:$0x3FB6]  }
0x2e: {  	s3 =	simm.s32 @!p0 $0x1082;
	s9 =	sld [smem:$0x3FB7]  }
0x2f: {  	lr =	sadd.s32 s0, s3;
	s0 =	sld [smem:$0x3FAE]  }
0x30: {  	s3 =	sld [smem:$0x3FB1]  }
0x31: {  	[smem:$0x3FBA] =	sst s10  }
0x32: {  	s10 =	sld [smem:$0x3FB8];
	_ =	sdelay $0x3  }
0x33: {  	p0 =	seq.s32 s10, $0x1;
	s10 =	sld [smem:$0x3FBA];
	_ =	sdelay $0x3  }
0x34: {  	[smem:$0x3FBA] =	sst s10  }
0x35: {  	s10 =	sld [smem:$0x3FB9];
	_ =	sdelay $0x3  }
0x36: {  	p1 =	seq.s32 s10, $0x1;
	s10 =	sld [smem:$0x3FBA];
	_ =	sdelay $0x3  }
0x37: {  	[smem:$0x3FBA] =	sst s10  }
0x38: {  	s10 =	sld [smem:$0x3FBB]  }
0x39: {  	_ = 	snop;
	(pc) =	sbr.ind lr, $3  }
0x3a: {  	_ = 	snop  }
0x3b: {  	_ = 	snop  }
0x3c: {  	p2 =	seq.s32 s10, $0x1;
	s10 =	sld [smem:$0x3FBA]  }
0x3d: {  	_ =	shalt  }
0x3e: {  	_ =	shalt  }
0x3f: {  	_ =	shalt  }
0x40: {  	_ =	shalt  }
0x41: {  	_ =	shalt  }
0x42: {  	_ =	shalt  }
0x43: {  	_ =	shalt  }
0x44: {  	_ =	shalt  }
0x45: {  	_ =	shalt  }
0x46: {  	_ =	shalt  }
0x47: {  	_ =	shalt  }
0x48: {  	_ =	shalt  }
0x49: {  	_ =	shalt  }
0x4a: {  	_ =	shalt  }
0x4b: {  	_ =	shalt  }
0x4c: {  	_ =	shalt  }
0x4d: {  	_ =	shalt  }
0x4e: {  	_ =	shalt  }
0x4f: {  	_ =	shalt  }
0x50: {  	_ =	shalt  }
0x51: {  	_ =	shalt  }
0x52: {  	_ =	shalt  }
0x53: {  	_ =	shalt  }
0x54: {  	_ =	shalt  }
0x55: {  	_ =	shalt  }
0x56: {  	_ =	shalt  }
0x57: {  	_ =	shalt  }
0x58: {  	_ =	shalt  }
0x59: {  	_ =	shalt  }
0x5a: {  	_ =	shalt  }
0x5b: {  	_ =	shalt  }
0x5c: {  	_ =	shalt  }
0x5d: {  	_ =	shalt  }
0x5e: {  	_ =	shalt  }
0x5f: {  	_ =	shalt  }
0x60: {  	_ =	shalt  }
0x61: {  	_ =	shalt  }
0x62: {  	_ =	shalt  }
0x63: {  	_ =	shalt  }
0x64: {  	_ =	shalt  }
0x65: {  	_ =	shalt  }
0x66: {  	_ =	shalt  }
0x67: {  	_ =	shalt  }
0x68: {  	_ =	shalt  }
0x69: {  	_ =	shalt  }
0x6a: {  	_ =	shalt  }
0x6b: {  	_ =	shalt  }
0x6c: {  	_ =	shalt  }
0x6d: {  	_ =	shalt  }
0x6e: {  	_ =	shalt  }
0x6f: {  	_ =	shalt  }
0x70: {  	_ =	shalt  }
0x71: {  	_ =	shalt  }
0x72: {  	_ =	shalt  }
0x73: {  	_ =	shalt  }
0x74: {  	_ =	shalt  }
0x75: {  	_ =	shalt  }
0x76: {  	_ =	shalt  }
0x77: {  	_ =	shalt  }
0x78: {  	_ =	shalt  }
0x79: {  	_ =	shalt  }
0x7a: {  	_ =	shalt  }
0x7b: {  	_ =	shalt  }
0x7c: {  	_ =	shalt  }
0x7d: {  	_ =	shalt  }
0x7e: {  	_ =	shalt  }
0x7f: {  	_ =	shalt  }
0x80: {  	_ =	shalt  }
0x81: {  	_ =	shalt  }
0x82: {  	_ =	shalt  }
0x83: {  	_ =	shalt  }
0x84: {  	_ =	shalt  }
0x85: {  	_ =	shalt  }
0x86: {  	_ =	shalt  }
0x87: {  	_ =	shalt  }
.Lfunc_end0:
.L_simem_size_0:
called_computation_lowered:
.L_overlay_start_0:
0x88: {  	s2 =	sld [smem:$0x3FD9]  }
0x89: {  	s3 =	sld [smem:$0x3FFE];
	_ =	sdelay $0x1  }
0x8a: {  	s1 =	srdreg.scid  }
0x8b: {  	s0 =	sand.u32 $0x1, s1  }
0x8c: {  	s17 =	sshll.u32 s0, $0xA;
	s2 =	sadd.s32 s3, s2  }
0x8d: {  	s2 =	sadd.s32 s2, s17  }
0x8e: {  	[smem:$0x3FC6] =	sst s2  }
0x8f: {  	_ = 	snop  }
0x90: {  	s2 =	sld [smem:$0x3FC9]  }
0x91: {  	s18 =	sld [smem:$0x3FD0];
	(tm) =	ssettm $0x1  }
0x92: {  	s4 =	sld [smem:$0x3FFB];
	_ =	sdelay $0x3  }
0x93: {  	_ =	strace s4  }
0x94: {  	s4 =	sld [smem:$0x3FFC];
	_ =	sdelay $0x3  }
0x95: {  	_ =	strace s4  }
0x96: {  	s4 =	sld [smem:$0x3FFD];
	_ =	sdelay $0x3  }
0x97: {  	_ =	strace s4  }
0x98: {  	_ =	strace $0x8FFFFFFF  }
0x99: {  	s19 =	sld [smem:$0x3FDB];
	_ =	sdelay $0x1  }
0x9a: {  	s5 =	simm.s32 $_scs_section_size  }
0x9b: {  	s6 =	simm.s32 $_size__tile_overlayer_lowered;
	s7 =	simm.s32 $_tile_overlayer_lowered  }
0x9c: {  	s22 =	simm.s32 $0x1BFF;
	s21 =	sshll.u32 s7, $0x1;
	s4 =	sadd.s32 s5, s19  }
0x9d: {  	s8 =	simm.s32 $0x0;
	s20 =	sshll.u32 s6, $0x1;
	s6 =	sadd.s32 s21, s4  }
0x9e: {  	[timem:s8], [sflag:s22] =	dma.local [hbm:s6], s20  }
0x9f: {  	_ =	swait.ge [sflag:s22], s20  }
0xa0: {  	s5 =	ssub.s32 $0x0, s20;
	[sflag:s22] =	ssyncset.done $0x0  }
0xa1: {  	[sflag:s22] =	ssyncadd.s32 s5;
	_ =	sdelay $0x1  }
0xa2: {  	s23 =	simm.s32 $0x1B8B  }
0xa3: {  	_ =	swait.ge [sflag:s23], $0x1  }
0xa4: {  	[sflag:s23] =	ssyncset.done $0x0  }
0xa5: {  	s25 =	simm.s32 $0x1B8E;
	s24 =	sld [smem:$0x3FFE];
	[sflag:s23] =	ssyncadd.s32 $0xFFFFFFFF  }
0xa6: {  	s26 =	simm.s32 $execute0_lowered;
	[smem:$0x3FD2] =	sst s25  }
0xa7: {  	s6 =	sshll.u32 s26, $0x1;
	_ =	strace $0x80000046;
	[dreg:$0x1] =	wrdreg $0xFFFFFFFF  }
0xa8: {  	s28 =	simm.s32 $_size_execute0_lowered;
	s4 =	sadd.s32 s4, s6;
	[dreg:$0x0] =	wrdreg $0x0  }
0xa9: {  	s6 =	sshll.u32 s28, $0x1;
	[dreg:$0x2] =	wrdreg s4  }
0xaa: {  	[dreg:$0x3] =	wrdreg s6  }
0xab: {  	[dreg:$0x4] =	wrdreg $0xC0  }
0xac: {  	_ =	task [dreg:s8], $0x5FFFF  }
0xad: {  	[dreg:$0x1] =	wrdreg $0xFFFFFFFF  }
0xae: {  	[dreg:$0x0] =	wrdreg $0x60  }
0xaf: {  	[dreg:$0x2] =	wrdreg s2  }
0xb0: {  	[dreg:$0x3] =	wrdreg s24  }
0xb1: {  	[dreg:$0x4] =	wrdreg s18  }
0xb2: {  	[dreg:$0x5] =	wrdreg $0x9  }
0xb3: {  	_ =	task.clear_ibuf [dreg:s8], $0x6FFFF;
	_ =	strace $0x90000046  }
0xb4: {  	s29 =	simm.s32 $0x9;
	_ =	strace $0x80000048  }
0xb5: {  	_ =	swait.ge [sflag:s29], $0x1  }
0xb6: {  	[sflag:s29] =	ssyncadd.s32 $0xFFFFFFFF  }
0xb7: {  	_ =	strace $0x90000048  }
0xb8: {  	_ =	sfence  }
0xb9: {  	s30 =	sld [smem:$0x0];
	_ =	sdelay $0x2  }
0xba: {  	s31 =	sshll.u32 s1, $0xD;
	s1 =	sshrl.u32 s1, $0x2  }
0xbb: {  	s3 =	sand.u32 $0x4000, s31;
	s1 =	sadd.s32 s1, s30  }
0xbc: {  	s0 =	sor.u32 s3, s0;
	s1 =	sshll.u32 s1, $0x11  }
0xbd: {  	s0 =	sor.u32 s1, s0  }
0xbe: {  	s0 =	sadd.s32 $0x8F2B, s0  }
0xbf: {  	[sflag:s0] =	ssyncadd.remote.s32 $0x1  }
0xc0: {  	_ =	sfence.sel $0xFFFF  }
0xc1: {  	[dreg:$0x0] =	wrdreg $0xFFFFFFFF;
	(pc) =	sbr.abs _section_cstart, $3  }
0xc2: {  	[dreg:$0x1] =	wrdreg $0xFFFFFFFF  }
0xc3: {  	_ =	task.clear_ibuf [dreg:s8], $0x2FFFF;
	_ =	strace $0x9FFFFFFF  }
0xc4: {  	(tm) =	ssettm $0x7FFFFFFF  }
0xc5: {  	_ =	shalt  }
tec
execute0_lowered:
.L_overlay_start_1:
0x0: {  	(tag) =	ssettag $0x1  }
0x1: {  	s0 =	rddreg [dreg:$0x0]  }
0x2: {  	s1 =	rddreg [dreg:$0x1]  }
0x3: {  	s2 =	rddreg [dreg:$0x2]  }
0x4: {  	s4 =	srdreg.scid;
	s3 =	simm.s32 $0x0;
	s5 =	stileid.u32  }
0x5: {  	s14 =	simm.s32 $0x80;
	s22 =	simm.s32 $0x1;
	s28 =	simm.s32 $0x3  }
0x6: {  	s29 =	simm.s32 $0x8;
	s30 =	simm.s32 $0x14800;
	s31 =	simm.s32 $0x4  }
0x7: {  	s11 =	simm.s32 $0x5;
	s12 =	simm.s32 $0xA;
	s17 =	simm.s32 $0x18C00  }
0x8: {  	s4 =	sand.u32 $0x1, s4;
	[smem:$0x7FF] =	sst s3;
	s5 =	sshll.u32 s5, $0xB  }
0x9: {  	s6 =	sshll.u32 s4, $0xA;
	_ =	strace $0x80000047;
	s7 =	ssub.s32 $0x2, s4  }
0xa: {  	s4 =	sor.u32 s6, s5;
	s5 =	sadd.s32 $0x400, s1;
	s23 =	sshrl.u32 s7, $0x1  }
0xb: {  	s6 =	sshrl.u32 s4, $0x3;
	s1 =	ssub.s32 s7, s23;
	s24 =	sor.u32 $0x40000, s4  }
0xc: {  	s25 =	sor.u32 $0x80000, s4;
	s9 =	sor.u32 $0xC0000, s4;
	s23 =	simm.s32 $0x10400  }
0xd: {  	v0 =	vlaneseq.u32;
	s7 =	simm.s32 $0x0;
	s0 =	sadd.s32 s0, s6;
	[dreg:$0x5] =	wrdreg s24  }
0xe: {  	v0 =	vmul.u32 $0x88, v0;
	[dreg:$0x6] =	wrdreg s25;
	s26 =	smax.u32 s1, $0x1;
	s24 =	simm.s32 $0x2  }
0xf: {  	s25 =	simm.s32 $0x7;
	s1 =	simm.s32 $0x16A00;
	[dreg:$0x4] =	wrdreg s0  }
0x10: {  	v1 =	vadd.s32 $0x880, v0;
	v2 =	vadd.s32 $0x1100, v0;
	v3 =	vadd.s32 $0x1980, v0;
	[dreg:$0x7] =	wrdreg s26;
	s26 =	simm.s32 $0x12600;
	s0 =	simm.s32 $0x9  }
.LBB2_1:
0x11: {  	[dreg:$0x8] =	wrdreg s7  }
0x12: {  	s6 =	rddreg [dreg:$0x4]  }
0x13: {  	s10 =	simm.s32 $0x400;
	s8 =	simm.s32 $0x8000;
	s13 =	simm.s32 $0xB  }
0x14: {  	[tilespmem:s3], [sflag:$0xB] =	stream.strided.gather [hbm4b:s6+s10], $0x6400, s8, s10, $0x38;
	[tilespmem:$0x1AE00] =	vst v63  }
0x15: {  	_ =	swait.ge [sflag:s13], $0x6400  }
0x16: {  	[sflag:s13] =	ssyncset.done $0x0  }
0x17: {  	s15 =	simm.s32 $0x6400;
	[sflag:s13] =	ssyncadd.s32 $0xFFFF9C00  }
0x18: {  	[tilespmem:s15], [sflag:$0x1] =	stream.indirect.gather [hbm4b:s5+s14], $0x40, s3, s14, $0xb8;
	[tilespmem:$0x1AE00] =	vst v63  }
0x19: {  	s16 =	simm.s32 $0x8400  }
0x1a: {  	[tilespmem:s16], [sflag:$0x2] =	stream.indirect.gather [hbm4b:s5+s14], $0x40, s14, s14, $0xb8;
	[tilespmem:$0x1AE00] =	vst v63  }
0x1b: {  	s18 =	simm.s32 $0x100;
	s19 =	simm.s32 $0xA400  }
0x1c: {  	[tilespmem:s19], [sflag:$0x3] =	stream.indirect.gather [hbm4b:s5+s14], $0x40, s18, s14, $0xb8;
	[tilespmem:$0x1AE00] =	vst v63  }
0x1d: {  	s20 =	simm.s32 $0x180;
	s21 =	simm.s32 $0xC400;
	s10 =	simm.s32 $0x0  }
0x1e: {  	[tilespmem:s21], [sflag:$0x4] =	stream.indirect.gather [hbm4b:s5+s14], $0x40, s20, s14, $0xb8;
	[tilespmem:$0x1AE00] =	vst v63  }
.LBB2_2:
0x1f: {  	s6 =	smul.u32 $0x5, s10;
	_ =	sdelay $0x1  }
0x20: {  	s13 =	sadd.s32 $0x4, s6  }
0x21: {  	s15 =	sshll.u32 s13, $0x7  }
0x22: {  	s7 =	simm.s32 $0xE400;
	s15 =	sand.u32 $0x1FF80, s15  }
0x23: {  	[tilespmem:s7], [sflag:$0x5] =	stream.indirect.gather [hbm4b:s5+s14], $0x40, s15, s14, $0xb8;
	[tilespmem:$0x1AE00] =	vst v63  }
0x24: {  	_ =	swait.ge [sflag:s22], $0x2000  }
0x25: {  	p0 =	seq.s32 s10, $0x0;
	[sflag:s22] =	ssyncset.done $0x0  }
0x26: {  	s15 =	simm.s32 @!p0 $0x6;
	[sflag:s22] =	ssyncadd.s32 $0xFFFFE000  }
0x27: {  	s16 =	simm.s32 $0x0;
	_ =	swait.ge @!p0 [sflag:s15], $0x2000  }
0x28: {  	v4 =	vmov s16;
	[sflag:s15] =	ssyncset.done @!p0 $0x0  }
0x29: {  	s8 =	simm.s32 $0x6420;
	v8 =	vand.u32 $0x7F, v4;
	[sflag:s15] =	ssyncadd.s32 @!p0 $0xFFFFE000  }
0x2a: {  	v6 =	vadd.s32 v0, v8;
	v5 =	vld [tilespmem:s8+$0xFFFFFFE0];
	_ =	sdelay $0x1  }
0x2b: {  	s20 =	simm.s32 $0x1  }
0x2c: {  	v4 =	vmov s20  }
0x2d: {  	s19 =	simm.s32 $0x6460;
	v4 =	vand.u32 $0x7F, v4  }
0x2e: {  	v7 =	vadd.s32 v0, v4;
	[tilespmem:v6+s23+$0x0] =	vst.idx.msk $0xffff, v5;
	v6 =	vld [tilespmem:s19+$0xFFFFFFE0]  }
0x2f: {  	v10 =	vadd.s32 v1, v8;
	v9 =	vld [tilespmem:s8+$0xFFFFFFF0]  }
0x30: {  	s21 =	simm.s32 $0x2  }
0x31: {  	v5 =	vmov s21  }
0x32: {  	s15 =	simm.s32 $0x64A0;
	v5 =	vand.u32 $0x7F, v5  }
0x33: {  	[tilespmem:v7+s23+$0x0] =	vst.idx.msk $0xffff, v6;
	v6 =	vld [tilespmem:s15+$0xFFFFFFE0];
	v7 =	vadd.s32 v0, v5  }
0x34: {  	v11 =	vadd.s32 v1, v4;
	[tilespmem:v10+s23+$0x0] =	vst.idx.msk $0xffff, v9;
	v9 =	vld [tilespmem:s19+$0xFFFFFFF0]  }
0x35: {  	v15 =	vadd.s32 v2, v8;
	v14 =	vld [tilespmem:s8+$0x0]  }
0x36: {  	s20 =	simm.s32 $0x3  }
0x37: {  	v12 =	vmov s20  }
0x38: {  	s18 =	simm.s32 $0x64E0;
	[tilespmem:v7+s23+$0x0] =	vst.idx.msk $0xffff, v6;
	v6 =	vand.u32 $0x7F, v12  }
0x39: {  	v10 =	vld [tilespmem:s18+$0xFFFFFFE0];
	[tilespmem:v11+s23+$0x0] =	vst.idx.msk $0xffff, v9;
	v13 =	vadd.s32 v0, v6  }
0x3a: {  	v12 =	vld [tilespmem:s15+$0xFFFFFFF0];
	[tilespmem:v15+s23+$0x0] =	vst.idx.msk $0xffff, v14;
	v14 =	vadd.s32 v1, v5  }
0x3b: {  	v11 =	vadd.s32 v2, v4;
	v9 =	vld [tilespmem:s19+$0x0]  }
0x3c: {  	s16 =	simm.s32 $0x64E0;
	s20 =	simm.s32 $0x4;
	v8 =	vadd.s32 v3, v8;
	v7 =	vld [tilespmem:s8+$0x10]  }
.LBB2_3:
0x3d: {  	v15 =	vmov s20;
	p1 =	sne.s32 s20, $0x7F  }
.Ltmp0:
0x3e: {  	s18 =	sadd.s32 $0x40, s18;
	v15 =	vand.u32 $0x7F, v15;
	[tilespmem:v13+s23+$0x0] =	vst.idx.msk $0xffff, v10;
	(pc) =	sbr.rel @p1 .LBB2_3-.Ltmp0, $4  }
0x3f: {  	v10 =	vld [tilespmem:s18+$0xFFFFFFE0];
	v13 =	vadd.s32 v0, v15;
	[tilespmem:v14+s23+$0x0] =	vst.idx.msk $0xffff, v12  }
0x40: {  	s20 =	sadd.s32 $0x1, s20;
	v14 =	vadd.s32 v1, v6;
	v12 =	vld [tilespmem:s16+$0xFFFFFFF0];
	[tilespmem:v11+s23+$0x0] =	vst.idx.msk $0xffff, v9  }
0x41: {  	v11 =	vadd.s32 v2, v5;
	v9 =	vld [tilespmem:s15+$0x0];
	[tilespmem:v8+s23+$0x0] =	vst.idx.msk $0xffff, v7  }
0x42: {  	v8 =	vadd.s32 v3, v4;
	v4 =	vmovc v5;
	v5 =	vmov v6;
	v6 =	vmov v15;
	v7 =	vld [tilespmem:s19+$0x10];
	s19 =	smov.u32 s15;
	s15 =	smov.u32 s16;
	s16 =	smov.u32 s18  }
0x43: {  	_ =	sdelay $0x3  }
0x44: {  	[tilespmem:v13+s23+$0x0] =	vst.idx.msk $0xffff, v10  }
0x45: {  	v59 =	vadd.s32 v1, v6;
	v10 =	vld [tilespmem:s16+$0xFFFFFFF0];
	_ =	sdelay $0x3  }
0x46: {  	[tilespmem:v14+s23+$0x0] =	vst.idx.msk $0xffff, v12  }
0x47: {  	v60 =	vadd.s32 v2, v5;
	v12 =	vld [tilespmem:s15+$0x0];
	[tilespmem:v59+s23+$0x0] =	vst.idx.msk $0xffff, v10  }
0x48: {  	v61 =	vadd.s32 v2, v6;
	v10 =	vld [tilespmem:s16+$0x0];
	_ =	sdelay $0x2  }
0x49: {  	[tilespmem:v11+s23+$0x0] =	vst.idx.msk $0xffff, v9  }
0x4a: {  	v4 =	vadd.s32 v3, v4;
	v9 =	vld [tilespmem:s19+$0x10];
	[tilespmem:v60+s23+$0x0] =	vst.idx.msk $0xffff, v12  }
0x4b: {  	v5 =	vadd.s32 v3, v5;
	v62 =	vld [tilespmem:s15+$0x10];
	[tilespmem:v61+s23+$0x0] =	vst.idx.msk $0xffff, v10  }
0x4c: {  	v63 =	vadd.s32 v3, v6;
	v10 =	vld [tilespmem:s16+$0x10]  }
0x4d: {  	s19 =	smul.u32 $0x140000, s10  }
0x4e: {  	[tilespmem:v8+s23+$0x0] =	vst.idx.msk $0xffff, v7  }
0x4f: {  	s21 =	sor.u32 s4, s19;
	[tilespmem:v4+s23+$0x0] =	vst.idx.msk $0xffff, v9  }
0x50: {  	s15 =	sshrl.u32 s21, $0x3;
	[tilespmem:v5+s23+$0x0] =	vst.idx.msk $0xffff, v62  }
0x51: {  	s7 =	simm.s32 $0x10400;
	s16 =	sadd.s32 s2, s15;
	[tilespmem:v63+s23+$0x0] =	vst.idx.msk $0xffff, v10  }
0x52: {  	[hbm4b:s16+s3] =	stream.linear.scatter [tilespmem:s7], [sflag:$0x6], $0x80, $0x38;
	[tilespmem:$0x1AE00] =	vst v63  }
0x53: {  	s8 =	simm.s32 $0x10488;
	s18 =	sadd.s32 $0x10, s16  }
0x54: {  	[hbm4b:s18+s3] =	stream.linear.scatter [tilespmem:s8], [sflag:$0x6], $0x80, $0x38;
	[tilespmem:$0x1AE00] =	vst v63  }
0x55: {  	s20 =	simm.s32 $0x10510;
	s21 =	sadd.s32 $0x20, s16  }
0x56: {  	[hbm4b:s21+s3] =	stream.linear.scatter [tilespmem:s20], [sflag:$0x6], $0x80, $0x38;
	[tilespmem:$0x1AE00] =	vst v63  }
0x57: {  	s7 =	simm.s32 $0x10598;
	s8 =	sadd.s32 $0x30, s16  }
0x58: {  	[hbm4b:s8+s3] =	stream.linear.scatter [tilespmem:s7], [sflag:$0x6], $0x80, $0x38;
	[tilespmem:$0x1AE00] =	vst v63  }
0x59: {  	s20 =	simm.s32 $0x10620;
	s21 =	sadd.s32 $0x40, s16  }
0x5a: {  	[hbm4b:s21+s3] =	stream.linear.scatter [tilespmem:s20], [sflag:$0x6], $0x80, $0x38;
	[tilespmem:$0x1AE00] =	vst v63  }
0x5b: {  	s15 =	simm.s32 $0x440;
	s7 =	simm.s32 $0x106A8;
	s8 =	sadd.s32 $0x50, s16  }
0x5c: {  	[hbm4b:s8+s3] =	stream.linear.scatter [tilespmem:s7], [sflag:$0x6], $0x80, $0x38;
	[tilespmem:$0x1AE00] =	vst v63  }
0x5d: {  	s18 =	simm.s32 $0x2200;
	s20 =	simm.s32 $0x10730;
	s21 =	sadd.s32 $0x60, s16  }
0x5e: {  	[hbm4b:s21+s3] =	stream.linear.scatter [tilespmem:s20], [sflag:$0x6], $0x80, $0x38;
	[tilespmem:$0x1AE00] =	vst v63  }
0x5f: {  	s20 =	simm.s32 $0x107B8;
	s21 =	sadd.s32 $0x70, s16;
	s16 =	sadd.s32 $0x1000, s16  }
.LBB2_5:
0x60: {  	[hbm4b:s21+s3] =	stream.linear.scatter [tilespmem:s20], [sflag:$0x6], $0x80, $0x38;
	[tilespmem:$0x1AE00] =	vst v63  }
0x61: {  	s20 =	smov.u32 s15;
	s15 =	smov.u32 s18  }
0x62: {  	s7 =	sadd.s32 $0x1100, s18;
	s15 =	sshra.s32 s15, $0x2;
	s21 =	sadd.s32 $0x10400, s20  }
0x63: {  	[hbm4b:s16+s3] =	stream.linear.scatter [tilespmem:s21], [sflag:$0x6], $0x80, $0x38;
	[tilespmem:$0x1AE00] =	vst v63  }
0x64: {  	p1 =	sne.s32 s18, $0x7700;
	s18 =	sadd.s32 $0x10488, s20;
	s21 =	sadd.s32 $0x10, s16  }
0x65: {  	[hbm4b:s21+s3] =	stream.linear.scatter [tilespmem:s18], [sflag:$0x6], $0x80, $0x38;
	[tilespmem:$0x1AE00] =	vst v63  }
0x66: {  	s18 =	sadd.s32 $0x10510, s20;
	s21 =	sadd.s32 $0x20, s16  }
0x67: {  	[hbm4b:s21+s3] =	stream.linear.scatter [tilespmem:s18], [sflag:$0x6], $0x80, $0x38;
	[tilespmem:$0x1AE00] =	vst v63  }
0x68: {  	s18 =	sadd.s32 $0x10598, s20;
	s21 =	sadd.s32 $0x30, s16  }
0x69: {  	[hbm4b:s21+s3] =	stream.linear.scatter [tilespmem:s18], [sflag:$0x6], $0x80, $0x38;
	[tilespmem:$0x1AE00] =	vst v63  }
0x6a: {  	s18 =	sadd.s32 $0x10620, s20;
	s21 =	sadd.s32 $0x40, s16  }
0x6b: {  	[hbm4b:s21+s3] =	stream.linear.scatter [tilespmem:s18], [sflag:$0x6], $0x80, $0x38;
	[tilespmem:$0x1AE00] =	vst v63  }
.Ltmp1:
0x6c: {  	s18 =	sadd.s32 $0x106A8, s20;
	s21 =	sadd.s32 $0x50, s16;
	(pc) =	sbr.rel @p1 .LBB2_5-.Ltmp1, $4  }
0x6d: {  	[hbm4b:s21+s3] =	stream.linear.scatter [tilespmem:s18], [sflag:$0x6], $0x80, $0x38;
	[tilespmem:$0x1AE00] =	vst v63  }
0x6e: {  	s18 =	sadd.s32 $0x10730, s20;
	s21 =	sadd.s32 $0x60, s16;
	s20 =	sadd.s32 $0x107B8, s20  }
0x6f: {  	[hbm4b:s21+s3] =	stream.linear.scatter [tilespmem:s18], [sflag:$0x6], $0x80, $0x38;
	[tilespmem:$0x1AE00] =	vst v63  }
0x70: {  	s21 =	sadd.s32 $0x70, s16;
	s16 =	sadd.s32 $0x1000, s16;
	s18 =	smov.u32 s7  }
0x71: {  	[hbm4b:s21+s3] =	stream.linear.scatter [tilespmem:s20], [sflag:$0x6], $0x80, $0x38;
	[tilespmem:$0x1AE00] =	vst v63  }
0x72: {  	s7 =	sadd.s32 $0x10400, s15  }
0x73: {  	[hbm4b:s16+s3] =	stream.linear.scatter [tilespmem:s7], [sflag:$0x6], $0x80, $0x38;
	[tilespmem:$0x1AE00] =	vst v63  }
0x74: {  	s20 =	sadd.s32 $0x10488, s15;
	s18 =	sadd.s32 $0x10, s16  }
0x75: {  	[hbm4b:s18+s3] =	stream.linear.scatter [tilespmem:s20], [sflag:$0x6], $0x80, $0x38;
	[tilespmem:$0x1AE00] =	vst v63  }
0x76: {  	s21 =	sadd.s32 $0x10510, s15;
	s8 =	sadd.s32 $0x20, s16  }
0x77: {  	[hbm4b:s8+s3] =	stream.linear.scatter [tilespmem:s21], [sflag:$0x6], $0x80, $0x38;
	[tilespmem:$0x1AE00] =	vst v63  }
0x78: {  	s18 =	sadd.s32 $0x10598, s15;
	s20 =	sadd.s32 $0x30, s16  }
0x79: {  	[hbm4b:s20+s3] =	stream.linear.scatter [tilespmem:s18], [sflag:$0x6], $0x80, $0x38;
	[tilespmem:$0x1AE00] =	vst v63  }
0x7a: {  	s21 =	sadd.s32 $0x10620, s15;
	s8 =	sadd.s32 $0x40, s16  }
0x7b: {  	[hbm4b:s8+s3] =	stream.linear.scatter [tilespmem:s21], [sflag:$0x6], $0x80, $0x38;
	[tilespmem:$0x1AE00] =	vst v63  }
0x7c: {  	p1 =	sne.s32 s10, $0x27;
	s18 =	sadd.s32 $0x106A8, s15;
	s20 =	sadd.s32 $0x50, s16  }
0x7d: {  	[hbm4b:s20+s3] =	stream.linear.scatter [tilespmem:s18], [sflag:$0x6], $0x80, $0x38;
	[tilespmem:$0x1AE00] =	vst v63  }
.Ltmp2:
0x7e: {  	_ = 	snop;
	(pc) =	sbr.rel @p1 .LBB2_8-.Ltmp2, $4  }
0x7f: {  	s21 =	sadd.s32 $0x10730, s15;
	s8 =	sadd.s32 $0x60, s16  }
0x80: {  	[hbm4b:s8+s3] =	stream.linear.scatter [tilespmem:s21], [sflag:$0x6], $0x80, $0x38;
	[tilespmem:$0x1AE00] =	vst v63  }
0x81: {  	s20 =	sadd.s32 $0x107B8, s15;
	s21 =	sadd.s32 $0x70, s16  }
0x82: {  	[hbm4b:s21+s3] =	stream.linear.scatter [tilespmem:s20], [sflag:$0x6], $0x80, $0x38;
	[tilespmem:$0x1AE00] =	vst v63  }
.Ltmp3:
0x83: {  	(pc) =	sbr.rel .LBB2_9-.Ltmp3, $4  }
0x84: {  	_ = 	snop  }
0x85: {  	_ =	swait.ge [sflag:s24], $0x2000  }
0x86: {  	[sflag:s24] =	ssyncset.done $0x0  }
0x87: {  	[sflag:s24] =	ssyncadd.s32 $0xFFFFE000  }
.LBB2_8:
0x88: {  	s7 =	sshll.u32 s6, $0x7  }
0x89: {  	s7 =	sadd.s32 $0x280, s7  }
.Ltmp4:
0x8a: {  	s8 =	simm.s32 $0x6400;
	s7 =	sand.u32 $0x1FF80, s7;
	(pc) =	sbr.rel @p0 .LBB2_10-.Ltmp4, $4  }
0x8b: {  	[tilespmem:s8], [sflag:$0x1] =	stream.indirect.gather [hbm4b:s5+s14], $0x40, s7, s14, $0xb8;
	[tilespmem:$0x1AE00] =	vst v63  }
0x8c: {  	_ =	swait.ge [sflag:s24], $0x2000  }
0x8d: {  	[sflag:s24] =	ssyncset.done $0x0  }
0x8e: {  	[sflag:s24] =	ssyncadd.s32 $0xFFFFE000  }
.LBB2_9:
0x8f: {  	_ =	swait.ge [sflag:s25], $0x2000  }
0x90: {  	[sflag:s25] =	ssyncset.done $0x0  }
0x91: {  	[sflag:s25] =	ssyncadd.s32 $0xFFFFE000  }
.LBB2_10:
0x92: {  	s7 =	simm.s32 $0x0  }
0x93: {  	v4 =	vmov s7  }
0x94: {  	s8 =	simm.s32 $0x8430;
	v8 =	vand.u32 $0x7F, v4  }
0x95: {  	v5 =	vld [tilespmem:s8+$0xFFFFFFD0];
	v6 =	vadd.s32 v0, v8;
	_ =	sdelay $0x1  }
0x96: {  	s15 =	simm.s32 $0x1  }
0x97: {  	v4 =	vmov s15  }
0x98: {  	s15 =	simm.s32 $0x8470;
	v4 =	vand.u32 $0x7F, v4  }
0x99: {  	v7 =	vadd.s32 v0, v4;
	[tilespmem:v6+s26+$0x0] =	vst.idx.msk $0xffff, v5;
	v6 =	vld [tilespmem:s15+$0xFFFFFFD0]  }
0x9a: {  	v10 =	vadd.s32 v1, v8;
	v9 =	vld [tilespmem:s8+$0xFFFFFFE0]  }
0x9b: {  	s16 =	simm.s32 $0x2  }
0x9c: {  	v5 =	vmov s16  }
0x9d: {  	s16 =	simm.s32 $0x84B0;
	v5 =	vand.u32 $0x7F, v5  }
0x9e: {  	[tilespmem:v7+s26+$0x0] =	vst.idx.msk $0xffff, v6;
	v6 =	vld [tilespmem:s16+$0xFFFFFFD0];
	v7 =	vadd.s32 v0, v5  }
0x9f: {  	v11 =	vadd.s32 v1, v4;
	[tilespmem:v10+s26+$0x0] =	vst.idx.msk $0xffff, v9;
	v9 =	vld [tilespmem:s15+$0xFFFFFFE0]  }
0xa0: {  	v15 =	vadd.s32 v2, v8;
	v14 =	vld [tilespmem:s8+$0xFFFFFFF0]  }
0xa1: {  	s18 =	simm.s32 $0x3  }
0xa2: {  	v12 =	vmov s18  }
0xa3: {  	s20 =	simm.s32 $0x84F0;
	[tilespmem:v7+s26+$0x0] =	vst.idx.msk $0xffff, v6;
	v6 =	vand.u32 $0x7F, v12  }
0xa4: {  	v10 =	vld [tilespmem:s20+$0xFFFFFFD0];
	[tilespmem:v11+s26+$0x0] =	vst.idx.msk $0xffff, v9;
	v13 =	vadd.s32 v0, v6  }
0xa5: {  	v12 =	vld [tilespmem:s16+$0xFFFFFFE0];
	[tilespmem:v15+s26+$0x0] =	vst.idx.msk $0xffff, v14;
	v14 =	vadd.s32 v1, v5  }
0xa6: {  	v11 =	vadd.s32 v2, v4;
	v9 =	vld [tilespmem:s15+$0xFFFFFFF0]  }
0xa7: {  	s21 =	simm.s32 $0x4;
	s18 =	simm.s32 $0x84F0;
	v8 =	vadd.s32 v3, v8;
	v7 =	vld [tilespmem:s8+$0x0]  }
.LBB2_11:
0xa8: {  	v15 =	vmov s21;
	p2 =	sne.s32 s21, $0x7F  }
.Ltmp5:
0xa9: {  	s20 =	sadd.s32 $0x40, s20;
	v15 =	vand.u32 $0x7F, v15;
	[tilespmem:v13+s26+$0x0] =	vst.idx.msk $0xffff, v10;
	(pc) =	sbr.rel @p2 .LBB2_11-.Ltmp5, $4  }
0xaa: {  	v10 =	vld [tilespmem:s20+$0xFFFFFFD0];
	v13 =	vadd.s32 v0, v15;
	[tilespmem:v14+s26+$0x0] =	vst.idx.msk $0xffff, v12  }
0xab: {  	s21 =	sadd.s32 $0x1, s21;
	v14 =	vadd.s32 v1, v6;
	v12 =	vld [tilespmem:s18+$0xFFFFFFE0];
	[tilespmem:v11+s26+$0x0] =	vst.idx.msk $0xffff, v9  }
0xac: {  	v11 =	vadd.s32 v2, v5;
	v9 =	vld [tilespmem:s16+$0xFFFFFFF0];
	[tilespmem:v8+s26+$0x0] =	vst.idx.msk $0xffff, v7  }
0xad: {  	v8 =	vadd.s32 v3, v4;
	v4 =	vmovc v5;
	v5 =	vmov v6;
	v6 =	vmov v15;
	v7 =	vld [tilespmem:s15+$0x0];
	s15 =	smov.u32 s16;
	s16 =	smov.u32 s18;
	s18 =	smov.u32 s20  }
0xae: {  	_ =	sdelay $0x3  }
0xaf: {  	[tilespmem:v13+s26+$0x0] =	vst.idx.msk $0xffff, v10  }
0xb0: {  	v59 =	vadd.s32 v1, v6;
	v10 =	vld [tilespmem:s18+$0xFFFFFFE0];
	_ =	sdelay $0x3  }
0xb1: {  	[tilespmem:v14+s26+$0x0] =	vst.idx.msk $0xffff, v12  }
0xb2: {  	v60 =	vadd.s32 v2, v5;
	v12 =	vld [tilespmem:s16+$0xFFFFFFF0];
	[tilespmem:v59+s26+$0x0] =	vst.idx.msk $0xffff, v10  }
0xb3: {  	v61 =	vadd.s32 v2, v6;
	v10 =	vld [tilespmem:s18+$0xFFFFFFF0]  }
0xb4: {  	[tilespmem:v11+s26+$0x0] =	vst.idx.msk $0xffff, v9  }
0xb5: {  	v4 =	vadd.s32 v3, v4;
	v9 =	vld [tilespmem:s15+$0x0];
	_ =	sdelay $0x1  }
0xb6: {  	[tilespmem:v60+s26+$0x0] =	vst.idx.msk $0xffff, v12  }
0xb7: {  	v5 =	vadd.s32 v3, v5;
	v62 =	vld [tilespmem:s16+$0x0];
	[tilespmem:v61+s26+$0x0] =	vst.idx.msk $0xffff, v10  }
0xb8: {  	v63 =	vadd.s32 v3, v6;
	[tilespmem:v8+s26+$0x0] =	vst.idx.msk $0xffff, v7;
	v10 =	vld [tilespmem:s18+$0x0]  }
0xb9: {  	[tilespmem:v4+s26+$0x0] =	vst.idx.msk $0xffff, v9  }
0xba: {  	s7 =	rddreg [dreg:$0x5]  }
0xbb: {  	s7 =	sadd.s32 s7, s19  }
0xbc: {  	[tilespmem:v5+s26+$0x0] =	vst.idx.msk $0xffff, v62;
	s7 =	sshrl.u32 s7, $0x3  }
0xbd: {  	s16 =	simm.s32 $0x12600;
	s7 =	sadd.s32 s2, s7;
	[tilespmem:v63+s26+$0x0] =	vst.idx.msk $0xffff, v10  }
0xbe: {  	[hbm4b:s7+s3] =	stream.linear.scatter [tilespmem:s16], [sflag:$0x7], $0x80, $0x38;
	[tilespmem:$0x1AE00] =	vst v63  }
0xbf: {  	s18 =	simm.s32 $0x12688;
	s20 =	sadd.s32 $0x10, s7  }
0xc0: {  	[hbm4b:s20+s3] =	stream.linear.scatter [tilespmem:s18], [sflag:$0x7], $0x80, $0x38;
	[tilespmem:$0x1AE00] =	vst v63  }
0xc1: {  	s21 =	simm.s32 $0x12710;
	s8 =	sadd.s32 $0x20, s7  }
0xc2: {  	[hbm4b:s8+s3] =	stream.linear.scatter [tilespmem:s21], [sflag:$0x7], $0x80, $0x38;
	[tilespmem:$0x1AE00] =	vst v63  }
0xc3: {  	s18 =	simm.s32 $0x12798;
	s20 =	sadd.s32 $0x30, s7  }
0xc4: {  	[hbm4b:s20+s3] =	stream.linear.scatter [tilespmem:s18], [sflag:$0x7], $0x80, $0x38;
	[tilespmem:$0x1AE00] =	vst v63  }
0xc5: {  	s21 =	simm.s32 $0x12820;
	s8 =	sadd.s32 $0x40, s7  }
0xc6: {  	[hbm4b:s8+s3] =	stream.linear.scatter [tilespmem:s21], [sflag:$0x7], $0x80, $0x38;
	[tilespmem:$0x1AE00] =	vst v63  }
0xc7: {  	s15 =	simm.s32 $0x440;
	s16 =	simm.s32 $0x128A8;
	s18 =	sadd.s32 $0x50, s7  }
0xc8: {  	[hbm4b:s18+s3] =	stream.linear.scatter [tilespmem:s16], [sflag:$0x7], $0x80, $0x38;
	[tilespmem:$0x1AE00] =	vst v63  }
0xc9: {  	s20 =	simm.s32 $0x12930;
	s21 =	sadd.s32 $0x60, s7;
	s18 =	simm.s32 $0x2200  }
0xca: {  	[hbm4b:s21+s3] =	stream.linear.scatter [tilespmem:s20], [sflag:$0x7], $0x80, $0x38;
	[tilespmem:$0x1AE00] =	vst v63  }
0xcb: {  	s16 =	sadd.s32 $0x1000, s7;
	s20 =	simm.s32 $0x129B8;
	s21 =	sadd.s32 $0x70, s7  }
.LBB2_13:
0xcc: {  	[hbm4b:s21+s3] =	stream.linear.scatter [tilespmem:s20], [sflag:$0x7], $0x80, $0x38;
	[tilespmem:$0x1AE00] =	vst v63  }
0xcd: {  	s7 =	smov.u32 s15;
	s15 =	smov.u32 s18  }
0xce: {  	s8 =	sadd.s32 $0x1100, s18;
	s15 =	sshra.s32 s15, $0x2;
	s20 =	sadd.s32 $0x12600, s7  }
0xcf: {  	[hbm4b:s16+s3] =	stream.linear.scatter [tilespmem:s20], [sflag:$0x7], $0x80, $0x38;
	[tilespmem:$0x1AE00] =	vst v63  }
0xd0: {  	p2 =	sne.s32 s18, $0x7700;
	s18 =	sadd.s32 $0x12688, s7;
	s20 =	sadd.s32 $0x10, s16  }
0xd1: {  	[hbm4b:s20+s3] =	stream.linear.scatter [tilespmem:s18], [sflag:$0x7], $0x80, $0x38;
	[tilespmem:$0x1AE00] =	vst v63  }
0xd2: {  	s18 =	sadd.s32 $0x12710, s7;
	s20 =	sadd.s32 $0x20, s16  }
0xd3: {  	[hbm4b:s20+s3] =	stream.linear.scatter [tilespmem:s18], [sflag:$0x7], $0x80, $0x38;
	[tilespmem:$0x1AE00] =	vst v63  }
0xd4: {  	s18 =	sadd.s32 $0x12798, s7;
	s20 =	sadd.s32 $0x30, s16  }
0xd5: {  	[hbm4b:s20+s3] =	stream.linear.scatter [tilespmem:s18], [sflag:$0x7], $0x80, $0x38;
	[tilespmem:$0x1AE00] =	vst v63  }
0xd6: {  	s18 =	sadd.s32 $0x12820, s7;
	s20 =	sadd.s32 $0x40, s16  }
0xd7: {  	[hbm4b:s20+s3] =	stream.linear.scatter [tilespmem:s18], [sflag:$0x7], $0x80, $0x38;
	[tilespmem:$0x1AE00] =	vst v63  }
.Ltmp6:
0xd8: {  	s18 =	sadd.s32 $0x128A8, s7;
	s20 =	sadd.s32 $0x50, s16;
	(pc) =	sbr.rel @p2 .LBB2_13-.Ltmp6, $4  }
0xd9: {  	[hbm4b:s20+s3] =	stream.linear.scatter [tilespmem:s18], [sflag:$0x7], $0x80, $0x38;
	[tilespmem:$0x1AE00] =	vst v63  }
0xda: {  	s21 =	sadd.s32 $0x70, s16;
	s18 =	sadd.s32 $0x12930, s7;
	s20 =	sadd.s32 $0x60, s16  }
0xdb: {  	[hbm4b:s20+s3] =	stream.linear.scatter [tilespmem:s18], [sflag:$0x7], $0x80, $0x38;
	[tilespmem:$0x1AE00] =	vst v63  }
0xdc: {  	s16 =	sadd.s32 $0x1000, s16;
	s20 =	sadd.s32 $0x129B8, s7;
	s18 =	smov.u32 s8  }
0xdd: {  	[hbm4b:s21+s3] =	stream.linear.scatter [tilespmem:s20], [sflag:$0x7], $0x80, $0x38;
	[tilespmem:$0x1AE00] =	vst v63  }
0xde: {  	s7 =	sadd.s32 $0x12600, s15  }
0xdf: {  	[hbm4b:s16+s3] =	stream.linear.scatter [tilespmem:s7], [sflag:$0x7], $0x80, $0x38;
	[tilespmem:$0x1AE00] =	vst v63  }
0xe0: {  	s21 =	sadd.s32 $0x12688, s15;
	s8 =	sadd.s32 $0x10, s16  }
0xe1: {  	[hbm4b:s8+s3] =	stream.linear.scatter [tilespmem:s21], [sflag:$0x7], $0x80, $0x38;
	[tilespmem:$0x1AE00] =	vst v63  }
0xe2: {  	s18 =	sadd.s32 $0x20, s16;
	s8 =	sadd.s32 $0x12710, s15  }
0xe3: {  	[hbm4b:s18+s3] =	stream.linear.scatter [tilespmem:s8], [sflag:$0x7], $0x80, $0x38;
	[tilespmem:$0x1AE00] =	vst v63  }
0xe4: {  	s20 =	sadd.s32 $0x12798, s15;
	s21 =	sadd.s32 $0x30, s16  }
0xe5: {  	[hbm4b:s21+s3] =	stream.linear.scatter [tilespmem:s20], [sflag:$0x7], $0x80, $0x38;
	[tilespmem:$0x1AE00] =	vst v63  }
0xe6: {  	s8 =	sadd.s32 $0x12820, s15;
	s18 =	sadd.s32 $0x40, s16  }
0xe7: {  	[hbm4b:s18+s3] =	stream.linear.scatter [tilespmem:s8], [sflag:$0x7], $0x80, $0x38;
	[tilespmem:$0x1AE00] =	vst v63  }
0xe8: {  	s20 =	sadd.s32 $0x128A8, s15;
	s21 =	sadd.s32 $0x50, s16  }
0xe9: {  	[hbm4b:s21+s3] =	stream.linear.scatter [tilespmem:s20], [sflag:$0x7], $0x80, $0x38;
	[tilespmem:$0x1AE00] =	vst v63  }
.Ltmp7:
0xea: {  	_ = 	snop;
	(pc) =	sbr.rel @p1 .LBB2_16-.Ltmp7, $4  }
0xeb: {  	s8 =	sadd.s32 $0x12930, s15;
	s18 =	sadd.s32 $0x60, s16  }
0xec: {  	[hbm4b:s18+s3] =	stream.linear.scatter [tilespmem:s8], [sflag:$0x7], $0x80, $0x38;
	[tilespmem:$0x1AE00] =	vst v63  }
0xed: {  	s20 =	sadd.s32 $0x129B8, s15;
	s21 =	sadd.s32 $0x70, s16  }
0xee: {  	[hbm4b:s21+s3] =	stream.linear.scatter [tilespmem:s20], [sflag:$0x7], $0x80, $0x38;
	[tilespmem:$0x1AE00] =	vst v63  }
.Ltmp8:
0xef: {  	(pc) =	sbr.rel .LBB2_17-.Ltmp8, $4  }
0xf0: {  	_ = 	snop  }
0xf1: {  	_ =	swait.ge [sflag:s28], $0x2000  }
0xf2: {  	[sflag:s28] =	ssyncset.done $0x0  }
0xf3: {  	[sflag:s28] =	ssyncadd.s32 $0xFFFFE000  }
.LBB2_16:
0xf4: {  	s7 =	sshll.u32 s6, $0x7  }
0xf5: {  	s7 =	sadd.s32 $0x300, s7  }
.Ltmp9:
0xf6: {  	s8 =	simm.s32 $0x8400;
	s7 =	sand.u32 $0x1FF80, s7;
	(pc) =	sbr.rel @p0 .LBB2_18-.Ltmp9, $4  }
0xf7: {  	[tilespmem:s8], [sflag:$0x2] =	stream.indirect.gather [hbm4b:s5+s14], $0x40, s7, s14, $0xb8;
	[tilespmem:$0x1AE00] =	vst v63  }
0xf8: {  	_ =	swait.ge [sflag:s28], $0x2000  }
0xf9: {  	[sflag:s28] =	ssyncset.done $0x0  }
0xfa: {  	[sflag:s28] =	ssyncadd.s32 $0xFFFFE000  }
.LBB2_17:
0xfb: {  	_ =	swait.ge [sflag:s29], $0x2000  }
0xfc: {  	[sflag:s29] =	ssyncset.done $0x0  }
0xfd: {  	[sflag:s29] =	ssyncadd.s32 $0xFFFFE000  }
.LBB2_18:
0xfe: {  	s7 =	simm.s32 $0x0  }
0xff: {  	v4 =	vmov s7  }
0x100: {  	s18 =	simm.s32 $0xA400;
	v8 =	vand.u32 $0x7F, v4  }
0x101: {  	v5 =	vld [tilespmem:s18+$0x0];
	v6 =	vadd.s32 v0, v8;
	_ =	sdelay $0x1  }
0x102: {  	s8 =	simm.s32 $0x1  }
0x103: {  	v4 =	vmov s8  }
0x104: {  	s15 =	simm.s32 $0xA440;
	v4 =	vand.u32 $0x7F, v4  }
0x105: {  	v7 =	vadd.s32 v0, v4;
	[tilespmem:v6+s30+$0x0] =	vst.idx.msk $0xffff, v5;
	v6 =	vld [tilespmem:s15+$0x0]  }
0x106: {  	v10 =	vadd.s32 v1, v8;
	v9 =	vld [tilespmem:s18+$0x10]  }
0x107: {  	s20 =	simm.s32 $0x2  }
0x108: {  	v5 =	vmov s20  }
0x109: {  	s16 =	simm.s32 $0xA480;
	v5 =	vand.u32 $0x7F, v5  }
0x10a: {  	[tilespmem:v7+s30+$0x0] =	vst.idx.msk $0xffff, v6;
	v6 =	vld [tilespmem:s16+$0x0];
	v7 =	vadd.s32 v0, v5  }
0x10b: {  	v11 =	vadd.s32 v1, v4;
	[tilespmem:v10+s30+$0x0] =	vst.idx.msk $0xffff, v9;
	v9 =	vld [tilespmem:s15+$0x10]  }
0x10c: {  	v15 =	vadd.s32 v2, v8;
	v14 =	vld [tilespmem:s18+$0x20]  }
0x10d: {  	s21 =	simm.s32 $0x3  }
0x10e: {  	v12 =	vmov s21  }
0x10f: {  	s20 =	simm.s32 $0xA4C0;
	[tilespmem:v7+s30+$0x0] =	vst.idx.msk $0xffff, v6;
	v6 =	vand.u32 $0x7F, v12  }
0x110: {  	v10 =	vld [tilespmem:s20+$0x0];
	[tilespmem:v11+s30+$0x0] =	vst.idx.msk $0xffff, v9;
	v13 =	vadd.s32 v0, v6  }
0x111: {  	v12 =	vld [tilespmem:s16+$0x10];
	[tilespmem:v15+s30+$0x0] =	vst.idx.msk $0xffff, v14;
	v14 =	vadd.s32 v1, v5  }
0x112: {  	v11 =	vadd.s32 v2, v4;
	v9 =	vld [tilespmem:s15+$0x20]  }
0x113: {  	s21 =	simm.s32 $0x4;
	v8 =	vadd.s32 v3, v8;
	v7 =	vld [tilespmem:s18+$0x30];
	s18 =	simm.s32 $0xA4C0  }
.LBB2_19:
0x114: {  	v15 =	vmov s21;
	p2 =	sne.s32 s21, $0x7F  }
.Ltmp10:
0x115: {  	s20 =	sadd.s32 $0x40, s20;
	v15 =	vand.u32 $0x7F, v15;
	[tilespmem:v13+s30+$0x0] =	vst.idx.msk $0xffff, v10;
	(pc) =	sbr.rel @p2 .LBB2_19-.Ltmp10, $4  }
0x116: {  	v10 =	vld [tilespmem:s20+$0x0];
	v13 =	vadd.s32 v0, v15;
	[tilespmem:v14+s30+$0x0] =	vst.idx.msk $0xffff, v12  }
0x117: {  	s21 =	sadd.s32 $0x1, s21;
	v14 =	vadd.s32 v1, v6;
	v12 =	vld [tilespmem:s18+$0x10];
	[tilespmem:v11+s30+$0x0] =	vst.idx.msk $0xffff, v9  }
0x118: {  	v11 =	vadd.s32 v2, v5;
	v9 =	vld [tilespmem:s16+$0x20];
	[tilespmem:v8+s30+$0x0] =	vst.idx.msk $0xffff, v7  }
0x119: {  	v8 =	vadd.s32 v3, v4;
	v4 =	vmovc v5;
	v5 =	vmov v6;
	v6 =	vmov v15;
	v7 =	vld [tilespmem:s15+$0x30];
	s15 =	smov.u32 s16;
	s16 =	smov.u32 s18;
	s18 =	smov.u32 s20  }
0x11a: {  	_ =	sdelay $0x3  }
0x11b: {  	[tilespmem:v13+s30+$0x0] =	vst.idx.msk $0xffff, v10  }
0x11c: {  	v59 =	vadd.s32 v1, v6;
	v10 =	vld [tilespmem:s18+$0x10];
	_ =	sdelay $0x3  }
0x11d: {  	[tilespmem:v14+s30+$0x0] =	vst.idx.msk $0xffff, v12  }
0x11e: {  	v60 =	vadd.s32 v2, v5;
	v12 =	vld [tilespmem:s16+$0x20];
	[tilespmem:v59+s30+$0x0] =	vst.idx.msk $0xffff, v10  }
0x11f: {  	v61 =	vadd.s32 v2, v6;
	v10 =	vld [tilespmem:s18+$0x20]  }
0x120: {  	[tilespmem:v11+s30+$0x0] =	vst.idx.msk $0xffff, v9  }
0x121: {  	v4 =	vadd.s32 v3, v4;
	v9 =	vld [tilespmem:s15+$0x30];
	_ =	sdelay $0x1  }
0x122: {  	[tilespmem:v60+s30+$0x0] =	vst.idx.msk $0xffff, v12  }
0x123: {  	v5 =	vadd.s32 v3, v5;
	v62 =	vld [tilespmem:s16+$0x30];
	[tilespmem:v61+s30+$0x0] =	vst.idx.msk $0xffff, v10  }
0x124: {  	v63 =	vadd.s32 v3, v6;
	[tilespmem:v8+s30+$0x0] =	vst.idx.msk $0xffff, v7;
	v10 =	vld [tilespmem:s18+$0x30]  }
0x125: {  	[tilespmem:v4+s30+$0x0] =	vst.idx.msk $0xffff, v9  }
0x126: {  	s7 =	rddreg [dreg:$0x6]  }
0x127: {  	s7 =	sadd.s32 s7, s19  }
0x128: {  	[tilespmem:v5+s30+$0x0] =	vst.idx.msk $0xffff, v62;
	s7 =	sshrl.u32 s7, $0x3  }
0x129: {  	s8 =	simm.s32 $0x14800;
	s7 =	sadd.s32 s2, s7;
	[tilespmem:v63+s30+$0x0] =	vst.idx.msk $0xffff, v10  }
0x12a: {  	[hbm4b:s7+s3] =	stream.linear.scatter [tilespmem:s8], [sflag:$0x8], $0x80, $0x38;
	[tilespmem:$0x1AE00] =	vst v63  }
0x12b: {  	s16 =	simm.s32 $0x14888;
	s18 =	sadd.s32 $0x10, s7  }
0x12c: {  	[hbm4b:s18+s3] =	stream.linear.scatter [tilespmem:s16], [sflag:$0x8], $0x80, $0x38;
	[tilespmem:$0x1AE00] =	vst v63  }
0x12d: {  	s20 =	simm.s32 $0x14910;
	s21 =	sadd.s32 $0x20, s7  }
0x12e: {  	[hbm4b:s21+s3] =	stream.linear.scatter [tilespmem:s20], [sflag:$0x8], $0x80, $0x38;
	[tilespmem:$0x1AE00] =	vst v63  }
0x12f: {  	s16 =	simm.s32 $0x14998;
	s18 =	sadd.s32 $0x30, s7  }
0x130: {  	[hbm4b:s18+s3] =	stream.linear.scatter [tilespmem:s16], [sflag:$0x8], $0x80, $0x38;
	[tilespmem:$0x1AE00] =	vst v63  }
0x131: {  	s20 =	simm.s32 $0x14A20;
	s21 =	sadd.s32 $0x40, s7  }
0x132: {  	[hbm4b:s21+s3] =	stream.linear.scatter [tilespmem:s20], [sflag:$0x8], $0x80, $0x38;
	[tilespmem:$0x1AE00] =	vst v63  }
0x133: {  	s15 =	simm.s32 $0x440;
	s16 =	simm.s32 $0x14AA8;
	s18 =	sadd.s32 $0x50, s7  }
0x134: {  	[hbm4b:s18+s3] =	stream.linear.scatter [tilespmem:s16], [sflag:$0x8], $0x80, $0x38;
	[tilespmem:$0x1AE00] =	vst v63  }
0x135: {  	s20 =	simm.s32 $0x14B30;
	s21 =	sadd.s32 $0x60, s7;
	s18 =	simm.s32 $0x2200  }
0x136: {  	[hbm4b:s21+s3] =	stream.linear.scatter [tilespmem:s20], [sflag:$0x8], $0x80, $0x38;
	[tilespmem:$0x1AE00] =	vst v63  }
0x137: {  	s16 =	sadd.s32 $0x1000, s7;
	s20 =	simm.s32 $0x14BB8;
	s21 =	sadd.s32 $0x70, s7  }
.LBB2_21:
0x138: {  	[hbm4b:s21+s3] =	stream.linear.scatter [tilespmem:s20], [sflag:$0x8], $0x80, $0x38;
	[tilespmem:$0x1AE00] =	vst v63  }
0x139: {  	s7 =	smov.u32 s15;
	s8 =	smov.u32 s18  }
0x13a: {  	s15 =	sshra.s32 s8, $0x2;
	s8 =	sadd.s32 $0x1100, s18;
	s20 =	sadd.s32 $0x14800, s7  }
0x13b: {  	[hbm4b:s16+s3] =	stream.linear.scatter [tilespmem:s20], [sflag:$0x8], $0x80, $0x38;
	[tilespmem:$0x1AE00] =	vst v63  }
0x13c: {  	p2 =	sne.s32 s18, $0x7700;
	s18 =	sadd.s32 $0x14888, s7;
	s20 =	sadd.s32 $0x10, s16  }
0x13d: {  	[hbm4b:s20+s3] =	stream.linear.scatter [tilespmem:s18], [sflag:$0x8], $0x80, $0x38;
	[tilespmem:$0x1AE00] =	vst v63  }
0x13e: {  	s18 =	sadd.s32 $0x14910, s7;
	s20 =	sadd.s32 $0x20, s16  }
0x13f: {  	[hbm4b:s20+s3] =	stream.linear.scatter [tilespmem:s18], [sflag:$0x8], $0x80, $0x38;
	[tilespmem:$0x1AE00] =	vst v63  }
0x140: {  	s18 =	sadd.s32 $0x14998, s7;
	s20 =	sadd.s32 $0x30, s16  }
0x141: {  	[hbm4b:s20+s3] =	stream.linear.scatter [tilespmem:s18], [sflag:$0x8], $0x80, $0x38;
	[tilespmem:$0x1AE00] =	vst v63  }
0x142: {  	s18 =	sadd.s32 $0x14A20, s7;
	s20 =	sadd.s32 $0x40, s16  }
0x143: {  	[hbm4b:s20+s3] =	stream.linear.scatter [tilespmem:s18], [sflag:$0x8], $0x80, $0x38;
	[tilespmem:$0x1AE00] =	vst v63  }
.Ltmp11:
0x144: {  	s18 =	sadd.s32 $0x14AA8, s7;
	s20 =	sadd.s32 $0x50, s16;
	(pc) =	sbr.rel @p2 .LBB2_21-.Ltmp11, $4  }
0x145: {  	[hbm4b:s20+s3] =	stream.linear.scatter [tilespmem:s18], [sflag:$0x8], $0x80, $0x38;
	[tilespmem:$0x1AE00] =	vst v63  }
0x146: {  	s21 =	sadd.s32 $0x70, s16;
	s18 =	sadd.s32 $0x14B30, s7;
	s20 =	sadd.s32 $0x60, s16  }
0x147: {  	[hbm4b:s20+s3] =	stream.linear.scatter [tilespmem:s18], [sflag:$0x8], $0x80, $0x38;
	[tilespmem:$0x1AE00] =	vst v63  }
0x148: {  	s16 =	sadd.s32 $0x1000, s16;
	s20 =	sadd.s32 $0x14BB8, s7;
	s18 =	smov.u32 s8  }
0x149: {  	[hbm4b:s21+s3] =	stream.linear.scatter [tilespmem:s20], [sflag:$0x8], $0x80, $0x38;
	[tilespmem:$0x1AE00] =	vst v63  }
0x14a: {  	s7 =	sadd.s32 $0x14800, s15  }
0x14b: {  	[hbm4b:s16+s3] =	stream.linear.scatter [tilespmem:s7], [sflag:$0x8], $0x80, $0x38;
	[tilespmem:$0x1AE00] =	vst v63  }
0x14c: {  	s21 =	sadd.s32 $0x14888, s15;
	s8 =	sadd.s32 $0x10, s16  }
0x14d: {  	[hbm4b:s8+s3] =	stream.linear.scatter [tilespmem:s21], [sflag:$0x8], $0x80, $0x38;
	[tilespmem:$0x1AE00] =	vst v63  }
0x14e: {  	s18 =	sadd.s32 $0x20, s16;
	s8 =	sadd.s32 $0x14910, s15  }
0x14f: {  	[hbm4b:s18+s3] =	stream.linear.scatter [tilespmem:s8], [sflag:$0x8], $0x80, $0x38;
	[tilespmem:$0x1AE00] =	vst v63  }
0x150: {  	s20 =	sadd.s32 $0x14998, s15;
	s21 =	sadd.s32 $0x30, s16  }
0x151: {  	[hbm4b:s21+s3] =	stream.linear.scatter [tilespmem:s20], [sflag:$0x8], $0x80, $0x38;
	[tilespmem:$0x1AE00] =	vst v63  }
0x152: {  	s8 =	sadd.s32 $0x14A20, s15;
	s18 =	sadd.s32 $0x40, s16  }
0x153: {  	[hbm4b:s18+s3] =	stream.linear.scatter [tilespmem:s8], [sflag:$0x8], $0x80, $0x38;
	[tilespmem:$0x1AE00] =	vst v63  }
0x154: {  	s20 =	sadd.s32 $0x14AA8, s15;
	s21 =	sadd.s32 $0x50, s16  }
0x155: {  	[hbm4b:s21+s3] =	stream.linear.scatter [tilespmem:s20], [sflag:$0x8], $0x80, $0x38;
	[tilespmem:$0x1AE00] =	vst v63  }
.Ltmp12:
0x156: {  	_ = 	snop;
	(pc) =	sbr.rel @p1 .LBB2_24-.Ltmp12, $4  }
0x157: {  	s8 =	sadd.s32 $0x14B30, s15;
	s18 =	sadd.s32 $0x60, s16  }
0x158: {  	[hbm4b:s18+s3] =	stream.linear.scatter [tilespmem:s8], [sflag:$0x8], $0x80, $0x38;
	[tilespmem:$0x1AE00] =	vst v63  }
0x159: {  	s20 =	sadd.s32 $0x14BB8, s15;
	s21 =	sadd.s32 $0x70, s16  }
0x15a: {  	[hbm4b:s21+s3] =	stream.linear.scatter [tilespmem:s20], [sflag:$0x8], $0x80, $0x38;
	[tilespmem:$0x1AE00] =	vst v63  }
.Ltmp13:
0x15b: {  	(pc) =	sbr.rel .LBB2_25-.Ltmp13, $4  }
0x15c: {  	_ = 	snop  }
0x15d: {  	_ =	swait.ge [sflag:s31], $0x2000  }
0x15e: {  	[sflag:s31] =	ssyncset.done $0x0  }
0x15f: {  	[sflag:s31] =	ssyncadd.s32 $0xFFFFE000  }
.LBB2_24:
0x160: {  	s6 =	sshll.u32 s6, $0x7  }
0x161: {  	s6 =	sadd.s32 $0x380, s6  }
.Ltmp14:
0x162: {  	s7 =	simm.s32 $0xA400;
	s6 =	sand.u32 $0x1FF80, s6;
	(pc) =	sbr.rel @p0 .LBB2_26-.Ltmp14, $4  }
0x163: {  	[tilespmem:s7], [sflag:$0x3] =	stream.indirect.gather [hbm4b:s5+s14], $0x40, s6, s14, $0xb8;
	[tilespmem:$0x1AE00] =	vst v63  }
0x164: {  	_ =	swait.ge [sflag:s31], $0x2000  }
0x165: {  	[sflag:s31] =	ssyncset.done $0x0  }
0x166: {  	[sflag:s31] =	ssyncadd.s32 $0xFFFFE000  }
.LBB2_25:
0x167: {  	_ =	swait.ge [sflag:s0], $0x2000  }
0x168: {  	[sflag:s0] =	ssyncset.done $0x0  }
0x169: {  	[sflag:s0] =	ssyncadd.s32 $0xFFFFE000  }
.LBB2_26:
0x16a: {  	s6 =	simm.s32 $0x0  }
0x16b: {  	v4 =	vmov s6  }
0x16c: {  	s7 =	simm.s32 $0xC400;
	v8 =	vand.u32 $0x7F, v4  }
0x16d: {  	v5 =	vld [tilespmem:s7+$0x0];
	v6 =	vadd.s32 v0, v8;
	_ =	sdelay $0x1  }
0x16e: {  	s20 =	simm.s32 $0x1  }
0x16f: {  	v4 =	vmov s20  }
0x170: {  	s6 =	simm.s32 $0xC440;
	v4 =	vand.u32 $0x7F, v4  }
0x171: {  	v7 =	vadd.s32 v0, v4;
	[tilespmem:v6+s1+$0x0] =	vst.idx.msk $0xffff, v5;
	v6 =	vld [tilespmem:s6+$0x0]  }
0x172: {  	v10 =	vadd.s32 v1, v8;
	v9 =	vld [tilespmem:s7+$0x10]  }
0x173: {  	s8 =	simm.s32 $0x2  }
0x174: {  	v5 =	vmov s8  }
0x175: {  	s15 =	simm.s32 $0xC480;
	v5 =	vand.u32 $0x7F, v5  }
0x176: {  	[tilespmem:v7+s1+$0x0] =	vst.idx.msk $0xffff, v6;
	v6 =	vld [tilespmem:s15+$0x0];
	v7 =	vadd.s32 v0, v5  }
0x177: {  	v11 =	vadd.s32 v1, v4;
	[tilespmem:v10+s1+$0x0] =	vst.idx.msk $0xffff, v9;
	v9 =	vld [tilespmem:s6+$0x10]  }
0x178: {  	v15 =	vadd.s32 v2, v8;
	v14 =	vld [tilespmem:s7+$0x20]  }
0x179: {  	s21 =	simm.s32 $0x3  }
0x17a: {  	v12 =	vmov s21  }
0x17b: {  	s18 =	simm.s32 $0xC4C0;
	[tilespmem:v7+s1+$0x0] =	vst.idx.msk $0xffff, v6;
	v6 =	vand.u32 $0x7F, v12  }
0x17c: {  	v10 =	vld [tilespmem:s18+$0x0];
	[tilespmem:v11+s1+$0x0] =	vst.idx.msk $0xffff, v9;
	v13 =	vadd.s32 v0, v6  }
0x17d: {  	v12 =	vld [tilespmem:s15+$0x10];
	[tilespmem:v15+s1+$0x0] =	vst.idx.msk $0xffff, v14;
	v14 =	vadd.s32 v1, v5  }
0x17e: {  	v11 =	vadd.s32 v2, v4;
	v9 =	vld [tilespmem:s6+$0x20]  }
0x17f: {  	s16 =	simm.s32 $0xC4C0;
	s20 =	simm.s32 $0x4;
	v8 =	vadd.s32 v3, v8;
	v7 =	vld [tilespmem:s7+$0x30]  }
.LBB2_27:
0x180: {  	v15 =	vmov s20;
	p2 =	sne.s32 s20, $0x7F  }
.Ltmp15:
0x181: {  	s18 =	sadd.s32 $0x40, s18;
	v15 =	vand.u32 $0x7F, v15;
	[tilespmem:v13+s1+$0x0] =	vst.idx.msk $0xffff, v10;
	(pc) =	sbr.rel @p2 .LBB2_27-.Ltmp15, $4  }
0x182: {  	v10 =	vld [tilespmem:s18+$0x0];
	v13 =	vadd.s32 v0, v15;
	[tilespmem:v14+s1+$0x0] =	vst.idx.msk $0xffff, v12  }
0x183: {  	s20 =	sadd.s32 $0x1, s20;
	v14 =	vadd.s32 v1, v6;
	v12 =	vld [tilespmem:s16+$0x10];
	[tilespmem:v11+s1+$0x0] =	vst.idx.msk $0xffff, v9  }
0x184: {  	v11 =	vadd.s32 v2, v5;
	v9 =	vld [tilespmem:s15+$0x20];
	[tilespmem:v8+s1+$0x0] =	vst.idx.msk $0xffff, v7  }
0x185: {  	v8 =	vadd.s32 v3, v4;
	v4 =	vmovc v5;
	v5 =	vmov v6;
	v6 =	vmov v15;
	v7 =	vld [tilespmem:s6+$0x30];
	s6 =	smov.u32 s15;
	s15 =	smov.u32 s16;
	s16 =	smov.u32 s18  }
0x186: {  	_ =	sdelay $0x3  }
0x187: {  	[tilespmem:v13+s1+$0x0] =	vst.idx.msk $0xffff, v10  }
0x188: {  	v59 =	vadd.s32 v1, v6;
	v10 =	vld [tilespmem:s16+$0x10];
	_ =	sdelay $0x3  }
0x189: {  	[tilespmem:v14+s1+$0x0] =	vst.idx.msk $0xffff, v12  }
0x18a: {  	v60 =	vadd.s32 v2, v5;
	v12 =	vld [tilespmem:s15+$0x20];
	[tilespmem:v59+s1+$0x0] =	vst.idx.msk $0xffff, v10  }
0x18b: {  	v61 =	vadd.s32 v2, v6;
	v10 =	vld [tilespmem:s16+$0x20];
	_ =	sdelay $0x2  }
0x18c: {  	[tilespmem:v11+s1+$0x0] =	vst.idx.msk $0xffff, v9  }
0x18d: {  	v4 =	vadd.s32 v3, v4;
	v9 =	vld [tilespmem:s6+$0x30];
	[tilespmem:v60+s1+$0x0] =	vst.idx.msk $0xffff, v12  }
0x18e: {  	v5 =	vadd.s32 v3, v5;
	v62 =	vld [tilespmem:s15+$0x30];
	[tilespmem:v61+s1+$0x0] =	vst.idx.msk $0xffff, v10  }
0x18f: {  	v63 =	vadd.s32 v3, v6;
	v10 =	vld [tilespmem:s16+$0x30];
	_ =	sdelay $0x1  }
0x190: {  	[tilespmem:v8+s1+$0x0] =	vst.idx.msk $0xffff, v7  }
0x191: {  	s8 =	sadd.s32 s9, s19;
	[tilespmem:v4+s1+$0x0] =	vst.idx.msk $0xffff, v9  }
0x192: {  	s6 =	sshrl.u32 s8, $0x3;
	[tilespmem:v5+s1+$0x0] =	vst.idx.msk $0xffff, v62  }
0x193: {  	s7 =	sadd.s32 s2, s6;
	s15 =	simm.s32 $0x16A00;
	[tilespmem:v63+s1+$0x0] =	vst.idx.msk $0xffff, v10  }
0x194: {  	[hbm4b:s7+s3] =	stream.linear.scatter [tilespmem:s15], [sflag:$0x9], $0x80, $0x38;
	[tilespmem:$0x1AE00] =	vst v63  }
0x195: {  	s8 =	sadd.s32 $0x10, s7;
	s16 =	simm.s32 $0x16A88  }
0x196: {  	[hbm4b:s8+s3] =	stream.linear.scatter [tilespmem:s16], [sflag:$0x9], $0x80, $0x38;
	[tilespmem:$0x1AE00] =	vst v63  }
0x197: {  	s18 =	simm.s32 $0x16B10;
	s20 =	simm.s32 $0x16B98;
	s19 =	sadd.s32 $0x20, s7  }
0x198: {  	[hbm4b:s19+s3] =	stream.linear.scatter [tilespmem:s18], [sflag:$0x9], $0x80, $0x38;
	[tilespmem:$0x1AE00] =	vst v63  }
0x199: {  	s6 =	simm.s32 $0x440;
	s21 =	sadd.s32 $0x30, s7;
	s15 =	simm.s32 $0x16C20  }
0x19a: {  	[hbm4b:s21+s3] =	stream.linear.scatter [tilespmem:s20], [sflag:$0x9], $0x80, $0x38;
	[tilespmem:$0x1AE00] =	vst v63  }
0x19b: {  	s16 =	sadd.s32 $0x40, s7;
	s18 =	simm.s32 $0x16CA8;
	s19 =	sadd.s32 $0x50, s7  }
0x19c: {  	[hbm4b:s16+s3] =	stream.linear.scatter [tilespmem:s15], [sflag:$0x9], $0x80, $0x38;
	[tilespmem:$0x1AE00] =	vst v63  }
0x19d: {  	s20 =	simm.s32 $0x16D30;
	s21 =	sadd.s32 $0x60, s7;
	s16 =	simm.s32 $0x2200  }
0x19e: {  	[hbm4b:s19+s3] =	stream.linear.scatter [tilespmem:s18], [sflag:$0x9], $0x80, $0x38;
	[tilespmem:$0x1AE00] =	vst v63  }
0x19f: {  	s15 =	sadd.s32 $0x1000, s7;
	s18 =	simm.s32 $0x16DB8;
	s19 =	sadd.s32 $0x70, s7  }
0x1a0: {  	[hbm4b:s21+s3] =	stream.linear.scatter [tilespmem:s20], [sflag:$0x9], $0x80, $0x38;
	[tilespmem:$0x1AE00] =	vst v63  }
.LBB2_29:
0x1a1: {  	[hbm4b:s19+s3] =	stream.linear.scatter [tilespmem:s18], [sflag:$0x9], $0x80, $0x38;
	[tilespmem:$0x1AE00] =	vst v63  }
0x1a2: {  	s7 =	smov.u32 s6;
	s6 =	smov.u32 s16  }
0x1a3: {  	s8 =	sadd.s32 $0x1100, s16;
	s6 =	sshra.s32 s6, $0x2;
	s18 =	sadd.s32 $0x16A00, s7  }
0x1a4: {  	[hbm4b:s15+s3] =	stream.linear.scatter [tilespmem:s18], [sflag:$0x9], $0x80, $0x38;
	[tilespmem:$0x1AE00] =	vst v63  }
0x1a5: {  	p2 =	sne.s32 s16, $0x7700;
	s16 =	sadd.s32 $0x16A88, s7;
	s18 =	sadd.s32 $0x10, s15  }
0x1a6: {  	[hbm4b:s18+s3] =	stream.linear.scatter [tilespmem:s16], [sflag:$0x9], $0x80, $0x38;
	[tilespmem:$0x1AE00] =	vst v63  }
0x1a7: {  	s16 =	sadd.s32 $0x16B10, s7;
	s18 =	sadd.s32 $0x20, s15  }
0x1a8: {  	[hbm4b:s18+s3] =	stream.linear.scatter [tilespmem:s16], [sflag:$0x9], $0x80, $0x38;
	[tilespmem:$0x1AE00] =	vst v63  }
0x1a9: {  	s16 =	sadd.s32 $0x16B98, s7;
	s18 =	sadd.s32 $0x30, s15  }
0x1aa: {  	[hbm4b:s18+s3] =	stream.linear.scatter [tilespmem:s16], [sflag:$0x9], $0x80, $0x38;
	[tilespmem:$0x1AE00] =	vst v63  }
0x1ab: {  	s16 =	sadd.s32 $0x16C20, s7;
	s18 =	sadd.s32 $0x40, s15  }
0x1ac: {  	[hbm4b:s18+s3] =	stream.linear.scatter [tilespmem:s16], [sflag:$0x9], $0x80, $0x38;
	[tilespmem:$0x1AE00] =	vst v63  }
.Ltmp16:
0x1ad: {  	s16 =	sadd.s32 $0x16CA8, s7;
	s18 =	sadd.s32 $0x50, s15;
	(pc) =	sbr.rel @p2 .LBB2_29-.Ltmp16, $4  }
0x1ae: {  	[hbm4b:s18+s3] =	stream.linear.scatter [tilespmem:s16], [sflag:$0x9], $0x80, $0x38;
	[tilespmem:$0x1AE00] =	vst v63  }
0x1af: {  	s19 =	sadd.s32 $0x70, s15;
	s16 =	sadd.s32 $0x16D30, s7;
	s18 =	sadd.s32 $0x60, s15  }
0x1b0: {  	[hbm4b:s18+s3] =	stream.linear.scatter [tilespmem:s16], [sflag:$0x9], $0x80, $0x38;
	[tilespmem:$0x1AE00] =	vst v63  }
0x1b1: {  	s15 =	sadd.s32 $0x1000, s15;
	s18 =	sadd.s32 $0x16DB8, s7;
	s16 =	smov.u32 s8  }
0x1b2: {  	[hbm4b:s19+s3] =	stream.linear.scatter [tilespmem:s18], [sflag:$0x9], $0x80, $0x38;
	[tilespmem:$0x1AE00] =	vst v63  }
0x1b3: {  	s7 =	sadd.s32 $0x16A00, s6  }
0x1b4: {  	[hbm4b:s15+s3] =	stream.linear.scatter [tilespmem:s7], [sflag:$0x9], $0x80, $0x38;
	[tilespmem:$0x1AE00] =	vst v63  }
0x1b5: {  	s21 =	sadd.s32 $0x16A88, s6;
	s8 =	sadd.s32 $0x10, s15  }
0x1b6: {  	[hbm4b:s8+s3] =	stream.linear.scatter [tilespmem:s21], [sflag:$0x9], $0x80, $0x38;
	[tilespmem:$0x1AE00] =	vst v63  }
0x1b7: {  	s16 =	sadd.s32 $0x20, s15;
	s8 =	sadd.s32 $0x16B10, s6  }
0x1b8: {  	[hbm4b:s16+s3] =	stream.linear.scatter [tilespmem:s8], [sflag:$0x9], $0x80, $0x38;
	[tilespmem:$0x1AE00] =	vst v63  }
0x1b9: {  	s18 =	sadd.s32 $0x16B98, s6;
	s19 =	sadd.s32 $0x30, s15  }
0x1ba: {  	[hbm4b:s19+s3] =	stream.linear.scatter [tilespmem:s18], [sflag:$0x9], $0x80, $0x38;
	[tilespmem:$0x1AE00] =	vst v63  }
0x1bb: {  	s20 =	sadd.s32 $0x16C20, s6;
	s21 =	sadd.s32 $0x40, s15  }
0x1bc: {  	[hbm4b:s21+s3] =	stream.linear.scatter [tilespmem:s20], [sflag:$0x9], $0x80, $0x38;
	[tilespmem:$0x1AE00] =	vst v63  }
0x1bd: {  	s8 =	sadd.s32 $0x16CA8, s6;
	s16 =	sadd.s32 $0x50, s15  }
0x1be: {  	[hbm4b:s16+s3] =	stream.linear.scatter [tilespmem:s8], [sflag:$0x9], $0x80, $0x38;
	[tilespmem:$0x1AE00] =	vst v63  }
.Ltmp17:
0x1bf: {  	_ = 	snop;
	(pc) =	sbr.rel @p1 .LBB2_32-.Ltmp17, $4  }
0x1c0: {  	s18 =	sadd.s32 $0x16D30, s6;
	s19 =	sadd.s32 $0x60, s15  }
0x1c1: {  	[hbm4b:s19+s3] =	stream.linear.scatter [tilespmem:s18], [sflag:$0x9], $0x80, $0x38;
	[tilespmem:$0x1AE00] =	vst v63  }
0x1c2: {  	s20 =	sadd.s32 $0x16DB8, s6;
	s21 =	sadd.s32 $0x70, s15  }
0x1c3: {  	[hbm4b:s21+s3] =	stream.linear.scatter [tilespmem:s20], [sflag:$0x9], $0x80, $0x38;
	[tilespmem:$0x1AE00] =	vst v63  }
.Ltmp18:
0x1c4: {  	(pc) =	sbr.rel .LBB2_33-.Ltmp18, $4  }
0x1c5: {  	_ = 	snop  }
0x1c6: {  	_ =	swait.ge [sflag:s11], $0x2000  }
0x1c7: {  	[sflag:s11] =	ssyncset.done $0x0  }
0x1c8: {  	[sflag:s11] =	ssyncadd.s32 $0xFFFFE000  }
.LBB2_32:
0x1c9: {  	s6 =	smul.u32 $0xA00, s10;
	_ =	sdelay $0x1  }
0x1ca: {  	s7 =	smul.u32 $0x280, s10;
	s6 =	sadd.s32 $0x1000, s6  }
0x1cb: {  	s6 =	sand.u32 $0x7F000, s6  }
0x1cc: {  	s7 =	sand.u32 $0x380, s7;
	s6 =	sshrl.u32 s6, $0x2  }
.Ltmp19:
0x1cd: {  	s21 =	simm.s32 $0xC400;
	s6 =	sor.u32 s7, s6;
	(pc) =	sbr.rel @p0 .LBB2_34-.Ltmp19, $4  }
0x1ce: {  	[tilespmem:s21], [sflag:$0x4] =	stream.indirect.gather [hbm4b:s5+s14], $0x40, s6, s14, $0xb8;
	[tilespmem:$0x1AE00] =	vst v63  }
0x1cf: {  	_ =	swait.ge [sflag:s11], $0x2000  }
0x1d0: {  	[sflag:s11] =	ssyncset.done $0x0  }
0x1d1: {  	[sflag:s11] =	ssyncadd.s32 $0xFFFFE000  }
.LBB2_33:
0x1d2: {  	_ =	swait.ge [sflag:s12], $0x2000  }
0x1d3: {  	[sflag:s12] =	ssyncset.done $0x0  }
0x1d4: {  	[sflag:s12] =	ssyncadd.s32 $0xFFFFE000  }
.LBB2_34:
0x1d5: {  	s6 =	simm.s32 $0x0  }
0x1d6: {  	v4 =	vmov s6  }
0x1d7: {  	s7 =	simm.s32 $0xE400;
	v8 =	vand.u32 $0x7F, v4  }
0x1d8: {  	v5 =	vld [tilespmem:s7+$0x0];
	v6 =	vadd.s32 v0, v8;
	_ =	sdelay $0x1  }
0x1d9: {  	s20 =	simm.s32 $0x1  }
0x1da: {  	v4 =	vmov s20  }
0x1db: {  	s6 =	simm.s32 $0xE440;
	v4 =	vand.u32 $0x7F, v4  }
0x1dc: {  	v7 =	vadd.s32 v0, v4;
	[tilespmem:v6+s17+$0x0] =	vst.idx.msk $0xffff, v5;
	v6 =	vld [tilespmem:s6+$0x0]  }
0x1dd: {  	v10 =	vadd.s32 v1, v8;
	v9 =	vld [tilespmem:s7+$0x10]  }
0x1de: {  	s8 =	simm.s32 $0x2  }
0x1df: {  	v5 =	vmov s8  }
0x1e0: {  	s15 =	simm.s32 $0xE480;
	v5 =	vand.u32 $0x7F, v5  }
0x1e1: {  	[tilespmem:v7+s17+$0x0] =	vst.idx.msk $0xffff, v6;
	v6 =	vld [tilespmem:s15+$0x0];
	v7 =	vadd.s32 v0, v5  }
0x1e2: {  	v11 =	vadd.s32 v1, v4;
	[tilespmem:v10+s17+$0x0] =	vst.idx.msk $0xffff, v9;
	v9 =	vld [tilespmem:s6+$0x10]  }
0x1e3: {  	v15 =	vadd.s32 v2, v8;
	v14 =	vld [tilespmem:s7+$0x20]  }
0x1e4: {  	s21 =	simm.s32 $0x3  }
0x1e5: {  	v12 =	vmov s21  }
0x1e6: {  	s18 =	simm.s32 $0xE4C0;
	[tilespmem:v7+s17+$0x0] =	vst.idx.msk $0xffff, v6;
	v6 =	vand.u32 $0x7F, v12  }
0x1e7: {  	v10 =	vld [tilespmem:s18+$0x0];
	[tilespmem:v11+s17+$0x0] =	vst.idx.msk $0xffff, v9;
	v13 =	vadd.s32 v0, v6  }
0x1e8: {  	v12 =	vld [tilespmem:s15+$0x10];
	[tilespmem:v15+s17+$0x0] =	vst.idx.msk $0xffff, v14;
	v14 =	vadd.s32 v1, v5  }
0x1e9: {  	v11 =	vadd.s32 v2, v4;
	v9 =	vld [tilespmem:s6+$0x20]  }
0x1ea: {  	s19 =	simm.s32 $0x4;
	s16 =	simm.s32 $0xE4C0;
	v8 =	vadd.s32 v3, v8;
	v7 =	vld [tilespmem:s7+$0x30]  }
.LBB2_35:
0x1eb: {  	v15 =	vmov s19;
	p0 =	sne.s32 s19, $0x7F  }
.Ltmp20:
0x1ec: {  	s18 =	sadd.s32 $0x40, s18;
	v15 =	vand.u32 $0x7F, v15;
	[tilespmem:v13+s17+$0x0] =	vst.idx.msk $0xffff, v10;
	(pc) =	sbr.rel @p0 .LBB2_35-.Ltmp20, $4  }
0x1ed: {  	v10 =	vld [tilespmem:s18+$0x0];
	v13 =	vadd.s32 v0, v15;
	[tilespmem:v14+s17+$0x0] =	vst.idx.msk $0xffff, v12  }
0x1ee: {  	s19 =	sadd.s32 $0x1, s19;
	v14 =	vadd.s32 v1, v6;
	v12 =	vld [tilespmem:s16+$0x10];
	[tilespmem:v11+s17+$0x0] =	vst.idx.msk $0xffff, v9  }
0x1ef: {  	v11 =	vadd.s32 v2, v5;
	v9 =	vld [tilespmem:s15+$0x20];
	[tilespmem:v8+s17+$0x0] =	vst.idx.msk $0xffff, v7  }
0x1f0: {  	v8 =	vadd.s32 v3, v4;
	v4 =	vmovc v5;
	v5 =	vmov v6;
	v6 =	vmov v15;
	v7 =	vld [tilespmem:s6+$0x30];
	s6 =	smov.u32 s15;
	s15 =	smov.u32 s16;
	s16 =	smov.u32 s18  }
0x1f1: {  	_ =	sdelay $0x3  }
0x1f2: {  	[tilespmem:v13+s17+$0x0] =	vst.idx.msk $0xffff, v10  }
0x1f3: {  	v59 =	vadd.s32 v1, v6;
	v10 =	vld [tilespmem:s16+$0x10];
	_ =	sdelay $0x3  }
0x1f4: {  	[tilespmem:v14+s17+$0x0] =	vst.idx.msk $0xffff, v12  }
0x1f5: {  	v60 =	vadd.s32 v2, v5;
	v12 =	vld [tilespmem:s15+$0x20];
	[tilespmem:v59+s17+$0x0] =	vst.idx.msk $0xffff, v10  }
0x1f6: {  	v61 =	vadd.s32 v2, v6;
	v10 =	vld [tilespmem:s16+$0x20];
	_ =	sdelay $0x2  }
0x1f7: {  	[tilespmem:v11+s17+$0x0] =	vst.idx.msk $0xffff, v9  }
0x1f8: {  	v4 =	vadd.s32 v3, v4;
	v9 =	vld [tilespmem:s6+$0x30];
	[tilespmem:v60+s17+$0x0] =	vst.idx.msk $0xffff, v12  }
0x1f9: {  	v5 =	vadd.s32 v3, v5;
	v62 =	vld [tilespmem:s15+$0x30];
	[tilespmem:v61+s17+$0x0] =	vst.idx.msk $0xffff, v10  }
0x1fa: {  	v63 =	vadd.s32 v3, v6;
	v10 =	vld [tilespmem:s16+$0x30];
	_ =	sdelay $0x1  }
0x1fb: {  	[tilespmem:v8+s17+$0x0] =	vst.idx.msk $0xffff, v7;
	s16 =	sshll.u32 s13, $0x12  }
0x1fc: {  	[tilespmem:v4+s17+$0x0] =	vst.idx.msk $0xffff, v9;
	s6 =	sor.u32 s4, s16  }
0x1fd: {  	[tilespmem:v5+s17+$0x0] =	vst.idx.msk $0xffff, v62;
	s6 =	sshrl.u32 s6, $0x3  }
0x1fe: {  	s18 =	simm.s32 $0x18C00;
	s7 =	sadd.s32 s2, s6;
	[tilespmem:v63+s17+$0x0] =	vst.idx.msk $0xffff, v10  }
0x1ff: {  	[hbm4b:s7+s3] =	stream.linear.scatter [tilespmem:s18], [sflag:$0xA], $0x80, $0x38;
	[tilespmem:$0x1AE00] =	vst v63  }
0x200: {  	s19 =	simm.s32 $0x18C88;
	s8 =	sadd.s32 $0x10, s7  }
0x201: {  	[hbm4b:s8+s3] =	stream.linear.scatter [tilespmem:s19], [sflag:$0xA], $0x80, $0x38;
	[tilespmem:$0x1AE00] =	vst v63  }
0x202: {  	s20 =	simm.s32 $0x18D10;
	s15 =	simm.s32 $0x18E20;
	s21 =	sadd.s32 $0x20, s7  }
0x203: {  	[hbm4b:s21+s3] =	stream.linear.scatter [tilespmem:s20], [sflag:$0xA], $0x80, $0x38;
	[tilespmem:$0x1AE00] =	vst v63  }
0x204: {  	s6 =	simm.s32 $0x440;
	s13 =	sadd.s32 $0x30, s7;
	s8 =	simm.s32 $0x18D98  }
0x205: {  	[hbm4b:s13+s3] =	stream.linear.scatter [tilespmem:s8], [sflag:$0xA], $0x80, $0x38;
	[tilespmem:$0x1AE00] =	vst v63  }
0x206: {  	s16 =	sadd.s32 $0x40, s7;
	s18 =	simm.s32 $0x18EA8;
	s19 =	sadd.s32 $0x50, s7  }
0x207: {  	[hbm4b:s16+s3] =	stream.linear.scatter [tilespmem:s15], [sflag:$0xA], $0x80, $0x38;
	[tilespmem:$0x1AE00] =	vst v63  }
0x208: {  	s20 =	simm.s32 $0x18F30;
	s21 =	sadd.s32 $0x60, s7;
	s13 =	sadd.s32 $0x1000, s7  }
0x209: {  	[hbm4b:s19+s3] =	stream.linear.scatter [tilespmem:s18], [sflag:$0xA], $0x80, $0x38;
	[tilespmem:$0x1AE00] =	vst v63  }
0x20a: {  	s15 =	simm.s32 $0x2200;
	s16 =	simm.s32 $0x18FB8;
	s18 =	sadd.s32 $0x70, s7  }
0x20b: {  	[hbm4b:s21+s3] =	stream.linear.scatter [tilespmem:s20], [sflag:$0xA], $0x80, $0x38;
	[tilespmem:$0x1AE00] =	vst v63  }
.LBB2_37:
0x20c: {  	[hbm4b:s18+s3] =	stream.linear.scatter [tilespmem:s16], [sflag:$0xA], $0x80, $0x38;
	[tilespmem:$0x1AE00] =	vst v63  }
0x20d: {  	s7 =	smov.u32 s6;
	s6 =	smov.u32 s15  }
0x20e: {  	s8 =	sadd.s32 $0x1100, s15;
	s6 =	sshra.s32 s6, $0x2;
	s16 =	sadd.s32 $0x18C00, s7  }
0x20f: {  	[hbm4b:s13+s3] =	stream.linear.scatter [tilespmem:s16], [sflag:$0xA], $0x80, $0x38;
	[tilespmem:$0x1AE00] =	vst v63  }
0x210: {  	p0 =	sne.s32 s15, $0x7700;
	s15 =	sadd.s32 $0x18C88, s7;
	s16 =	sadd.s32 $0x10, s13  }
0x211: {  	[hbm4b:s16+s3] =	stream.linear.scatter [tilespmem:s15], [sflag:$0xA], $0x80, $0x38;
	[tilespmem:$0x1AE00] =	vst v63  }
0x212: {  	s15 =	sadd.s32 $0x18D10, s7;
	s16 =	sadd.s32 $0x20, s13  }
0x213: {  	[hbm4b:s16+s3] =	stream.linear.scatter [tilespmem:s15], [sflag:$0xA], $0x80, $0x38;
	[tilespmem:$0x1AE00] =	vst v63  }
0x214: {  	s15 =	sadd.s32 $0x18D98, s7;
	s16 =	sadd.s32 $0x30, s13  }
0x215: {  	[hbm4b:s16+s3] =	stream.linear.scatter [tilespmem:s15], [sflag:$0xA], $0x80, $0x38;
	[tilespmem:$0x1AE00] =	vst v63  }
0x216: {  	s15 =	sadd.s32 $0x18E20, s7;
	s16 =	sadd.s32 $0x40, s13  }
0x217: {  	[hbm4b:s16+s3] =	stream.linear.scatter [tilespmem:s15], [sflag:$0xA], $0x80, $0x38;
	[tilespmem:$0x1AE00] =	vst v63  }
.Ltmp21:
0x218: {  	s15 =	sadd.s32 $0x18EA8, s7;
	s16 =	sadd.s32 $0x50, s13;
	(pc) =	sbr.rel @p0 .LBB2_37-.Ltmp21, $4  }
0x219: {  	[hbm4b:s16+s3] =	stream.linear.scatter [tilespmem:s15], [sflag:$0xA], $0x80, $0x38;
	[tilespmem:$0x1AE00] =	vst v63  }
0x21a: {  	s18 =	sadd.s32 $0x70, s13;
	s15 =	sadd.s32 $0x18F30, s7;
	s16 =	sadd.s32 $0x60, s13  }
0x21b: {  	[hbm4b:s16+s3] =	stream.linear.scatter [tilespmem:s15], [sflag:$0xA], $0x80, $0x38;
	[tilespmem:$0x1AE00] =	vst v63  }
0x21c: {  	s13 =	sadd.s32 $0x1000, s13;
	s16 =	sadd.s32 $0x18FB8, s7;
	s15 =	smov.u32 s8  }
0x21d: {  	[hbm4b:s18+s3] =	stream.linear.scatter [tilespmem:s16], [sflag:$0xA], $0x80, $0x38;
	[tilespmem:$0x1AE00] =	vst v63  }
0x21e: {  	s7 =	sadd.s32 $0x18C00, s6  }
0x21f: {  	[hbm4b:s13+s3] =	stream.linear.scatter [tilespmem:s7], [sflag:$0xA], $0x80, $0x38;
	[tilespmem:$0x1AE00] =	vst v63  }
0x220: {  	s21 =	sadd.s32 $0x18C88, s6;
	s8 =	sadd.s32 $0x10, s13  }
0x221: {  	[hbm4b:s8+s3] =	stream.linear.scatter [tilespmem:s21], [sflag:$0xA], $0x80, $0x38;
	[tilespmem:$0x1AE00] =	vst v63  }
0x222: {  	s15 =	sadd.s32 $0x18D10, s6;
	s16 =	sadd.s32 $0x20, s13  }
0x223: {  	[hbm4b:s16+s3] =	stream.linear.scatter [tilespmem:s15], [sflag:$0xA], $0x80, $0x38;
	[tilespmem:$0x1AE00] =	vst v63  }
0x224: {  	s18 =	sadd.s32 $0x18D98, s6;
	s19 =	sadd.s32 $0x30, s13  }
0x225: {  	[hbm4b:s19+s3] =	stream.linear.scatter [tilespmem:s18], [sflag:$0xA], $0x80, $0x38;
	[tilespmem:$0x1AE00] =	vst v63  }
0x226: {  	s20 =	sadd.s32 $0x18E20, s6;
	s10 =	sadd.s32 $0x1, s10;
	s21 =	sadd.s32 $0x40, s13  }
0x227: {  	[hbm4b:s21+s3] =	stream.linear.scatter [tilespmem:s20], [sflag:$0xA], $0x80, $0x38;
	[tilespmem:$0x1AE00] =	vst v63  }
0x228: {  	p0 =	sne.s32 s10, $0x28;
	s15 =	sadd.s32 $0x18EA8, s6;
	s16 =	sadd.s32 $0x50, s13  }
0x229: {  	[hbm4b:s16+s3] =	stream.linear.scatter [tilespmem:s15], [sflag:$0xA], $0x80, $0x38;
	[tilespmem:$0x1AE00] =	vst v63  }
.Ltmp22:
0x22a: {  	_ = 	snop;
	(pc) =	sbr.rel @p0 .LBB2_2-.Ltmp22, $4  }
0x22b: {  	s18 =	sadd.s32 $0x18F30, s6;
	s19 =	sadd.s32 $0x60, s13  }
0x22c: {  	[hbm4b:s19+s3] =	stream.linear.scatter [tilespmem:s18], [sflag:$0xA], $0x80, $0x38;
	[tilespmem:$0x1AE00] =	vst v63  }
0x22d: {  	s20 =	sadd.s32 $0x18FB8, s6;
	s21 =	sadd.s32 $0x70, s13  }
0x22e: {  	[hbm4b:s21+s3] =	stream.linear.scatter [tilespmem:s20], [sflag:$0xA], $0x80, $0x38;
	[tilespmem:$0x1AE00] =	vst v63  }
0x22f: {  	s6 =	simm.s32 $0x6  }
0x230: {  	_ =	swait.ge [sflag:s6], $0x2000  }
0x231: {  	[sflag:s6] =	ssyncset.done $0x0  }
0x232: {  	[sflag:s6] =	ssyncadd.s32 $0xFFFFE000  }
0x233: {  	_ =	swait.ge [sflag:s25], $0x2000  }
0x234: {  	[sflag:s25] =	ssyncset.done $0x0  }
0x235: {  	[sflag:s25] =	ssyncadd.s32 $0xFFFFE000  }
0x236: {  	_ =	swait.ge [sflag:s29], $0x2000  }
0x237: {  	[sflag:s29] =	ssyncset.done $0x0  }
0x238: {  	[sflag:s29] =	ssyncadd.s32 $0xFFFFE000  }
0x239: {  	_ =	swait.ge [sflag:s0], $0x2000  }
0x23a: {  	[sflag:s0] =	ssyncset.done $0x0  }
0x23b: {  	[sflag:s0] =	ssyncadd.s32 $0xFFFFE000  }
0x23c: {  	_ =	swait.ge [sflag:s12], $0x2000  }
0x23d: {  	s7 =	rddreg [dreg:$0x8]  }
0x23e: {  	s21 =	rddreg [dreg:$0x7];
	s7 =	sadd.s32 $0x1, s7  }
0x23f: {  	p0 =	sne.s32 s7, s21  }
.Ltmp23:
0x240: {  	_ = 	snop;
	(pc) =	sbr.rel @p0 .LBB2_1-.Ltmp23, $3  }
0x241: {  	_ =	sdelay $0x1  }
0x242: {  	[sflag:s12] =	ssyncset.done $0x0  }
0x243: {  	[sflag:s12] =	ssyncadd.s32 $0xFFFFE000  }
0x244: {  	_ =	sfence.sel $0x180000  }
0x245: {  	[bflag:$0x0] =	sbarrier.arrive $0xFFFF  }
0x246: {  	_ =	strace $0x90000047  }
0x247: {  	s0 =	stileid.u32;
	[bflag:$0x2] =	sbarrier.arrive $0xFFFF  }
0x248: {  	p0 =	sne.s32 s0, $0x0;
	s0 =	rddreg [dreg:$0x3]  }
0x249: {  	s0 =	sadd.s32 @!p0 $0x100000, s0  }
0x24a: {  	[sflag:s0] =	ssyncadd.tile.s32 @!p0 $0x1;
	_ =	shalt  }
.Lfunc_end2:
_tile_overlayer_lowered:
.L_overlay_start_2:
0x24b: {  	(tag) =	ssettag $0x2  }
0x24c: {  	s0 =	rddreg [dreg:$0x0];
	s2 =	stileid.u32  }
0x24d: {  	s1 =	rddreg [dreg:$0x1];
	p0 =	sne.s32 s2, $0x0  }
0x24e: {  	s3 =	rddreg [dreg:$0x2];
	[bflag:$0x3] =	sbarrier.arrive $0xFFFF;
	s2 =	simm.s32 @!p0 $0x1C0B  }
0x24f: {  	[timem:s3], [sflag:s2] =	dma.local @!p0 [hbm:s0], s1  }
0x250: {  	s0 =	simm.s32 @!p0 $0xB  }
0x251: {  	_ =	swait.ge @!p0 [sflag:s0], s1  }
0x252: {  	s1 =	ssub.s32 @!p0 $0x0, s1;
	[sflag:s0] =	ssyncset.done @!p0 $0x0  }
0x253: {  	[sflag:s0] =	ssyncadd.s32 @!p0 s1  }
0x254: {  	[bflag:$0x3] =	sbarrier.arrive $0xFFFF  }
0x255: {  	_ =	shalt  }

</sc_bundles>
